<compile_context>
chip_gen: v7x
topology: tpu7x:2x2x1
jax: 0.10.2.dev20260603
libtpu: 0.0.44.dev20260713+nightly
codegen_flags: <defaults>
</compile_context>

<pallas_src>
import functools

import jax
import jax.numpy as jnp
from jax import lax
from jax.experimental import pallas as pl
from jax.experimental.pallas import tpu as pltpu
from jax.experimental.pallas import tpu_sc as plsc

N_NODES = 10000
N_EDGES = 160000
TWO_E = 2 * N_EDGES
D_FEAT = 256
HALF = 8
ROW_W = 16
LANES = 16

NUM_CORES = 2
NUM_SUBCORES = 16
NUM_WORKERS = NUM_CORES * NUM_SUBCORES
BLK = 125
GRP = 8

CT = N_EDGES // 128
CT_BASE = CT // NUM_WORKERS
CT_MAX = CT_BASE + 1

BPW_B = TWO_E // (NUM_WORKERS * BLK)
NBLK_B = TWO_E // BLK
NGRP_B = BPW_B // GRP

NP = N_NODES
RPT = NP // NUM_SUBCORES


def _worker_id():
    return lax.axis_index("c") * NUM_SUBCORES + lax.axis_index("s")


_MESH = plsc.VectorSubcoreMesh(core_axis_name="c", subcore_axis_name="s")
_SC_PARAMS = pltpu.CompilerParams(use_tc_tiling_on_sc=False,
                                  needs_layout_passes=False)


@functools.partial(
    pl.kernel,
    out_type=jax.ShapeDtypeStruct((NUM_CORES, 2, NP, ROW_W), jnp.float32),
    mesh=_MESH,
    scratch_types=[
        pltpu.VMEM((CT_MAX, 128), jnp.int32),
        pltpu.VMEM((CT_MAX, 128), jnp.int32),
        pltpu.VMEM((2, CT_MAX, HALF, 128), jnp.float32),
        pltpu.VMEM((2 * 128, ROW_W), jnp.float32),
        pltpu.VMEM((RPT, ROW_W), jnp.float32),
        pltpu.VMEM_SHARED((NP, ROW_W), jnp.float32),
        pltpu.VMEM_SHARED((NP, ROW_W), jnp.float32),
        pltpu.SemaphoreType.DMA,
        pltpu.SemaphoreType.DMA,
    ],
    compiler_params=_SC_PARAMS,
)
def _scatter_edges(ea4_hbm, sidx_hbm, ridx_hbm, zeros_hbm, out_hbm,
                   sidx_v, ridx_v, fmbuf, rowbuf, tmp,
                   accs_sh, accr_sh, sem_ld, sem_st):
    cid = lax.axis_index("c")
    sid = lax.axis_index("s")
    w = _worker_id()
    z0 = sid * RPT
    nct = CT_BASE + jnp.where(w < CT % NUM_WORKERS, 1, 0)
    base = CT_BASE * w + jnp.minimum(w, CT % NUM_WORKERS)
    loads = [
        pltpu.async_copy(ea4_hbm.at[0, pl.ds(base, CT_BASE)],
                         fmbuf.at[0, pl.ds(0, CT_BASE)], sem_ld),
        pltpu.async_copy(ea4_hbm.at[1, pl.ds(base, CT_BASE)],
                         fmbuf.at[1, pl.ds(0, CT_BASE)], sem_ld),
        pltpu.async_copy(sidx_hbm.at[pl.ds(base, CT_BASE)],
                         sidx_v.at[pl.ds(0, CT_BASE)], sem_ld),
        pltpu.async_copy(ridx_hbm.at[pl.ds(base, CT_BASE)],
                         ridx_v.at[pl.ds(0, CT_BASE)], sem_ld),
    ]
    pltpu.sync_copy(zeros_hbm.at[pl.ds(z0, RPT)], accs_sh.at[pl.ds(z0, RPT)])
    pltpu.sync_copy(zeros_hbm.at[pl.ds(z0, RPT)], accr_sh.at[pl.ds(z0, RPT)])

    @pl.when(w < CT % NUM_WORKERS)
    def _():
        pltpu.sync_copy(ea4_hbm.at[0, pl.ds(base + CT_BASE, 1)],
                        fmbuf.at[0, pl.ds(CT_BASE, 1)])
        pltpu.sync_copy(ea4_hbm.at[1, pl.ds(base + CT_BASE, 1)],
                        fmbuf.at[1, pl.ds(CT_BASE, 1)])
        pltpu.sync_copy(sidx_hbm.at[pl.ds(base + CT_BASE, 1)],
                        sidx_v.at[pl.ds(CT_BASE, 1)])
        pltpu.sync_copy(ridx_hbm.at[pl.ds(base + CT_BASE, 1)],
                        ridx_v.at[pl.ds(CT_BASE, 1)])

    for d in loads:
        d.wait()
    plsc.subcore_barrier()

    lane = lax.iota(jnp.int32, LANES)
    evecs = [lane + eh * LANES for eh in range(8)]

    def coltile(j, carry):
        off = (j & 1) * 128
        @pl.when(j >= 2)
        def _():
            pltpu.make_async_copy(zeros_hbm.at[pl.ds(0, 128)],
                                  rowbuf.at[pl.ds(off, 128)], sem_st).wait()
            pltpu.make_async_copy(zeros_hbm.at[pl.ds(0, 128)],
                                  rowbuf.at[pl.ds(off, 128)], sem_st).wait()

        jvec = jnp.full((LANES,), j, dtype=jnp.int32)
        offv = jnp.full((LANES,), off, dtype=jnp.int32)
        def diag(d, c2):
            kl = (lane + d) & (LANES - 1)
            tv = kl >> 3
            rv = kl & (HALF - 1)
            for eh in range(8):
                val = plsc.load_gather(fmbuf, [tv, jvec, rv, evecs[eh]])
                plsc.store_scatter(rowbuf, [offv + evecs[eh], kl], val)
            return c2

        lax.fori_loop(0, LANES, diag, 0)
        src = rowbuf.at[pl.ds(off, 128)]
        pltpu.async_copy(src, accs_sh.at[sidx_v.at[j]], sem_st, add=True)
        pltpu.async_copy(src, accr_sh.at[ridx_v.at[j]], sem_st, add=True)
        return carry

    lax.fori_loop(0, nct, coltile, 0)
    for _ in range(4):
        pltpu.make_async_copy(zeros_hbm.at[pl.ds(0, 128)],
                              rowbuf.at[pl.ds(0, 128)], sem_st).wait()
    plsc.subcore_barrier()
    pltpu.sync_copy(accs_sh.at[pl.ds(z0, RPT)], tmp)
    pltpu.sync_copy(tmp, out_hbm.at[cid, 0, pl.ds(z0, RPT)])
    pltpu.sync_copy(accr_sh.at[pl.ds(z0, RPT)], tmp)
    pltpu.sync_copy(tmp, out_hbm.at[cid, 1, pl.ds(z0, RPT)])


@functools.partial(
    pl.kernel,
    out_type=(jax.ShapeDtypeStruct((NUM_CORES, NP, ROW_W), jnp.float32),
              jax.ShapeDtypeStruct((NP, ROW_W), jnp.float32)),
    mesh=_MESH,
    scratch_types=[
        pltpu.VMEM((BPW_B, BLK), jnp.int32),
        pltpu.VMEM((BPW_B, BLK), jnp.int32),
        pltpu.VMEM((2 * GRP * BLK, ROW_W), jnp.float32),
        pltpu.VMEM((RPT, ROW_W), jnp.float32),
        pltpu.VMEM((RPT, ROW_W), jnp.float32),
        pltpu.VMEM((RPT, ROW_W), jnp.float32),
        pltpu.VMEM((RPT, ROW_W), jnp.float32),
        pltpu.VMEM((RPT, ROW_W), jnp.float32),
        pltpu.VMEM_SHARED((NP, ROW_W), jnp.float32),
        pltpu.SemaphoreType.DMA,
        pltpu.SemaphoreType.DMA,
    ],
    compiler_params=_SC_PARAMS,
)
def _gather_scatter_add(acc_hbm, idxo_hbm, idxi_hbm, zeros_hbm,
                        out_hbm, agg_hbm,
                        idxo_v, idxi_v, gbuf, bs0, bs1, br0, br1, aggbuf,
                        sums_sh, sem_g, sem_s):
    cid = lax.axis_index("c")
    sid = lax.axis_index("s")
    w = _worker_id()
    z0 = sid * RPT
    pltpu.sync_copy(zeros_hbm.at[pl.ds(z0, RPT)], sums_sh.at[pl.ds(z0, RPT)])
    pltpu.sync_copy(idxo_hbm.at[pl.ds(w * BPW_B, BPW_B)], idxo_v)
    pltpu.sync_copy(idxi_hbm.at[pl.ds(w * BPW_B, BPW_B)], idxi_v)
    pltpu.sync_copy(acc_hbm.at[0, 0, pl.ds(z0, RPT)], bs0)
    pltpu.sync_copy(acc_hbm.at[1, 0, pl.ds(z0, RPT)], bs1)
    pltpu.sync_copy(acc_hbm.at[0, 1, pl.ds(z0, RPT)], br0)
    pltpu.sync_copy(acc_hbm.at[1, 1, pl.ds(z0, RPT)], br1)
    lane = lax.iota(jnp.int32, LANES)
    perm = lane ^ HALF
    tail = jnp.where(lane == HALF, 1.0, 0.0)
    lo = lane < HALF

    def comb(i, carry):
        srow = bs0[i] + bs1[i]
        spl = jnp.full((LANES,), i, dtype=jnp.int32)
        rrot = (plsc.load_gather(br0, [spl, perm])
                + plsc.load_gather(br1, [spl, perm]))
        aggbuf[i] = jnp.where(lo, srow + rrot, tail)
        return carry

    lax.fori_loop(0, RPT, comb, 0)
    pltpu.sync_copy(aggbuf, agg_hbm.at[pl.ds(z0, RPT)])
    plsc.subcore_barrier()

    for bq in range(GRP):
        pltpu.async_copy(agg_hbm.at[idxo_v.at[bq]],
                         gbuf.at[pl.ds(bq * BLK, BLK)], sem_g)

    def group(g, carry):
        off = (g & 1) * (GRP * BLK)
        for _ in range(GRP):
            pltpu.make_async_copy(zeros_hbm.at[pl.ds(0, BLK)],
                                  gbuf.at[pl.ds(0, BLK)], sem_g).wait()

        @pl.when(g >= 1)
        def _():
            for _ in range(GRP):
                pltpu.make_async_copy(zeros_hbm.at[pl.ds(0, BLK)],
                                      gbuf.at[pl.ds(0, BLK)], sem_s).wait()

        @pl.when(g + 1 < NGRP_B)
        def _():
            off2 = (GRP * BLK) - off
            for bq in range(GRP):
                pltpu.async_copy(agg_hbm.at[idxo_v.at[(g + 1) * GRP + bq]],
                                 gbuf.at[pl.ds(off2 + bq * BLK, BLK)], sem_g)

        for bq in range(GRP):
            pltpu.async_copy(gbuf.at[pl.ds(off + bq * BLK, BLK)],
                             sums_sh.at[idxi_v.at[g * GRP + bq]],
                             sem_s, add=True)
        return carry

    lax.fori_loop(0, NGRP_B, group, 0)
    for _ in range(GRP):
        pltpu.make_async_copy(zeros_hbm.at[pl.ds(0, BLK)],
                              gbuf.at[pl.ds(0, BLK)], sem_s).wait()
    plsc.subcore_barrier()
    pltpu.sync_copy(sums_sh.at[pl.ds(z0, RPT)], tmp := bs0)
    pltpu.sync_copy(tmp, out_hbm.at[cid, pl.ds(z0, RPT)])


ROWS_BLK = 1000


def _dense_body(x_ref, w_ref, b_ref, out_ref):
    out_ref[...] = jnp.dot(
        x_ref[...], w_ref[HALF:, :],
        preferred_element_type=jnp.float32) + b_ref[...]


def _finish_body(p1_ref, s0_ref, s1_ref, w_ref, out_ref):
    sums = s0_ref[0] + s1_ref[0]
    cnt = jnp.maximum(sums[:, HALF:HALF + 1], 1.0)
    navg = sums[:, :HALF] / cnt
    out_ref[...] = p1_ref[...] + jnp.dot(
        navg, w_ref[:HALF, :], preferred_element_type=jnp.float32)


def kernel(x, edge_attr, W, b, edge_index):
    senders = edge_index[0]
    receivers = edge_index[1]
    sidx = senders.reshape(CT, 128)
    ridx = receivers.reshape(CT, 128)
    ea4 = edge_attr.T.reshape(2, HALF, CT, 128).transpose(0, 2, 1, 3)
    zeros_np = jnp.zeros((NP, ROW_W), dtype=jnp.float32)

    grid = N_NODES // ROWS_BLK
    part1 = pl.pallas_call(
        _dense_body,
        grid=(grid,),
        in_specs=[
            pl.BlockSpec((ROWS_BLK, D_FEAT), lambda i: (i, 0)),
            pl.BlockSpec((D_FEAT + HALF, D_FEAT), lambda i: (0, 0)),
            pl.BlockSpec((1, D_FEAT), lambda i: (0, 0)),
        ],
        out_specs=pl.BlockSpec((ROWS_BLK, D_FEAT), lambda i: (i, 0)),
        out_shape=jax.ShapeDtypeStruct((N_NODES, D_FEAT), jnp.float32),
    )(x, W, b.reshape(1, D_FEAT))

    acc = _scatter_edges(ea4, sidx, ridx, zeros_np)

    idx_in = jnp.concatenate([senders, receivers]).reshape(NBLK_B, BLK)
    idx_out = jnp.concatenate([receivers, senders]).reshape(NBLK_B, BLK)
    sums_pair, _unused_agg = _gather_scatter_add(acc, idx_out, idx_in,
                                                 zeros_np)

    out = pl.pallas_call(
        _finish_body,
        grid=(grid,),
        in_specs=[
            pl.BlockSpec((ROWS_BLK, D_FEAT), lambda i: (i, 0)),
            pl.BlockSpec((1, ROWS_BLK, ROW_W), lambda i: (0, i, 0)),
            pl.BlockSpec((1, ROWS_BLK, ROW_W), lambda i: (1, i, 0)),
            pl.BlockSpec((D_FEAT + HALF, D_FEAT), lambda i: (0, 0)),
        ],
        out_specs=pl.BlockSpec((ROWS_BLK, D_FEAT), lambda i: (i, 0)),
        out_shape=jax.ShapeDtypeStruct((N_NODES, D_FEAT), jnp.float32),
    )(part1, sums_pair, sums_pair, W)
    return out

# --- scband reference (transcript-rebuilt; emitter-appended) ---
"""Pipeline reference for scband-node-block-15599321219562 (READ-ONLY COPY).

The authoritative reference and input builder live on the scoring server;
editing this copy changes nothing except your own understanding.
"""

import jax, jax.numpy as jnp
import numpy as np

N = 10000
E = 160000
D_FEAT = 256
D_EDGE = 16
IN_SIZE = D_FEAT + D_EDGE // 2  # 264


def setup_inputs(seed: int = 0) -> dict:
    key = jax.random.key(seed)
    k1, k2, k3, k4 = jax.random.split(key, 4)
    x = jax.random.normal(k1, (N, D_FEAT), dtype=jnp.float32)
    edge_index = jax.random.randint(k2, (2, E), 0, N, dtype=jnp.int32)
    edge_attr = jax.random.normal(k3, (E, D_EDGE), dtype=jnp.float32)
    # custom_func net: Linear(IN_SIZE, D_FEAT)
    W = jax.random.normal(k4, (IN_SIZE, D_FEAT), dtype=jnp.float32) * 0.05
    b = jnp.zeros((D_FEAT,), dtype=jnp.float32)
    return {"x": x, "edge_attr": edge_attr, "W": W, "b": b, "edge_index": edge_index}


def reference(x, edge_attr, W, b, edge_index):
    senders = edge_index[0]
    receivers = edge_index[1]
    twoway_in = jnp.concatenate([senders, receivers], axis=0)   # indegree, 2E
    twoway_out = jnp.concatenate([receivers, senders], axis=0)  # outdegree, 2E
    half = edge_attr.shape[1] // 2
    # torch.cat(torch.chunk(edge_attr, 2, dim=-1), dim=0) -> [2E, D_EDGE//2]
    twoway_edge_attr = jnp.concatenate([edge_attr[:, :half], edge_attr[:, half:]], axis=0)
    n = x.shape[0]
    # scatter_add of edge features onto nodes
    node_agg = jax.ops.segment_sum(twoway_edge_attr, twoway_in, num_segments=n)
    # gather then scatter_mean
    gathered = node_agg[twoway_out]
    sums = jax.ops.segment_sum(gathered, twoway_in, num_segments=n)
    counts = jax.ops.segment_sum(jnp.ones((twoway_in.shape[0],), dtype=jnp.float32), twoway_in, num_segments=n)
    node_avg = sums / jnp.maximum(counts, 1.0)[:, None]
    # net(cat(node_avg, node_attr))
    h = jnp.concatenate([node_avg, x], axis=1)
    out = h @ W + b
    return out

if __name__ == "__main__":
    import jax
    _d = setup_inputs()
    print(jax.jit(kernel)(*tuple(_d.values())))

</pallas_src>

<mosaic_0001>
#map = affine_map<(d0, d1) -> (0, 0, 0, 0)>
#map1 = affine_map<(d0, d1) -> (0, 0)>
module attributes {stable_mosaic.version = 14 : i64} {
  func.func @_scatter_edges(%arg0: i32, %arg1: i32, %arg2: memref<2x1250x8x128xf32, #tpu.memory_space<hbm>>, %arg3: memref<1250x128xi32, #tpu.memory_space<hbm>>, %arg4: memref<1250x128xi32, #tpu.memory_space<hbm>>, %arg5: memref<10000x16xf32, #tpu.memory_space<hbm>>, %arg6: memref<2x2x10000x16xf32, #tpu.memory_space<hbm>>, %arg7: memref<40x128xi32, #tpu.memory_space<vmem>>, %arg8: memref<40x128xi32, #tpu.memory_space<vmem>>, %arg9: memref<2x40x8x128xf32, #tpu.memory_space<vmem>>, %arg10: memref<256x16xf32, #tpu.memory_space<vmem>>, %arg11: memref<625x16xf32, #tpu.memory_space<vmem>>, %arg12: memref<10000x16xf32, #tpu.memory_space<vmem_shared>>, %arg13: memref<10000x16xf32, #tpu.memory_space<vmem_shared>>, %arg14: memref<!tpu.dma_semaphore, #tpu.memory_space<semaphore_mem>>, %arg15: memref<!tpu.dma_semaphore, #tpu.memory_space<semaphore_mem>>) attributes {dimension_semantics = [#tpu.dimension_semantics<core_parallel>, #tpu.dimension_semantics<subcore_parallel>], iteration_bounds = array<i64: 2, 16>, scalar_prefetch = 0 : i64, scratch_operands = 9 : i64, tpu.core_type = #tpu.core_type<sc_vector_subcore>, window_params = [{transform_indices = #map}, {transform_indices = #map1}, {transform_indices = #map1}, {transform_indices = #map1}, {transform_indices = #map}]} {
    %mul3A = arith.constant 16 : i32
    %mul3A_0 = arith.muli %arg0, %mul3A : i32
    %add3A = arith.addi %mul3A_0, %arg1 : i32
    %mul3A_1 = arith.constant 625 : i32
    %mul3A_2 = arith.muli %arg1, %mul3A_1 : i32
    %lt3A = arith.constant 2 : i32
    %lt3A_3 = arith.cmpi slt, %add3A, %lt3A : i32
    %jit3A = arith.constant 1 : i32
    %jit3A_4 = arith.constant 0 : i32
    %select_n3A = arith.select %lt3A_3, %jit3A, %jit3A_4 : i32
    %add3A_5 = arith.constant 39 : i32
    %add3A_6 = arith.addi %add3A_5, %select_n3A : i32
    %mul3A_7 = arith.constant 39 : i32
    %mul3A_8 = arith.muli %mul3A_7, %add3A : i32
    %min3A = arith.constant 2 : i32
    %min3A_9 = arith.minsi %add3A, %min3A : i32
    %add3A_10 = arith.addi %mul3A_8, %min3A_9 : i32
    %dma_start3A = arith.constant 0 : i32
    %dma_start3A_11 = arith.constant 0 : i32
    %dma_start3A_12 = arith.constant 0 : i32
    %dma_start3A_13 = arith.constant 0 : i32
    %dma_start3A_14 = arith.constant 0 : i32
    %dma_start3A_15 = tpu.memref_slice %arg9[%dma_start3A_11, %dma_start3A_12, %dma_start3A_13, %dma_start3A_14] : memref<2x40x8x128xf32, #tpu.memory_space<vmem>> -> memref<1x39x8x128xf32, #tpu.memory_space<vmem>>
    %dma_start3A_16 = tpu.memref_squeeze %dma_start3A_15 : memref<1x39x8x128xf32, #tpu.memory_space<vmem>> -> memref<39x8x128xf32, #tpu.memory_space<vmem>>
    %dma_start3A_17 = arith.constant 0 : i32
    %dma_start3A_18 = arith.constant 0 : i32
    %dma_start3A_19 = tpu.memref_slice %arg2[%dma_start3A, %add3A_10, %dma_start3A_17, %dma_start3A_18] : memref<2x1250x8x128xf32, #tpu.memory_space<hbm>> -> memref<1x39x8x128xf32, #tpu.memory_space<hbm>>
    %dma_start3A_20 = tpu.memref_squeeze %dma_start3A_19 : memref<1x39x8x128xf32, #tpu.memory_space<hbm>> -> memref<39x8x128xf32, #tpu.memory_space<hbm>>
    %dma_start3A_21 = arith.constant 0 : i32
    %dma_start3A_22 = arith.constant 0 : i32
    %dma_start3A_23 = arith.constant 0 : i32
    %dma_start3A_24 = tpu.memref_slice %arg9[%dma_start3A_11, %dma_start3A_21, %dma_start3A_22, %dma_start3A_23] : memref<2x40x8x128xf32, #tpu.memory_space<vmem>> -> memref<1x39x8x128xf32, #tpu.memory_space<vmem>>
    %dma_start3A_25 = tpu.memref_squeeze %dma_start3A_24 : memref<1x39x8x128xf32, #tpu.memory_space<vmem>> -> memref<39x8x128xf32, #tpu.memory_space<vmem>>
    %dma_start3A_26 = arith.constant 0 : i32
    %dma_start3A_27 = arith.constant 0 : i32
    %dma_start3A_28 = tpu.memref_slice %arg2[%dma_start3A, %add3A_10, %dma_start3A_26, %dma_start3A_27] : memref<2x1250x8x128xf32, #tpu.memory_space<hbm>> -> memref<1x39x8x128xf32, #tpu.memory_space<hbm>>
    %dma_start3A_29 = tpu.memref_squeeze %dma_start3A_28 : memref<1x39x8x128xf32, #tpu.memory_space<hbm>> -> memref<39x8x128xf32, #tpu.memory_space<hbm>>
    tpu.enqueue_dma source(%dma_start3A_29 : memref<39x8x128xf32, #tpu.memory_space<hbm>>) target(%dma_start3A_25 : memref<39x8x128xf32, #tpu.memory_space<vmem>>) target_semaphore(%arg14 : memref<!tpu.dma_semaphore, #tpu.memory_space<semaphore_mem>>)
    %dma_start3A_30 = arith.constant 1 : i32
    %dma_start3A_31 = arith.constant 1 : i32
    %dma_start3A_32 = arith.constant 0 : i32
    %dma_start3A_33 = arith.constant 0 : i32
    %dma_start3A_34 = arith.constant 0 : i32
    %dma_start3A_35 = tpu.memref_slice %arg9[%dma_start3A_31, %dma_start3A_32, %dma_start3A_33, %dma_start3A_34] : memref<2x40x8x128xf32, #tpu.memory_space<vmem>> -> memref<1x39x8x128xf32, #tpu.memory_space<vmem>>
    %dma_start3A_36 = tpu.memref_squeeze %dma_start3A_35 : memref<1x39x8x128xf32, #tpu.memory_space<vmem>> -> memref<39x8x128xf32, #tpu.memory_space<vmem>>
    %dma_start3A_37 = arith.constant 0 : i32
    %dma_start3A_38 = arith.constant 0 : i32
    %dma_start3A_39 = tpu.memref_slice %arg2[%dma_start3A_30, %add3A_10, %dma_start3A_37, %dma_start3A_38] : memref<2x1250x8x128xf32, #tpu.memory_space<hbm>> -> memref<1x39x8x128xf32, #tpu.memory_space<hbm>>
    %dma_start3A_40 = tpu.memref_squeeze %dma_start3A_39 : memref<1x39x8x128xf32, #tpu.memory_space<hbm>> -> memref<39x8x128xf32, #tpu.memory_space<hbm>>
    %dma_start3A_41 = arith.constant 0 : i32
    %dma_start3A_42 = arith.constant 0 : i32
    %dma_start3A_43 = arith.constant 0 : i32
    %dma_start3A_44 = tpu.memref_slice %arg9[%dma_start3A_31, %dma_start3A_41, %dma_start3A_42, %dma_start3A_43] : memref<2x40x8x128xf32, #tpu.memory_space<vmem>> -> memref<1x39x8x128xf32, #tpu.memory_space<vmem>>
    %dma_start3A_45 = tpu.memref_squeeze %dma_start3A_44 : memref<1x39x8x128xf32, #tpu.memory_space<vmem>> -> memref<39x8x128xf32, #tpu.memory_space<vmem>>
    %dma_start3A_46 = arith.constant 0 : i32
    %dma_start3A_47 = arith.constant 0 : i32
    %dma_start3A_48 = tpu.memref_slice %arg2[%dma_start3A_30, %add3A_10, %dma_start3A_46, %dma_start3A_47] : memref<2x1250x8x128xf32, #tpu.memory_space<hbm>> -> memref<1x39x8x128xf32, #tpu.memory_space<hbm>>
    %dma_start3A_49 = tpu.memref_squeeze %dma_start3A_48 : memref<1x39x8x128xf32, #tpu.memory_space<hbm>> -> memref<39x8x128xf32, #tpu.memory_space<hbm>>
    tpu.enqueue_dma source(%dma_start3A_49 : memref<39x8x128xf32, #tpu.memory_space<hbm>>) target(%dma_start3A_45 : memref<39x8x128xf32, #tpu.memory_space<vmem>>) target_semaphore(%arg14 : memref<!tpu.dma_semaphore, #tpu.memory_space<semaphore_mem>>)
    %dma_start3A_50 = arith.constant 0 : i32
    %dma_start3A_51 = arith.constant 0 : i32
    %dma_start3A_52 = tpu.memref_slice %arg7[%dma_start3A_50, %dma_start3A_51] : memref<40x128xi32, #tpu.memory_space<vmem>> -> memref<39x128xi32, #tpu.memory_space<vmem>>
    %dma_start3A_53 = arith.constant 0 : i32
    %dma_start3A_54 = tpu.memref_slice %arg3[%add3A_10, %dma_start3A_53] : memref<1250x128xi32, #tpu.memory_space<hbm>> -> memref<39x128xi32, #tpu.memory_space<hbm>>
    %dma_start3A_55 = arith.constant 0 : i32
    %dma_start3A_56 = arith.constant 0 : i32
    %dma_start3A_57 = tpu.memref_slice %arg7[%dma_start3A_55, %dma_start3A_56] : memref<40x128xi32, #tpu.memory_space<vmem>> -> memref<39x128xi32, #tpu.memory_space<vmem>>
    %dma_start3A_58 = arith.constant 0 : i32
    %dma_start3A_59 = tpu.memref_slice %arg3[%add3A_10, %dma_start3A_58] : memref<1250x128xi32, #tpu.memory_space<hbm>> -> memref<39x128xi32, #tpu.memory_space<hbm>>
    tpu.enqueue_dma source(%dma_start3A_59 : memref<39x128xi32, #tpu.memory_space<hbm>>) target(%dma_start3A_57 : memref<39x128xi32, #tpu.memory_space<vmem>>) target_semaphore(%arg14 : memref<!tpu.dma_semaphore, #tpu.memory_space<semaphore_mem>>)
    %dma_start3A_60 = arith.constant 0 : i32
    %dma_start3A_61 = arith.constant 0 : i32
    %dma_start3A_62 = tpu.memref_slice %arg8[%dma_start3A_60, %dma_start3A_61] : memref<40x128xi32, #tpu.memory_space<vmem>> -> memref<39x128xi32, #tpu.memory_space<vmem>>
    %dma_start3A_63 = arith.constant 0 : i32
    %dma_start3A_64 = tpu.memref_slice %arg4[%add3A_10, %dma_start3A_63] : memref<1250x128xi32, #tpu.memory_space<hbm>> -> memref<39x128xi32, #tpu.memory_space<hbm>>
    %dma_start3A_65 = arith.constant 0 : i32
    %dma_start3A_66 = arith.constant 0 : i32
    %dma_start3A_67 = tpu.memref_slice %arg8[%dma_start3A_65, %dma_start3A_66] : memref<40x128xi32, #tpu.memory_space<vmem>> -> memref<39x128xi32, #tpu.memory_space<vmem>>
    %dma_start3A_68 = arith.constant 0 : i32
    %dma_start3A_69 = tpu.memref_slice %arg4[%add3A_10, %dma_start3A_68] : memref<1250x128xi32, #tpu.memory_space<hbm>> -> memref<39x128xi32, #tpu.memory_space<hbm>>
    tpu.enqueue_dma source(%dma_start3A_69 : memref<39x128xi32, #tpu.memory_space<hbm>>) target(%dma_start3A_67 : memref<39x128xi32, #tpu.memory_space<vmem>>) target_semaphore(%arg14 : memref<!tpu.dma_semaphore, #tpu.memory_space<semaphore_mem>>)
    "tpu.region"() ({
      %run_scoped3A_215 = tpu.sem_alloc : memref<!tpu.dma_semaphore, #tpu.memory_space<semaphore_mem>>
      %dma_start3A_216 = arith.constant 0 : i32
      %dma_start3A_217 = tpu.memref_slice %arg12[%mul3A_2, %dma_start3A_216] : memref<10000x16xf32, #tpu.memory_space<vmem_shared>> -> memref<625x16xf32, #tpu.memory_space<vmem_shared>>
      %dma_start3A_218 = arith.constant 0 : i32
      %dma_start3A_219 = tpu.memref_slice %arg5[%mul3A_2, %dma_start3A_218] : memref<10000x16xf32, #tpu.memory_space<hbm>> -> memref<625x16xf32, #tpu.memory_space<hbm>>
      tpu.enqueue_dma source(%dma_start3A_219 : memref<625x16xf32, #tpu.memory_space<hbm>>) target(%dma_start3A_217 : memref<625x16xf32, #tpu.memory_space<vmem_shared>>) target_semaphore(%run_scoped3A_215 : memref<!tpu.dma_semaphore, #tpu.memory_space<semaphore_mem>>)
      %dma_wait3A_220 = arith.constant 0 : i32
      %dma_wait3A_221 = tpu.memref_slice %arg12[%mul3A_2, %dma_wait3A_220] : memref<10000x16xf32, #tpu.memory_space<vmem_shared>> -> memref<625x16xf32, #tpu.memory_space<vmem_shared>>
      %dma_wait3A_222 = arith.constant 0 : i32
      %dma_wait3A_223 = tpu.memref_slice %arg5[%mul3A_2, %dma_wait3A_222] : memref<10000x16xf32, #tpu.memory_space<hbm>> -> memref<625x16xf32, #tpu.memory_space<hbm>>
      tpu.wait_dma2 semaphore(%run_scoped3A_215 : memref<!tpu.dma_semaphore, #tpu.memory_space<semaphore_mem>>) src(%dma_wait3A_223 : memref<625x16xf32, #tpu.memory_space<hbm>>) dst(%dma_wait3A_221 : memref<625x16xf32, #tpu.memory_space<vmem_shared>>)
      tpu.yield
    }) : () -> ()
    "tpu.region"() ({
      %run_scoped3A_215 = tpu.sem_alloc : memref<!tpu.dma_semaphore, #tpu.memory_space<semaphore_mem>>
      %dma_start3A_216 = arith.constant 0 : i32
      %dma_start3A_217 = tpu.memref_slice %arg13[%mul3A_2, %dma_start3A_216] : memref<10000x16xf32, #tpu.memory_space<vmem_shared>> -> memref<625x16xf32, #tpu.memory_space<vmem_shared>>
      %dma_start3A_218 = arith.constant 0 : i32
      %dma_start3A_219 = tpu.memref_slice %arg5[%mul3A_2, %dma_start3A_218] : memref<10000x16xf32, #tpu.memory_space<hbm>> -> memref<625x16xf32, #tpu.memory_space<hbm>>
      tpu.enqueue_dma source(%dma_start3A_219 : memref<625x16xf32, #tpu.memory_space<hbm>>) target(%dma_start3A_217 : memref<625x16xf32, #tpu.memory_space<vmem_shared>>) target_semaphore(%run_scoped3A_215 : memref<!tpu.dma_semaphore, #tpu.memory_space<semaphore_mem>>)
      %dma_wait3A_220 = arith.constant 0 : i32
      %dma_wait3A_221 = tpu.memref_slice %arg13[%mul3A_2, %dma_wait3A_220] : memref<10000x16xf32, #tpu.memory_space<vmem_shared>> -> memref<625x16xf32, #tpu.memory_space<vmem_shared>>
      %dma_wait3A_222 = arith.constant 0 : i32
      %dma_wait3A_223 = tpu.memref_slice %arg5[%mul3A_2, %dma_wait3A_222] : memref<10000x16xf32, #tpu.memory_space<hbm>> -> memref<625x16xf32, #tpu.memory_space<hbm>>
      tpu.wait_dma2 semaphore(%run_scoped3A_215 : memref<!tpu.dma_semaphore, #tpu.memory_space<semaphore_mem>>) src(%dma_wait3A_223 : memref<625x16xf32, #tpu.memory_space<hbm>>) dst(%dma_wait3A_221 : memref<625x16xf32, #tpu.memory_space<vmem_shared>>)
      tpu.yield
    }) : () -> ()
    %lt3A_70 = arith.constant 2 : i32
    %lt3A_71 = arith.cmpi slt, %add3A, %lt3A_70 : i32
    %convert_element_type3A = arith.extui %lt3A_71 : i1 to i32
    %cond3A = arith.constant 0 : i32
    %cond3A_72 = arith.cmpi ne, %convert_element_type3A, %cond3A : i32
    scf.if %cond3A_72 {
      %add3A_215 = arith.constant 39 : i32
      %add3A_216 = arith.addi %add3A_10, %add3A_215 : i32
      %run_scoped3A_217 = arith.constant 0 : i32
      %run_scoped3A_218 = arith.constant 0 : i32
      "tpu.region"() ({
        %run_scoped3A_227 = tpu.sem_alloc : memref<!tpu.dma_semaphore, #tpu.memory_space<semaphore_mem>>
        %dma_start3A_228 = arith.constant 39 : i32
        %dma_start3A_229 = arith.constant 0 : i32
        %dma_start3A_230 = arith.constant 0 : i32
        %dma_start3A_231 = tpu.memref_slice %arg9[%run_scoped3A_218, %dma_start3A_228, %dma_start3A_229, %dma_start3A_230] : memref<2x40x8x128xf32, #tpu.memory_space<vmem>> -> memref<1x1x8x128xf32, #tpu.memory_space<vmem>>
        %dma_start3A_232 = tpu.memref_squeeze %dma_start3A_231 : memref<1x1x8x128xf32, #tpu.memory_space<vmem>> -> memref<1x8x128xf32, #tpu.memory_space<vmem>>
        %dma_start3A_233 = arith.constant 0 : i32
        %dma_start3A_234 = arith.constant 0 : i32
        %dma_start3A_235 = tpu.memref_slice %arg2[%run_scoped3A_217, %add3A_216, %dma_start3A_233, %dma_start3A_234] : memref<2x1250x8x128xf32, #tpu.memory_space<hbm>> -> memref<1x1x8x128xf32, #tpu.memory_space<hbm>>
        %dma_start3A_236 = tpu.memref_squeeze %dma_start3A_235 : memref<1x1x8x128xf32, #tpu.memory_space<hbm>> -> memref<1x8x128xf32, #tpu.memory_space<hbm>>
        %dma_start3A_237 = arith.constant 39 : i32
        %dma_start3A_238 = arith.constant 0 : i32
        %dma_start3A_239 = arith.constant 0 : i32
        %dma_start3A_240 = tpu.memref_slice %arg9[%run_scoped3A_218, %dma_start3A_237, %dma_start3A_238, %dma_start3A_239] : memref<2x40x8x128xf32, #tpu.memory_space<vmem>> -> memref<1x1x8x128xf32, #tpu.memory_space<vmem>>
        %dma_start3A_241 = tpu.memref_squeeze %dma_start3A_240 : memref<1x1x8x128xf32, #tpu.memory_space<vmem>> -> memref<1x8x128xf32, #tpu.memory_space<vmem>>
        %dma_start3A_242 = arith.constant 0 : i32
        %dma_start3A_243 = arith.constant 0 : i32
        %dma_start3A_244 = tpu.memref_slice %arg2[%run_scoped3A_217, %add3A_216, %dma_start3A_242, %dma_start3A_243] : memref<2x1250x8x128xf32, #tpu.memory_space<hbm>> -> memref<1x1x8x128xf32, #tpu.memory_space<hbm>>
        %dma_start3A_245 = tpu.memref_squeeze %dma_start3A_244 : memref<1x1x8x128xf32, #tpu.memory_space<hbm>> -> memref<1x8x128xf32, #tpu.memory_space<hbm>>
        tpu.enqueue_dma source(%dma_start3A_245 : memref<1x8x128xf32, #tpu.memory_space<hbm>>) target(%dma_start3A_241 : memref<1x8x128xf32, #tpu.memory_space<vmem>>) target_semaphore(%run_scoped3A_227 : memref<!tpu.dma_semaphore, #tpu.memory_space<semaphore_mem>>)
        %dma_wait3A_246 = arith.constant 39 : i32
        %dma_wait3A_247 = arith.constant 0 : i32
        %dma_wait3A_248 = arith.constant 0 : i32
        %dma_wait3A_249 = tpu.memref_slice %arg9[%run_scoped3A_218, %dma_wait3A_246, %dma_wait3A_247, %dma_wait3A_248] : memref<2x40x8x128xf32, #tpu.memory_space<vmem>> -> memref<1x1x8x128xf32, #tpu.memory_space<vmem>>
        %dma_wait3A_250 = tpu.memref_squeeze %dma_wait3A_249 : memref<1x1x8x128xf32, #tpu.memory_space<vmem>> -> memref<1x8x128xf32, #tpu.memory_space<vmem>>
        %dma_wait3A_251 = arith.constant 0 : i32
        %dma_wait3A_252 = arith.constant 0 : i32
        %dma_wait3A_253 = tpu.memref_slice %arg2[%run_scoped3A_217, %add3A_216, %dma_wait3A_251, %dma_wait3A_252] : memref<2x1250x8x128xf32, #tpu.memory_space<hbm>> -> memref<1x1x8x128xf32, #tpu.memory_space<hbm>>
        %dma_wait3A_254 = tpu.memref_squeeze %dma_wait3A_253 : memref<1x1x8x128xf32, #tpu.memory_space<hbm>> -> memref<1x8x128xf32, #tpu.memory_space<hbm>>
        %dma_wait3A_255 = arith.constant 39 : i32
        %dma_wait3A_256 = arith.constant 0 : i32
        %dma_wait3A_257 = arith.constant 0 : i32
        %dma_wait3A_258 = tpu.memref_slice %arg9[%run_scoped3A_218, %dma_wait3A_255, %dma_wait3A_256, %dma_wait3A_257] : memref<2x40x8x128xf32, #tpu.memory_space<vmem>> -> memref<1x1x8x128xf32, #tpu.memory_space<vmem>>
        %dma_wait3A_259 = tpu.memref_squeeze %dma_wait3A_258 : memref<1x1x8x128xf32, #tpu.memory_space<vmem>> -> memref<1x8x128xf32, #tpu.memory_space<vmem>>
        %dma_wait3A_260 = arith.constant 0 : i32
        %dma_wait3A_261 = arith.constant 0 : i32
        %dma_wait3A_262 = tpu.memref_slice %arg2[%run_scoped3A_217, %add3A_216, %dma_wait3A_260, %dma_wait3A_261] : memref<2x1250x8x128xf32, #tpu.memory_space<hbm>> -> memref<1x1x8x128xf32, #tpu.memory_space<hbm>>
        %dma_wait3A_263 = tpu.memref_squeeze %dma_wait3A_262 : memref<1x1x8x128xf32, #tpu.memory_space<hbm>> -> memref<1x8x128xf32, #tpu.memory_space<hbm>>
        tpu.wait_dma2 semaphore(%run_scoped3A_227 : memref<!tpu.dma_semaphore, #tpu.memory_space<semaphore_mem>>) src(%dma_wait3A_263 : memref<1x8x128xf32, #tpu.memory_space<hbm>>) dst(%dma_wait3A_259 : memref<1x8x128xf32, #tpu.memory_space<vmem>>)
        tpu.yield
      }) : () -> ()
      %add3A_219 = arith.constant 39 : i32
      %add3A_220 = arith.addi %add3A_10, %add3A_219 : i32
      %run_scoped3A_221 = arith.constant 1 : i32
      %run_scoped3A_222 = arith.constant 1 : i32
      "tpu.region"() ({
        %run_scoped3A_227 = tpu.sem_alloc : memref<!tpu.dma_semaphore, #tpu.memory_space<semaphore_mem>>
        %dma_start3A_228 = arith.constant 39 : i32
        %dma_start3A_229 = arith.constant 0 : i32
        %dma_start3A_230 = arith.constant 0 : i32
        %dma_start3A_231 = tpu.memref_slice %arg9[%run_scoped3A_222, %dma_start3A_228, %dma_start3A_229, %dma_start3A_230] : memref<2x40x8x128xf32, #tpu.memory_space<vmem>> -> memref<1x1x8x128xf32, #tpu.memory_space<vmem>>
        %dma_start3A_232 = tpu.memref_squeeze %dma_start3A_231 : memref<1x1x8x128xf32, #tpu.memory_space<vmem>> -> memref<1x8x128xf32, #tpu.memory_space<vmem>>
        %dma_start3A_233 = arith.constant 0 : i32
        %dma_start3A_234 = arith.constant 0 : i32
        %dma_start3A_235 = tpu.memref_slice %arg2[%run_scoped3A_221, %add3A_220, %dma_start3A_233, %dma_start3A_234] : memref<2x1250x8x128xf32, #tpu.memory_space<hbm>> -> memref<1x1x8x128xf32, #tpu.memory_space<hbm>>
        %dma_start3A_236 = tpu.memref_squeeze %dma_start3A_235 : memref<1x1x8x128xf32, #tpu.memory_space<hbm>> -> memref<1x8x128xf32, #tpu.memory_space<hbm>>
        %dma_start3A_237 = arith.constant 39 : i32
        %dma_start3A_238 = arith.constant 0 : i32
        %dma_start3A_239 = arith.constant 0 : i32
        %dma_start3A_240 = tpu.memref_slice %arg9[%run_scoped3A_222, %dma_start3A_237, %dma_start3A_238, %dma_start3A_239] : memref<2x40x8x128xf32, #tpu.memory_space<vmem>> -> memref<1x1x8x128xf32, #tpu.memory_space<vmem>>
        %dma_start3A_241 = tpu.memref_squeeze %dma_start3A_240 : memref<1x1x8x128xf32, #tpu.memory_space<vmem>> -> memref<1x8x128xf32, #tpu.memory_space<vmem>>
        %dma_start3A_242 = arith.constant 0 : i32
        %dma_start3A_243 = arith.constant 0 : i32
        %dma_start3A_244 = tpu.memref_slice %arg2[%run_scoped3A_221, %add3A_220, %dma_start3A_242, %dma_start3A_243] : memref<2x1250x8x128xf32, #tpu.memory_space<hbm>> -> memref<1x1x8x128xf32, #tpu.memory_space<hbm>>
        %dma_start3A_245 = tpu.memref_squeeze %dma_start3A_244 : memref<1x1x8x128xf32, #tpu.memory_space<hbm>> -> memref<1x8x128xf32, #tpu.memory_space<hbm>>
        tpu.enqueue_dma source(%dma_start3A_245 : memref<1x8x128xf32, #tpu.memory_space<hbm>>) target(%dma_start3A_241 : memref<1x8x128xf32, #tpu.memory_space<vmem>>) target_semaphore(%run_scoped3A_227 : memref<!tpu.dma_semaphore, #tpu.memory_space<semaphore_mem>>)
        %dma_wait3A_246 = arith.constant 39 : i32
        %dma_wait3A_247 = arith.constant 0 : i32
        %dma_wait3A_248 = arith.constant 0 : i32
        %dma_wait3A_249 = tpu.memref_slice %arg9[%run_scoped3A_222, %dma_wait3A_246, %dma_wait3A_247, %dma_wait3A_248] : memref<2x40x8x128xf32, #tpu.memory_space<vmem>> -> memref<1x1x8x128xf32, #tpu.memory_space<vmem>>
        %dma_wait3A_250 = tpu.memref_squeeze %dma_wait3A_249 : memref<1x1x8x128xf32, #tpu.memory_space<vmem>> -> memref<1x8x128xf32, #tpu.memory_space<vmem>>
        %dma_wait3A_251 = arith.constant 0 : i32
        %dma_wait3A_252 = arith.constant 0 : i32
        %dma_wait3A_253 = tpu.memref_slice %arg2[%run_scoped3A_221, %add3A_220, %dma_wait3A_251, %dma_wait3A_252] : memref<2x1250x8x128xf32, #tpu.memory_space<hbm>> -> memref<1x1x8x128xf32, #tpu.memory_space<hbm>>
        %dma_wait3A_254 = tpu.memref_squeeze %dma_wait3A_253 : memref<1x1x8x128xf32, #tpu.memory_space<hbm>> -> memref<1x8x128xf32, #tpu.memory_space<hbm>>
        %dma_wait3A_255 = arith.constant 39 : i32
        %dma_wait3A_256 = arith.constant 0 : i32
        %dma_wait3A_257 = arith.constant 0 : i32
        %dma_wait3A_258 = tpu.memref_slice %arg9[%run_scoped3A_222, %dma_wait3A_255, %dma_wait3A_256, %dma_wait3A_257] : memref<2x40x8x128xf32, #tpu.memory_space<vmem>> -> memref<1x1x8x128xf32, #tpu.memory_space<vmem>>
        %dma_wait3A_259 = tpu.memref_squeeze %dma_wait3A_258 : memref<1x1x8x128xf32, #tpu.memory_space<vmem>> -> memref<1x8x128xf32, #tpu.memory_space<vmem>>
        %dma_wait3A_260 = arith.constant 0 : i32
        %dma_wait3A_261 = arith.constant 0 : i32
        %dma_wait3A_262 = tpu.memref_slice %arg2[%run_scoped3A_221, %add3A_220, %dma_wait3A_260, %dma_wait3A_261] : memref<2x1250x8x128xf32, #tpu.memory_space<hbm>> -> memref<1x1x8x128xf32, #tpu.memory_space<hbm>>
        %dma_wait3A_263 = tpu.memref_squeeze %dma_wait3A_262 : memref<1x1x8x128xf32, #tpu.memory_space<hbm>> -> memref<1x8x128xf32, #tpu.memory_space<hbm>>
        tpu.wait_dma2 semaphore(%run_scoped3A_227 : memref<!tpu.dma_semaphore, #tpu.memory_space<semaphore_mem>>) src(%dma_wait3A_263 : memref<1x8x128xf32, #tpu.memory_space<hbm>>) dst(%dma_wait3A_259 : memref<1x8x128xf32, #tpu.memory_space<vmem>>)
        tpu.yield
      }) : () -> ()
      %add3A_223 = arith.constant 39 : i32
      %add3A_224 = arith.addi %add3A_10, %add3A_223 : i32
      "tpu.region"() ({
        %run_scoped3A_227 = tpu.sem_alloc : memref<!tpu.dma_semaphore, #tpu.memory_space<semaphore_mem>>
        %dma_start3A_228 = arith.constant 39 : i32
        %dma_start3A_229 = arith.constant 0 : i32
        %dma_start3A_230 = tpu.memref_slice %arg7[%dma_start3A_228, %dma_start3A_229] : memref<40x128xi32, #tpu.memory_space<vmem>> -> memref<1x128xi32, #tpu.memory_space<vmem>>
        %dma_start3A_231 = arith.constant 0 : i32
        %dma_start3A_232 = tpu.memref_slice %arg3[%add3A_224, %dma_start3A_231] : memref<1250x128xi32, #tpu.memory_space<hbm>> -> memref<1x128xi32, #tpu.memory_space<hbm>>
        %dma_start3A_233 = arith.constant 39 : i32
        %dma_start3A_234 = arith.constant 0 : i32
        %dma_start3A_235 = tpu.memref_slice %arg7[%dma_start3A_233, %dma_start3A_234] : memref<40x128xi32, #tpu.memory_space<vmem>> -> memref<1x128xi32, #tpu.memory_space<vmem>>
        %dma_start3A_236 = arith.constant 0 : i32
        %dma_start3A_237 = tpu.memref_slice %arg3[%add3A_224, %dma_start3A_236] : memref<1250x128xi32, #tpu.memory_space<hbm>> -> memref<1x128xi32, #tpu.memory_space<hbm>>
        tpu.enqueue_dma source(%dma_start3A_237 : memref<1x128xi32, #tpu.memory_space<hbm>>) target(%dma_start3A_235 : memref<1x128xi32, #tpu.memory_space<vmem>>) target_semaphore(%run_scoped3A_227 : memref<!tpu.dma_semaphore, #tpu.memory_space<semaphore_mem>>)
        %dma_wait3A_238 = arith.constant 39 : i32
        %dma_wait3A_239 = arith.constant 0 : i32
        %dma_wait3A_240 = tpu.memref_slice %arg7[%dma_wait3A_238, %dma_wait3A_239] : memref<40x128xi32, #tpu.memory_space<vmem>> -> memref<1x128xi32, #tpu.memory_space<vmem>>
        %dma_wait3A_241 = arith.constant 0 : i32
        %dma_wait3A_242 = tpu.memref_slice %arg3[%add3A_224, %dma_wait3A_241] : memref<1250x128xi32, #tpu.memory_space<hbm>> -> memref<1x128xi32, #tpu.memory_space<hbm>>
        %dma_wait3A_243 = arith.constant 39 : i32
        %dma_wait3A_244 = arith.constant 0 : i32
        %dma_wait3A_245 = tpu.memref_slice %arg7[%dma_wait3A_243, %dma_wait3A_244] : memref<40x128xi32, #tpu.memory_space<vmem>> -> memref<1x128xi32, #tpu.memory_space<vmem>>
        %dma_wait3A_246 = arith.constant 0 : i32
        %dma_wait3A_247 = tpu.memref_slice %arg3[%add3A_224, %dma_wait3A_246] : memref<1250x128xi32, #tpu.memory_space<hbm>> -> memref<1x128xi32, #tpu.memory_space<hbm>>
        tpu.wait_dma2 semaphore(%run_scoped3A_227 : memref<!tpu.dma_semaphore, #tpu.memory_space<semaphore_mem>>) src(%dma_wait3A_247 : memref<1x128xi32, #tpu.memory_space<hbm>>) dst(%dma_wait3A_245 : memref<1x128xi32, #tpu.memory_space<vmem>>)
        tpu.yield
      }) : () -> ()
      %add3A_225 = arith.constant 39 : i32
      %add3A_226 = arith.addi %add3A_10, %add3A_225 : i32
      "tpu.region"() ({
        %run_scoped3A_227 = tpu.sem_alloc : memref<!tpu.dma_semaphore, #tpu.memory_space<semaphore_mem>>
        %dma_start3A_228 = arith.constant 39 : i32
        %dma_start3A_229 = arith.constant 0 : i32
        %dma_start3A_230 = tpu.memref_slice %arg8[%dma_start3A_228, %dma_start3A_229] : memref<40x128xi32, #tpu.memory_space<vmem>> -> memref<1x128xi32, #tpu.memory_space<vmem>>
        %dma_start3A_231 = arith.constant 0 : i32
        %dma_start3A_232 = tpu.memref_slice %arg4[%add3A_226, %dma_start3A_231] : memref<1250x128xi32, #tpu.memory_space<hbm>> -> memref<1x128xi32, #tpu.memory_space<hbm>>
        %dma_start3A_233 = arith.constant 39 : i32
        %dma_start3A_234 = arith.constant 0 : i32
        %dma_start3A_235 = tpu.memref_slice %arg8[%dma_start3A_233, %dma_start3A_234] : memref<40x128xi32, #tpu.memory_space<vmem>> -> memref<1x128xi32, #tpu.memory_space<vmem>>
        %dma_start3A_236 = arith.constant 0 : i32
        %dma_start3A_237 = tpu.memref_slice %arg4[%add3A_226, %dma_start3A_236] : memref<1250x128xi32, #tpu.memory_space<hbm>> -> memref<1x128xi32, #tpu.memory_space<hbm>>
        tpu.enqueue_dma source(%dma_start3A_237 : memref<1x128xi32, #tpu.memory_space<hbm>>) target(%dma_start3A_235 : memref<1x128xi32, #tpu.memory_space<vmem>>) target_semaphore(%run_scoped3A_227 : memref<!tpu.dma_semaphore, #tpu.memory_space<semaphore_mem>>)
        %dma_wait3A_238 = arith.constant 39 : i32
        %dma_wait3A_239 = arith.constant 0 : i32
        %dma_wait3A_240 = tpu.memref_slice %arg8[%dma_wait3A_238, %dma_wait3A_239] : memref<40x128xi32, #tpu.memory_space<vmem>> -> memref<1x128xi32, #tpu.memory_space<vmem>>
        %dma_wait3A_241 = arith.constant 0 : i32
        %dma_wait3A_242 = tpu.memref_slice %arg4[%add3A_226, %dma_wait3A_241] : memref<1250x128xi32, #tpu.memory_space<hbm>> -> memref<1x128xi32, #tpu.memory_space<hbm>>
        %dma_wait3A_243 = arith.constant 39 : i32
        %dma_wait3A_244 = arith.constant 0 : i32
        %dma_wait3A_245 = tpu.memref_slice %arg8[%dma_wait3A_243, %dma_wait3A_244] : memref<40x128xi32, #tpu.memory_space<vmem>> -> memref<1x128xi32, #tpu.memory_space<vmem>>
        %dma_wait3A_246 = arith.constant 0 : i32
        %dma_wait3A_247 = tpu.memref_slice %arg4[%add3A_226, %dma_wait3A_246] : memref<1250x128xi32, #tpu.memory_space<hbm>> -> memref<1x128xi32, #tpu.memory_space<hbm>>
        tpu.wait_dma2 semaphore(%run_scoped3A_227 : memref<!tpu.dma_semaphore, #tpu.memory_space<semaphore_mem>>) src(%dma_wait3A_247 : memref<1x128xi32, #tpu.memory_space<hbm>>) dst(%dma_wait3A_245 : memref<1x128xi32, #tpu.memory_space<vmem>>)
        tpu.yield
      }) : () -> ()
    } else {
    }
    %dma_wait3A = arith.constant 0 : i32
    %dma_wait3A_73 = arith.constant 0 : i32
    %dma_wait3A_74 = arith.constant 0 : i32
    %dma_wait3A_75 = arith.constant 0 : i32
    %dma_wait3A_76 = arith.constant 0 : i32
    %dma_wait3A_77 = tpu.memref_slice %arg9[%dma_wait3A_73, %dma_wait3A_74, %dma_wait3A_75, %dma_wait3A_76] : memref<2x40x8x128xf32, #tpu.memory_space<vmem>> -> memref<1x39x8x128xf32, #tpu.memory_space<vmem>>
    %dma_wait3A_78 = tpu.memref_squeeze %dma_wait3A_77 : memref<1x39x8x128xf32, #tpu.memory_space<vmem>> -> memref<39x8x128xf32, #tpu.memory_space<vmem>>
    %dma_wait3A_79 = arith.constant 0 : i32
    %dma_wait3A_80 = arith.constant 0 : i32
    %dma_wait3A_81 = tpu.memref_slice %arg2[%dma_wait3A, %add3A_10, %dma_wait3A_79, %dma_wait3A_80] : memref<2x1250x8x128xf32, #tpu.memory_space<hbm>> -> memref<1x39x8x128xf32, #tpu.memory_space<hbm>>
    %dma_wait3A_82 = tpu.memref_squeeze %dma_wait3A_81 : memref<1x39x8x128xf32, #tpu.memory_space<hbm>> -> memref<39x8x128xf32, #tpu.memory_space<hbm>>
    %dma_wait3A_83 = arith.constant 0 : i32
    %dma_wait3A_84 = arith.constant 0 : i32
    %dma_wait3A_85 = arith.constant 0 : i32
    %dma_wait3A_86 = tpu.memref_slice %arg9[%dma_wait3A_73, %dma_wait3A_83, %dma_wait3A_84, %dma_wait3A_85] : memref<2x40x8x128xf32, #tpu.memory_space<vmem>> -> memref<1x39x8x128xf32, #tpu.memory_space<vmem>>
    %dma_wait3A_87 = tpu.memref_squeeze %dma_wait3A_86 : memref<1x39x8x128xf32, #tpu.memory_space<vmem>> -> memref<39x8x128xf32, #tpu.memory_space<vmem>>
    %dma_wait3A_88 = arith.constant 0 : i32
    %dma_wait3A_89 = arith.constant 0 : i32
    %dma_wait3A_90 = tpu.memref_slice %arg2[%dma_wait3A, %add3A_10, %dma_wait3A_88, %dma_wait3A_89] : memref<2x1250x8x128xf32, #tpu.memory_space<hbm>> -> memref<1x39x8x128xf32, #tpu.memory_space<hbm>>
    %dma_wait3A_91 = tpu.memref_squeeze %dma_wait3A_90 : memref<1x39x8x128xf32, #tpu.memory_space<hbm>> -> memref<39x8x128xf32, #tpu.memory_space<hbm>>
    tpu.wait_dma2 semaphore(%arg14 : memref<!tpu.dma_semaphore, #tpu.memory_space<semaphore_mem>>) src(%dma_wait3A_91 : memref<39x8x128xf32, #tpu.memory_space<hbm>>) dst(%dma_wait3A_87 : memref<39x8x128xf32, #tpu.memory_space<vmem>>)
    %dma_wait3A_92 = arith.constant 1 : i32
    %dma_wait3A_93 = arith.constant 1 : i32
    %dma_wait3A_94 = arith.constant 0 : i32
    %dma_wait3A_95 = arith.constant 0 : i32
    %dma_wait3A_96 = arith.constant 0 : i32
    %dma_wait3A_97 = tpu.memref_slice %arg9[%dma_wait3A_93, %dma_wait3A_94, %dma_wait3A_95, %dma_wait3A_96] : memref<2x40x8x128xf32, #tpu.memory_space<vmem>> -> memref<1x39x8x128xf32, #tpu.memory_space<vmem>>
    %dma_wait3A_98 = tpu.memref_squeeze %dma_wait3A_97 : memref<1x39x8x128xf32, #tpu.memory_space<vmem>> -> memref<39x8x128xf32, #tpu.memory_space<vmem>>
    %dma_wait3A_99 = arith.constant 0 : i32
    %dma_wait3A_100 = arith.constant 0 : i32
    %dma_wait3A_101 = tpu.memref_slice %arg2[%dma_wait3A_92, %add3A_10, %dma_wait3A_99, %dma_wait3A_100] : memref<2x1250x8x128xf32, #tpu.memory_space<hbm>> -> memref<1x39x8x128xf32, #tpu.memory_space<hbm>>
    %dma_wait3A_102 = tpu.memref_squeeze %dma_wait3A_101 : memref<1x39x8x128xf32, #tpu.memory_space<hbm>> -> memref<39x8x128xf32, #tpu.memory_space<hbm>>
    %dma_wait3A_103 = arith.constant 0 : i32
    %dma_wait3A_104 = arith.constant 0 : i32
    %dma_wait3A_105 = arith.constant 0 : i32
    %dma_wait3A_106 = tpu.memref_slice %arg9[%dma_wait3A_93, %dma_wait3A_103, %dma_wait3A_104, %dma_wait3A_105] : memref<2x40x8x128xf32, #tpu.memory_space<vmem>> -> memref<1x39x8x128xf32, #tpu.memory_space<vmem>>
    %dma_wait3A_107 = tpu.memref_squeeze %dma_wait3A_106 : memref<1x39x8x128xf32, #tpu.memory_space<vmem>> -> memref<39x8x128xf32, #tpu.memory_space<vmem>>
    %dma_wait3A_108 = arith.constant 0 : i32
    %dma_wait3A_109 = arith.constant 0 : i32
    %dma_wait3A_110 = tpu.memref_slice %arg2[%dma_wait3A_92, %add3A_10, %dma_wait3A_108, %dma_wait3A_109] : memref<2x1250x8x128xf32, #tpu.memory_space<hbm>> -> memref<1x39x8x128xf32, #tpu.memory_space<hbm>>
    %dma_wait3A_111 = tpu.memref_squeeze %dma_wait3A_110 : memref<1x39x8x128xf32, #tpu.memory_space<hbm>> -> memref<39x8x128xf32, #tpu.memory_space<hbm>>
    tpu.wait_dma2 semaphore(%arg14 : memref<!tpu.dma_semaphore, #tpu.memory_space<semaphore_mem>>) src(%dma_wait3A_111 : memref<39x8x128xf32, #tpu.memory_space<hbm>>) dst(%dma_wait3A_107 : memref<39x8x128xf32, #tpu.memory_space<vmem>>)
    %dma_wait3A_112 = arith.constant 0 : i32
    %dma_wait3A_113 = arith.constant 0 : i32
    %dma_wait3A_114 = tpu.memref_slice %arg7[%dma_wait3A_112, %dma_wait3A_113] : memref<40x128xi32, #tpu.memory_space<vmem>> -> memref<39x128xi32, #tpu.memory_space<vmem>>
    %dma_wait3A_115 = arith.constant 0 : i32
    %dma_wait3A_116 = tpu.memref_slice %arg3[%add3A_10, %dma_wait3A_115] : memref<1250x128xi32, #tpu.memory_space<hbm>> -> memref<39x128xi32, #tpu.memory_space<hbm>>
    %dma_wait3A_117 = arith.constant 0 : i32
    %dma_wait3A_118 = arith.constant 0 : i32
    %dma_wait3A_119 = tpu.memref_slice %arg7[%dma_wait3A_117, %dma_wait3A_118] : memref<40x128xi32, #tpu.memory_space<vmem>> -> memref<39x128xi32, #tpu.memory_space<vmem>>
    %dma_wait3A_120 = arith.constant 0 : i32
    %dma_wait3A_121 = tpu.memref_slice %arg3[%add3A_10, %dma_wait3A_120] : memref<1250x128xi32, #tpu.memory_space<hbm>> -> memref<39x128xi32, #tpu.memory_space<hbm>>
    tpu.wait_dma2 semaphore(%arg14 : memref<!tpu.dma_semaphore, #tpu.memory_space<semaphore_mem>>) src(%dma_wait3A_121 : memref<39x128xi32, #tpu.memory_space<hbm>>) dst(%dma_wait3A_119 : memref<39x128xi32, #tpu.memory_space<vmem>>)
    %dma_wait3A_122 = arith.constant 0 : i32
    %dma_wait3A_123 = arith.constant 0 : i32
    %dma_wait3A_124 = tpu.memref_slice %arg8[%dma_wait3A_122, %dma_wait3A_123] : memref<40x128xi32, #tpu.memory_space<vmem>> -> memref<39x128xi32, #tpu.memory_space<vmem>>
    %dma_wait3A_125 = arith.constant 0 : i32
    %dma_wait3A_126 = tpu.memref_slice %arg4[%add3A_10, %dma_wait3A_125] : memref<1250x128xi32, #tpu.memory_space<hbm>> -> memref<39x128xi32, #tpu.memory_space<hbm>>
    %dma_wait3A_127 = arith.constant 0 : i32
    %dma_wait3A_128 = arith.constant 0 : i32
    %dma_wait3A_129 = tpu.memref_slice %arg8[%dma_wait3A_127, %dma_wait3A_128] : memref<40x128xi32, #tpu.memory_space<vmem>> -> memref<39x128xi32, #tpu.memory_space<vmem>>
    %dma_wait3A_130 = arith.constant 0 : i32
    %dma_wait3A_131 = tpu.memref_slice %arg4[%add3A_10, %dma_wait3A_130] : memref<1250x128xi32, #tpu.memory_space<hbm>> -> memref<39x128xi32, #tpu.memory_space<hbm>>
    tpu.wait_dma2 semaphore(%arg14 : memref<!tpu.dma_semaphore, #tpu.memory_space<semaphore_mem>>) src(%dma_wait3A_131 : memref<39x128xi32, #tpu.memory_space<hbm>>) dst(%dma_wait3A_129 : memref<39x128xi32, #tpu.memory_space<vmem>>)
    %barrier3A = arith.constant 0 : index
    tpu.barrier barrier_id(%barrier3A)
    %iota3A = tpu.iota {dimensions = array<i32: 0>} : vector<16xi32>
    %add3A_132 = arith.constant 0 : i32
    %add3A_133 = vector.broadcast %add3A_132 : i32 to vector<16xi32>
    %add3A_134 = arith.addi %iota3A, %add3A_133 : vector<16xi32>
    %add3A_135 = arith.constant 16 : i32
    %add3A_136 = vector.broadcast %add3A_135 : i32 to vector<16xi32>
    %add3A_137 = arith.addi %iota3A, %add3A_136 : vector<16xi32>
    %add3A_138 = arith.constant 32 : i32
    %add3A_139 = vector.broadcast %add3A_138 : i32 to vector<16xi32>
    %add3A_140 = arith.addi %iota3A, %add3A_139 : vector<16xi32>
    %add3A_141 = arith.constant 48 : i32
    %add3A_142 = vector.broadcast %add3A_141 : i32 to vector<16xi32>
    %add3A_143 = arith.addi %iota3A, %add3A_142 : vector<16xi32>
    %add3A_144 = arith.constant 64 : i32
    %add3A_145 = vector.broadcast %add3A_144 : i32 to vector<16xi32>
    %add3A_146 = arith.addi %iota3A, %add3A_145 : vector<16xi32>
    %add3A_147 = arith.constant 80 : i32
    %add3A_148 = vector.broadcast %add3A_147 : i32 to vector<16xi32>
    %add3A_149 = arith.addi %iota3A, %add3A_148 : vector<16xi32>
    %add3A_150 = arith.constant 96 : i32
    %add3A_151 = vector.broadcast %add3A_150 : i32 to vector<16xi32>
    %add3A_152 = arith.addi %iota3A, %add3A_151 : vector<16xi32>
    %add3A_153 = arith.constant 112 : i32
    %add3A_154 = vector.broadcast %add3A_153 : i32 to vector<16xi32>
    %add3A_155 = arith.addi %iota3A, %add3A_154 : vector<16xi32>
    %while3A = arith.constant 0 : i32
    %while3A_156 = arith.constant 0 : i32
    %while3A_157 = arith.subi %add3A_6, %while3A_156 : i32
    %while3A_158 = arith.addi %while3A_156, %while3A_157 : i32
    %while3A_159 = arith.constant 1 : i32
    %while3A_160 = arith.divsi %while3A_157, %while3A_159 : i32
    %while3A_161 = arith.muli %while3A_160, %while3A_159 : i32
    %while3A_162 = arith.addi %while3A_156, %while3A_161 : i32
    %while3A_163 = arith.constant 1 : i32
    scf.for %while3A_215 = %while3A_156 to %while3A_162 step %while3A_163  : i32 {
      %and3A = arith.constant 1 : i32
      %and3A_216 = arith.andi %while3A_215, %and3A : i32
      %mul3A_217 = arith.constant 128 : i32
      %mul3A_218 = arith.muli %and3A_216, %mul3A_217 : i32
      %ge3A = arith.constant 2 : i32
      %ge3A_219 = arith.cmpi sge, %while3A_215, %ge3A : i32
      %convert_element_type3A_220 = arith.extui %ge3A_219 : i1 to i32
      %cond3A_221 = arith.constant 0 : i32
      %cond3A_222 = arith.cmpi ne, %convert_element_type3A_220, %cond3A_221 : i32
      scf.if %cond3A_222 {
        %dma_wait3A_245 = arith.constant 0 : i32
        %dma_wait3A_246 = tpu.memref_slice %arg10[%mul3A_218, %dma_wait3A_245] : memref<256x16xf32, #tpu.memory_space<vmem>> -> memref<128x16xf32, #tpu.memory_space<vmem>>
        %dma_wait3A_247 = arith.constant 0 : i32
        %dma_wait3A_248 = arith.constant 0 : i32
        %dma_wait3A_249 = tpu.memref_slice %arg5[%dma_wait3A_247, %dma_wait3A_248] : memref<10000x16xf32, #tpu.memory_space<hbm>> -> memref<128x16xf32, #tpu.memory_space<hbm>>
        %dma_wait3A_250 = arith.constant 0 : i32
        %dma_wait3A_251 = tpu.memref_slice %arg10[%mul3A_218, %dma_wait3A_250] : memref<256x16xf32, #tpu.memory_space<vmem>> -> memref<128x16xf32, #tpu.memory_space<vmem>>
        %dma_wait3A_252 = arith.constant 0 : i32
        %dma_wait3A_253 = arith.constant 0 : i32
        %dma_wait3A_254 = tpu.memref_slice %arg5[%dma_wait3A_252, %dma_wait3A_253] : memref<10000x16xf32, #tpu.memory_space<hbm>> -> memref<128x16xf32, #tpu.memory_space<hbm>>
        tpu.wait_dma2 semaphore(%arg15 : memref<!tpu.dma_semaphore, #tpu.memory_space<semaphore_mem>>) src(%dma_wait3A_254 : memref<128x16xf32, #tpu.memory_space<hbm>>) dst(%dma_wait3A_251 : memref<128x16xf32, #tpu.memory_space<vmem>>)
        %dma_wait3A_255 = arith.constant 0 : i32
        %dma_wait3A_256 = tpu.memref_slice %arg10[%mul3A_218, %dma_wait3A_255] : memref<256x16xf32, #tpu.memory_space<vmem>> -> memref<128x16xf32, #tpu.memory_space<vmem>>
        %dma_wait3A_257 = arith.constant 0 : i32
        %dma_wait3A_258 = arith.constant 0 : i32
        %dma_wait3A_259 = tpu.memref_slice %arg5[%dma_wait3A_257, %dma_wait3A_258] : memref<10000x16xf32, #tpu.memory_space<hbm>> -> memref<128x16xf32, #tpu.memory_space<hbm>>
        %dma_wait3A_260 = arith.constant 0 : i32
        %dma_wait3A_261 = tpu.memref_slice %arg10[%mul3A_218, %dma_wait3A_260] : memref<256x16xf32, #tpu.memory_space<vmem>> -> memref<128x16xf32, #tpu.memory_space<vmem>>
        %dma_wait3A_262 = arith.constant 0 : i32
        %dma_wait3A_263 = arith.constant 0 : i32
        %dma_wait3A_264 = tpu.memref_slice %arg5[%dma_wait3A_262, %dma_wait3A_263] : memref<10000x16xf32, #tpu.memory_space<hbm>> -> memref<128x16xf32, #tpu.memory_space<hbm>>
        tpu.wait_dma2 semaphore(%arg15 : memref<!tpu.dma_semaphore, #tpu.memory_space<semaphore_mem>>) src(%dma_wait3A_264 : memref<128x16xf32, #tpu.memory_space<hbm>>) dst(%dma_wait3A_261 : memref<128x16xf32, #tpu.memory_space<vmem>>)
      } else {
      }
      %broadcast_in_dim3A = vector.broadcast %while3A_215 : i32 to vector<16xi32>
      %broadcast_in_dim3A_223 = vector.broadcast %mul3A_218 : i32 to vector<16xi32>
      %scan3A = arith.constant 0 : i32
      %scan3A_224 = arith.constant 0 : i32
      %scan3A_225 = arith.constant 16 : i32
      %scan3A_226 = arith.addi %scan3A_224, %scan3A_225 : i32
      %scan3A_227 = arith.constant 1 : i32
      scf.for %scan3A_245 = %scan3A_224 to %scan3A_226 step %scan3A_227  : i32 {
        %add3A_246 = vector.broadcast %scan3A_245 : i32 to vector<16xi32>
        %add3A_247 = arith.addi %iota3A, %add3A_246 : vector<16xi32>
        %and3A_248 = arith.constant 15 : i32
        %and3A_249 = vector.broadcast %and3A_248 : i32 to vector<16xi32>
        %and3A_250 = arith.andi %add3A_247, %and3A_249 : vector<16xi32>
        %shift_right_arithmetic3A = arith.constant 3 : i32
        %shift_right_arithmetic3A_251 = vector.broadcast %shift_right_arithmetic3A : i32 to vector<16xi32>
        %shift_right_arithmetic3A_252 = arith.shrsi %and3A_250, %shift_right_arithmetic3A_251 : vector<16xi32>
        %and3A_253 = arith.constant 7 : i32
        %and3A_254 = vector.broadcast %and3A_253 : i32 to vector<16xi32>
        %and3A_255 = arith.andi %and3A_250, %and3A_254 : vector<16xi32>
        %gather3A = tpu.vector_load_idx %arg9[%shift_right_arithmetic3A_252, %broadcast_in_dim3A, %and3A_255, %add3A_134] : memref<2x40x8x128xf32, #tpu.memory_space<vmem>>[vector<16xi32>, vector<16xi32>, vector<16xi32>, vector<16xi32>], vector<16xf32>,
        %add3A_256 = arith.addi %broadcast_in_dim3A_223, %add3A_134 : vector<16xi32>
        tpu.vector_store_idx %arg10[%add3A_256, %and3A_250], %gather3A : memref<256x16xf32, #tpu.memory_space<vmem>>[vector<16xi32>, vector<16xi32>], vector<16xf32>,
        %gather3A_257 = tpu.vector_load_idx %arg9[%shift_right_arithmetic3A_252, %broadcast_in_dim3A, %and3A_255, %add3A_137] : memref<2x40x8x128xf32, #tpu.memory_space<vmem>>[vector<16xi32>, vector<16xi32>, vector<16xi32>, vector<16xi32>], vector<16xf32>,
        %add3A_258 = arith.addi %broadcast_in_dim3A_223, %add3A_137 : vector<16xi32>
        tpu.vector_store_idx %arg10[%add3A_258, %and3A_250], %gather3A_257 : memref<256x16xf32, #tpu.memory_space<vmem>>[vector<16xi32>, vector<16xi32>], vector<16xf32>,
        %gather3A_259 = tpu.vector_load_idx %arg9[%shift_right_arithmetic3A_252, %broadcast_in_dim3A, %and3A_255, %add3A_140] : memref<2x40x8x128xf32, #tpu.memory_space<vmem>>[vector<16xi32>, vector<16xi32>, vector<16xi32>, vector<16xi32>], vector<16xf32>,
        %add3A_260 = arith.addi %broadcast_in_dim3A_223, %add3A_140 : vector<16xi32>
        tpu.vector_store_idx %arg10[%add3A_260, %and3A_250], %gather3A_259 : memref<256x16xf32, #tpu.memory_space<vmem>>[vector<16xi32>, vector<16xi32>], vector<16xf32>,
        %gather3A_261 = tpu.vector_load_idx %arg9[%shift_right_arithmetic3A_252, %broadcast_in_dim3A, %and3A_255, %add3A_143] : memref<2x40x8x128xf32, #tpu.memory_space<vmem>>[vector<16xi32>, vector<16xi32>, vector<16xi32>, vector<16xi32>], vector<16xf32>,
        %add3A_262 = arith.addi %broadcast_in_dim3A_223, %add3A_143 : vector<16xi32>
        tpu.vector_store_idx %arg10[%add3A_262, %and3A_250], %gather3A_261 : memref<256x16xf32, #tpu.memory_space<vmem>>[vector<16xi32>, vector<16xi32>], vector<16xf32>,
        %gather3A_263 = tpu.vector_load_idx %arg9[%shift_right_arithmetic3A_252, %broadcast_in_dim3A, %and3A_255, %add3A_146] : memref<2x40x8x128xf32, #tpu.memory_space<vmem>>[vector<16xi32>, vector<16xi32>, vector<16xi32>, vector<16xi32>], vector<16xf32>,
        %add3A_264 = arith.addi %broadcast_in_dim3A_223, %add3A_146 : vector<16xi32>
        tpu.vector_store_idx %arg10[%add3A_264, %and3A_250], %gather3A_263 : memref<256x16xf32, #tpu.memory_space<vmem>>[vector<16xi32>, vector<16xi32>], vector<16xf32>,
        %gather3A_265 = tpu.vector_load_idx %arg9[%shift_right_arithmetic3A_252, %broadcast_in_dim3A, %and3A_255, %add3A_149] : memref<2x40x8x128xf32, #tpu.memory_space<vmem>>[vector<16xi32>, vector<16xi32>, vector<16xi32>, vector<16xi32>], vector<16xf32>,
        %add3A_266 = arith.addi %broadcast_in_dim3A_223, %add3A_149 : vector<16xi32>
        tpu.vector_store_idx %arg10[%add3A_266, %and3A_250], %gather3A_265 : memref<256x16xf32, #tpu.memory_space<vmem>>[vector<16xi32>, vector<16xi32>], vector<16xf32>,
        %gather3A_267 = tpu.vector_load_idx %arg9[%shift_right_arithmetic3A_252, %broadcast_in_dim3A, %and3A_255, %add3A_152] : memref<2x40x8x128xf32, #tpu.memory_space<vmem>>[vector<16xi32>, vector<16xi32>, vector<16xi32>, vector<16xi32>], vector<16xf32>,
        %add3A_268 = arith.addi %broadcast_in_dim3A_223, %add3A_152 : vector<16xi32>
        tpu.vector_store_idx %arg10[%add3A_268, %and3A_250], %gather3A_267 : memref<256x16xf32, #tpu.memory_space<vmem>>[vector<16xi32>, vector<16xi32>], vector<16xf32>,
        %gather3A_269 = tpu.vector_load_idx %arg9[%shift_right_arithmetic3A_252, %broadcast_in_dim3A, %and3A_255, %add3A_155] : memref<2x40x8x128xf32, #tpu.memory_space<vmem>>[vector<16xi32>, vector<16xi32>, vector<16xi32>, vector<16xi32>], vector<16xf32>,
        %add3A_270 = arith.addi %broadcast_in_dim3A_223, %add3A_155 : vector<16xi32>
        tpu.vector_store_idx %arg10[%add3A_270, %and3A_250], %gather3A_269 : memref<256x16xf32, #tpu.memory_space<vmem>>[vector<16xi32>, vector<16xi32>], vector<16xf32>,
      }
      %scan3A_228 = arith.constant 16 : i32
      %dma_start3A_229 = arith.constant 0 : i32
      %dma_start3A_230 = tpu.memref_slice %arg10[%mul3A_218, %dma_start3A_229] : memref<256x16xf32, #tpu.memory_space<vmem>> -> memref<128x16xf32, #tpu.memory_space<vmem>>
      %dma_start3A_231 = arith.constant 0 : i32
      %dma_start3A_232 = tpu.memref_slice %arg7[%while3A_215, %dma_start3A_231] : memref<40x128xi32, #tpu.memory_space<vmem>> -> memref<1x128xi32, #tpu.memory_space<vmem>>
      %dma_start3A_233 = tpu.memref_squeeze %dma_start3A_232 : memref<1x128xi32, #tpu.memory_space<vmem>> -> memref<128xi32, #tpu.memory_space<vmem>>
      %dma_start3A_234 = arith.constant 0 : i32
      %dma_start3A_235 = arith.constant 0 : i32
      %dma_start3A_236 = tpu.memref_slice %arg12[%dma_start3A_234, %dma_start3A_235] : memref<10000x16xf32, #tpu.memory_space<vmem_shared>> -> memref<10000x16xf32, #tpu.memory_space<vmem_shared>>
      tpu.enqueue_indirect_dma source(%dma_start3A_230 : memref<128x16xf32, #tpu.memory_space<vmem>>) target(%dma_start3A_236 : memref<10000x16xf32, #tpu.memory_space<vmem_shared>>) offsets(%dma_start3A_233 : memref<128xi32, #tpu.memory_space<vmem>>) semaphore(%arg15 : memref<!tpu.dma_semaphore, #tpu.memory_space<semaphore_mem>>) {add = true}
      %dma_start3A_237 = arith.constant 0 : i32
      %dma_start3A_238 = tpu.memref_slice %arg10[%mul3A_218, %dma_start3A_237] : memref<256x16xf32, #tpu.memory_space<vmem>> -> memref<128x16xf32, #tpu.memory_space<vmem>>
      %dma_start3A_239 = arith.constant 0 : i32
      %dma_start3A_240 = tpu.memref_slice %arg8[%while3A_215, %dma_start3A_239] : memref<40x128xi32, #tpu.memory_space<vmem>> -> memref<1x128xi32, #tpu.memory_space<vmem>>
      %dma_start3A_241 = tpu.memref_squeeze %dma_start3A_240 : memref<1x128xi32, #tpu.memory_space<vmem>> -> memref<128xi32, #tpu.memory_space<vmem>>
      %dma_start3A_242 = arith.constant 0 : i32
      %dma_start3A_243 = arith.constant 0 : i32
      %dma_start3A_244 = tpu.memref_slice %arg13[%dma_start3A_242, %dma_start3A_243] : memref<10000x16xf32, #tpu.memory_space<vmem_shared>> -> memref<10000x16xf32, #tpu.memory_space<vmem_shared>>
      tpu.enqueue_indirect_dma source(%dma_start3A_238 : memref<128x16xf32, #tpu.memory_space<vmem>>) target(%dma_start3A_244 : memref<10000x16xf32, #tpu.memory_space<vmem_shared>>) offsets(%dma_start3A_241 : memref<128xi32, #tpu.memory_space<vmem>>) semaphore(%arg15 : memref<!tpu.dma_semaphore, #tpu.memory_space<semaphore_mem>>) {add = true}
    }
    %while3A_164 = arith.constant 1 : i32
    scf.for %while3A_215 = %while3A_162 to %while3A_158 step %while3A_164  : i32 {
      %and3A = arith.constant 1 : i32
      %and3A_216 = arith.andi %while3A_215, %and3A : i32
      %mul3A_217 = arith.constant 128 : i32
      %mul3A_218 = arith.muli %and3A_216, %mul3A_217 : i32
      %ge3A = arith.constant 2 : i32
      %ge3A_219 = arith.cmpi sge, %while3A_215, %ge3A : i32
      %convert_element_type3A_220 = arith.extui %ge3A_219 : i1 to i32
      %cond3A_221 = arith.constant 0 : i32
      %cond3A_222 = arith.cmpi ne, %convert_element_type3A_220, %cond3A_221 : i32
      scf.if %cond3A_222 {
        %dma_wait3A_245 = arith.constant 0 : i32
        %dma_wait3A_246 = tpu.memref_slice %arg10[%mul3A_218, %dma_wait3A_245] : memref<256x16xf32, #tpu.memory_space<vmem>> -> memref<128x16xf32, #tpu.memory_space<vmem>>
        %dma_wait3A_247 = arith.constant 0 : i32
        %dma_wait3A_248 = arith.constant 0 : i32
        %dma_wait3A_249 = tpu.memref_slice %arg5[%dma_wait3A_247, %dma_wait3A_248] : memref<10000x16xf32, #tpu.memory_space<hbm>> -> memref<128x16xf32, #tpu.memory_space<hbm>>
        %dma_wait3A_250 = arith.constant 0 : i32
        %dma_wait3A_251 = tpu.memref_slice %arg10[%mul3A_218, %dma_wait3A_250] : memref<256x16xf32, #tpu.memory_space<vmem>> -> memref<128x16xf32, #tpu.memory_space<vmem>>
        %dma_wait3A_252 = arith.constant 0 : i32
        %dma_wait3A_253 = arith.constant 0 : i32
        %dma_wait3A_254 = tpu.memref_slice %arg5[%dma_wait3A_252, %dma_wait3A_253] : memref<10000x16xf32, #tpu.memory_space<hbm>> -> memref<128x16xf32, #tpu.memory_space<hbm>>
        tpu.wait_dma2 semaphore(%arg15 : memref<!tpu.dma_semaphore, #tpu.memory_space<semaphore_mem>>) src(%dma_wait3A_254 : memref<128x16xf32, #tpu.memory_space<hbm>>) dst(%dma_wait3A_251 : memref<128x16xf32, #tpu.memory_space<vmem>>)
        %dma_wait3A_255 = arith.constant 0 : i32
        %dma_wait3A_256 = tpu.memref_slice %arg10[%mul3A_218, %dma_wait3A_255] : memref<256x16xf32, #tpu.memory_space<vmem>> -> memref<128x16xf32, #tpu.memory_space<vmem>>
        %dma_wait3A_257 = arith.constant 0 : i32
        %dma_wait3A_258 = arith.constant 0 : i32
        %dma_wait3A_259 = tpu.memref_slice %arg5[%dma_wait3A_257, %dma_wait3A_258] : memref<10000x16xf32, #tpu.memory_space<hbm>> -> memref<128x16xf32, #tpu.memory_space<hbm>>
        %dma_wait3A_260 = arith.constant 0 : i32
        %dma_wait3A_261 = tpu.memref_slice %arg10[%mul3A_218, %dma_wait3A_260] : memref<256x16xf32, #tpu.memory_space<vmem>> -> memref<128x16xf32, #tpu.memory_space<vmem>>
        %dma_wait3A_262 = arith.constant 0 : i32
        %dma_wait3A_263 = arith.constant 0 : i32
        %dma_wait3A_264 = tpu.memref_slice %arg5[%dma_wait3A_262, %dma_wait3A_263] : memref<10000x16xf32, #tpu.memory_space<hbm>> -> memref<128x16xf32, #tpu.memory_space<hbm>>
        tpu.wait_dma2 semaphore(%arg15 : memref<!tpu.dma_semaphore, #tpu.memory_space<semaphore_mem>>) src(%dma_wait3A_264 : memref<128x16xf32, #tpu.memory_space<hbm>>) dst(%dma_wait3A_261 : memref<128x16xf32, #tpu.memory_space<vmem>>)
      } else {
      }
      %broadcast_in_dim3A = vector.broadcast %while3A_215 : i32 to vector<16xi32>
      %broadcast_in_dim3A_223 = vector.broadcast %mul3A_218 : i32 to vector<16xi32>
      %scan3A = arith.constant 0 : i32
      %scan3A_224 = arith.constant 0 : i32
      %scan3A_225 = arith.constant 16 : i32
      %scan3A_226 = arith.addi %scan3A_224, %scan3A_225 : i32
      %scan3A_227 = arith.constant 1 : i32
      scf.for %scan3A_245 = %scan3A_224 to %scan3A_226 step %scan3A_227  : i32 {
        %add3A_246 = vector.broadcast %scan3A_245 : i32 to vector<16xi32>
        %add3A_247 = arith.addi %iota3A, %add3A_246 : vector<16xi32>
        %and3A_248 = arith.constant 15 : i32
        %and3A_249 = vector.broadcast %and3A_248 : i32 to vector<16xi32>
        %and3A_250 = arith.andi %add3A_247, %and3A_249 : vector<16xi32>
        %shift_right_arithmetic3A = arith.constant 3 : i32
        %shift_right_arithmetic3A_251 = vector.broadcast %shift_right_arithmetic3A : i32 to vector<16xi32>
        %shift_right_arithmetic3A_252 = arith.shrsi %and3A_250, %shift_right_arithmetic3A_251 : vector<16xi32>
        %and3A_253 = arith.constant 7 : i32
        %and3A_254 = vector.broadcast %and3A_253 : i32 to vector<16xi32>
        %and3A_255 = arith.andi %and3A_250, %and3A_254 : vector<16xi32>
        %gather3A = tpu.vector_load_idx %arg9[%shift_right_arithmetic3A_252, %broadcast_in_dim3A, %and3A_255, %add3A_134] : memref<2x40x8x128xf32, #tpu.memory_space<vmem>>[vector<16xi32>, vector<16xi32>, vector<16xi32>, vector<16xi32>], vector<16xf32>,
        %add3A_256 = arith.addi %broadcast_in_dim3A_223, %add3A_134 : vector<16xi32>
        tpu.vector_store_idx %arg10[%add3A_256, %and3A_250], %gather3A : memref<256x16xf32, #tpu.memory_space<vmem>>[vector<16xi32>, vector<16xi32>], vector<16xf32>,
        %gather3A_257 = tpu.vector_load_idx %arg9[%shift_right_arithmetic3A_252, %broadcast_in_dim3A, %and3A_255, %add3A_137] : memref<2x40x8x128xf32, #tpu.memory_space<vmem>>[vector<16xi32>, vector<16xi32>, vector<16xi32>, vector<16xi32>], vector<16xf32>,
        %add3A_258 = arith.addi %broadcast_in_dim3A_223, %add3A_137 : vector<16xi32>
        tpu.vector_store_idx %arg10[%add3A_258, %and3A_250], %gather3A_257 : memref<256x16xf32, #tpu.memory_space<vmem>>[vector<16xi32>, vector<16xi32>], vector<16xf32>,
        %gather3A_259 = tpu.vector_load_idx %arg9[%shift_right_arithmetic3A_252, %broadcast_in_dim3A, %and3A_255, %add3A_140] : memref<2x40x8x128xf32, #tpu.memory_space<vmem>>[vector<16xi32>, vector<16xi32>, vector<16xi32>, vector<16xi32>], vector<16xf32>,
        %add3A_260 = arith.addi %broadcast_in_dim3A_223, %add3A_140 : vector<16xi32>
        tpu.vector_store_idx %arg10[%add3A_260, %and3A_250], %gather3A_259 : memref<256x16xf32, #tpu.memory_space<vmem>>[vector<16xi32>, vector<16xi32>], vector<16xf32>,
        %gather3A_261 = tpu.vector_load_idx %arg9[%shift_right_arithmetic3A_252, %broadcast_in_dim3A, %and3A_255, %add3A_143] : memref<2x40x8x128xf32, #tpu.memory_space<vmem>>[vector<16xi32>, vector<16xi32>, vector<16xi32>, vector<16xi32>], vector<16xf32>,
        %add3A_262 = arith.addi %broadcast_in_dim3A_223, %add3A_143 : vector<16xi32>
        tpu.vector_store_idx %arg10[%add3A_262, %and3A_250], %gather3A_261 : memref<256x16xf32, #tpu.memory_space<vmem>>[vector<16xi32>, vector<16xi32>], vector<16xf32>,
        %gather3A_263 = tpu.vector_load_idx %arg9[%shift_right_arithmetic3A_252, %broadcast_in_dim3A, %and3A_255, %add3A_146] : memref<2x40x8x128xf32, #tpu.memory_space<vmem>>[vector<16xi32>, vector<16xi32>, vector<16xi32>, vector<16xi32>], vector<16xf32>,
        %add3A_264 = arith.addi %broadcast_in_dim3A_223, %add3A_146 : vector<16xi32>
        tpu.vector_store_idx %arg10[%add3A_264, %and3A_250], %gather3A_263 : memref<256x16xf32, #tpu.memory_space<vmem>>[vector<16xi32>, vector<16xi32>], vector<16xf32>,
        %gather3A_265 = tpu.vector_load_idx %arg9[%shift_right_arithmetic3A_252, %broadcast_in_dim3A, %and3A_255, %add3A_149] : memref<2x40x8x128xf32, #tpu.memory_space<vmem>>[vector<16xi32>, vector<16xi32>, vector<16xi32>, vector<16xi32>], vector<16xf32>,
        %add3A_266 = arith.addi %broadcast_in_dim3A_223, %add3A_149 : vector<16xi32>
        tpu.vector_store_idx %arg10[%add3A_266, %and3A_250], %gather3A_265 : memref<256x16xf32, #tpu.memory_space<vmem>>[vector<16xi32>, vector<16xi32>], vector<16xf32>,
        %gather3A_267 = tpu.vector_load_idx %arg9[%shift_right_arithmetic3A_252, %broadcast_in_dim3A, %and3A_255, %add3A_152] : memref<2x40x8x128xf32, #tpu.memory_space<vmem>>[vector<16xi32>, vector<16xi32>, vector<16xi32>, vector<16xi32>], vector<16xf32>,
        %add3A_268 = arith.addi %broadcast_in_dim3A_223, %add3A_152 : vector<16xi32>
        tpu.vector_store_idx %arg10[%add3A_268, %and3A_250], %gather3A_267 : memref<256x16xf32, #tpu.memory_space<vmem>>[vector<16xi32>, vector<16xi32>], vector<16xf32>,
        %gather3A_269 = tpu.vector_load_idx %arg9[%shift_right_arithmetic3A_252, %broadcast_in_dim3A, %and3A_255, %add3A_155] : memref<2x40x8x128xf32, #tpu.memory_space<vmem>>[vector<16xi32>, vector<16xi32>, vector<16xi32>, vector<16xi32>], vector<16xf32>,
        %add3A_270 = arith.addi %broadcast_in_dim3A_223, %add3A_155 : vector<16xi32>
        tpu.vector_store_idx %arg10[%add3A_270, %and3A_250], %gather3A_269 : memref<256x16xf32, #tpu.memory_space<vmem>>[vector<16xi32>, vector<16xi32>], vector<16xf32>,
      }
      %scan3A_228 = arith.constant 16 : i32
      %dma_start3A_229 = arith.constant 0 : i32
      %dma_start3A_230 = tpu.memref_slice %arg10[%mul3A_218, %dma_start3A_229] : memref<256x16xf32, #tpu.memory_space<vmem>> -> memref<128x16xf32, #tpu.memory_space<vmem>>
      %dma_start3A_231 = arith.constant 0 : i32
      %dma_start3A_232 = tpu.memref_slice %arg7[%while3A_215, %dma_start3A_231] : memref<40x128xi32, #tpu.memory_space<vmem>> -> memref<1x128xi32, #tpu.memory_space<vmem>>
      %dma_start3A_233 = tpu.memref_squeeze %dma_start3A_232 : memref<1x128xi32, #tpu.memory_space<vmem>> -> memref<128xi32, #tpu.memory_space<vmem>>
      %dma_start3A_234 = arith.constant 0 : i32
      %dma_start3A_235 = arith.constant 0 : i32
      %dma_start3A_236 = tpu.memref_slice %arg12[%dma_start3A_234, %dma_start3A_235] : memref<10000x16xf32, #tpu.memory_space<vmem_shared>> -> memref<10000x16xf32, #tpu.memory_space<vmem_shared>>
      tpu.enqueue_indirect_dma source(%dma_start3A_230 : memref<128x16xf32, #tpu.memory_space<vmem>>) target(%dma_start3A_236 : memref<10000x16xf32, #tpu.memory_space<vmem_shared>>) offsets(%dma_start3A_233 : memref<128xi32, #tpu.memory_space<vmem>>) semaphore(%arg15 : memref<!tpu.dma_semaphore, #tpu.memory_space<semaphore_mem>>) {add = true}
      %dma_start3A_237 = arith.constant 0 : i32
      %dma_start3A_238 = tpu.memref_slice %arg10[%mul3A_218, %dma_start3A_237] : memref<256x16xf32, #tpu.memory_space<vmem>> -> memref<128x16xf32, #tpu.memory_space<vmem>>
      %dma_start3A_239 = arith.constant 0 : i32
      %dma_start3A_240 = tpu.memref_slice %arg8[%while3A_215, %dma_start3A_239] : memref<40x128xi32, #tpu.memory_space<vmem>> -> memref<1x128xi32, #tpu.memory_space<vmem>>
      %dma_start3A_241 = tpu.memref_squeeze %dma_start3A_240 : memref<1x128xi32, #tpu.memory_space<vmem>> -> memref<128xi32, #tpu.memory_space<vmem>>
      %dma_start3A_242 = arith.constant 0 : i32
      %dma_start3A_243 = arith.constant 0 : i32
      %dma_start3A_244 = tpu.memref_slice %arg13[%dma_start3A_242, %dma_start3A_243] : memref<10000x16xf32, #tpu.memory_space<vmem_shared>> -> memref<10000x16xf32, #tpu.memory_space<vmem_shared>>
      tpu.enqueue_indirect_dma source(%dma_start3A_238 : memref<128x16xf32, #tpu.memory_space<vmem>>) target(%dma_start3A_244 : memref<10000x16xf32, #tpu.memory_space<vmem_shared>>) offsets(%dma_start3A_241 : memref<128xi32, #tpu.memory_space<vmem>>) semaphore(%arg15 : memref<!tpu.dma_semaphore, #tpu.memory_space<semaphore_mem>>) {add = true}
    }
    %dma_wait3A_165 = arith.constant 0 : i32
    %dma_wait3A_166 = arith.constant 0 : i32
    %dma_wait3A_167 = tpu.memref_slice %arg10[%dma_wait3A_165, %dma_wait3A_166] : memref<256x16xf32, #tpu.memory_space<vmem>> -> memref<128x16xf32, #tpu.memory_space<vmem>>
    %dma_wait3A_168 = arith.constant 0 : i32
    %dma_wait3A_169 = arith.constant 0 : i32
    %dma_wait3A_170 = tpu.memref_slice %arg5[%dma_wait3A_168, %dma_wait3A_169] : memref<10000x16xf32, #tpu.memory_space<hbm>> -> memref<128x16xf32, #tpu.memory_space<hbm>>
    %dma_wait3A_171 = arith.constant 0 : i32
    %dma_wait3A_172 = arith.constant 0 : i32
    %dma_wait3A_173 = tpu.memref_slice %arg10[%dma_wait3A_171, %dma_wait3A_172] : memref<256x16xf32, #tpu.memory_space<vmem>> -> memref<128x16xf32, #tpu.memory_space<vmem>>
    %dma_wait3A_174 = arith.constant 0 : i32
    %dma_wait3A_175 = arith.constant 0 : i32
    %dma_wait3A_176 = tpu.memref_slice %arg5[%dma_wait3A_174, %dma_wait3A_175] : memref<10000x16xf32, #tpu.memory_space<hbm>> -> memref<128x16xf32, #tpu.memory_space<hbm>>
    tpu.wait_dma2 semaphore(%arg15 : memref<!tpu.dma_semaphore, #tpu.memory_space<semaphore_mem>>) src(%dma_wait3A_176 : memref<128x16xf32, #tpu.memory_space<hbm>>) dst(%dma_wait3A_173 : memref<128x16xf32, #tpu.memory_space<vmem>>)
    %dma_wait3A_177 = arith.constant 0 : i32
    %dma_wait3A_178 = arith.constant 0 : i32
    %dma_wait3A_179 = tpu.memref_slice %arg10[%dma_wait3A_177, %dma_wait3A_178] : memref<256x16xf32, #tpu.memory_space<vmem>> -> memref<128x16xf32, #tpu.memory_space<vmem>>
    %dma_wait3A_180 = arith.constant 0 : i32
    %dma_wait3A_181 = arith.constant 0 : i32
    %dma_wait3A_182 = tpu.memref_slice %arg5[%dma_wait3A_180, %dma_wait3A_181] : memref<10000x16xf32, #tpu.memory_space<hbm>> -> memref<128x16xf32, #tpu.memory_space<hbm>>
    %dma_wait3A_183 = arith.constant 0 : i32
    %dma_wait3A_184 = arith.constant 0 : i32
    %dma_wait3A_185 = tpu.memref_slice %arg10[%dma_wait3A_183, %dma_wait3A_184] : memref<256x16xf32, #tpu.memory_space<vmem>> -> memref<128x16xf32, #tpu.memory_space<vmem>>
    %dma_wait3A_186 = arith.constant 0 : i32
    %dma_wait3A_187 = arith.constant 0 : i32
    %dma_wait3A_188 = tpu.memref_slice %arg5[%dma_wait3A_186, %dma_wait3A_187] : memref<10000x16xf32, #tpu.memory_space<hbm>> -> memref<128x16xf32, #tpu.memory_space<hbm>>
    tpu.wait_dma2 semaphore(%arg15 : memref<!tpu.dma_semaphore, #tpu.memory_space<semaphore_mem>>) src(%dma_wait3A_188 : memref<128x16xf32, #tpu.memory_space<hbm>>) dst(%dma_wait3A_185 : memref<128x16xf32, #tpu.memory_space<vmem>>)
    %dma_wait3A_189 = arith.constant 0 : i32
    %dma_wait3A_190 = arith.constant 0 : i32
    %dma_wait3A_191 = tpu.memref_slice %arg10[%dma_wait3A_189, %dma_wait3A_190] : memref<256x16xf32, #tpu.memory_space<vmem>> -> memref<128x16xf32, #tpu.memory_space<vmem>>
    %dma_wait3A_192 = arith.constant 0 : i32
    %dma_wait3A_193 = arith.constant 0 : i32
    %dma_wait3A_194 = tpu.memref_slice %arg5[%dma_wait3A_192, %dma_wait3A_193] : memref<10000x16xf32, #tpu.memory_space<hbm>> -> memref<128x16xf32, #tpu.memory_space<hbm>>
    %dma_wait3A_195 = arith.constant 0 : i32
    %dma_wait3A_196 = arith.constant 0 : i32
    %dma_wait3A_197 = tpu.memref_slice %arg10[%dma_wait3A_195, %dma_wait3A_196] : memref<256x16xf32, #tpu.memory_space<vmem>> -> memref<128x16xf32, #tpu.memory_space<vmem>>
    %dma_wait3A_198 = arith.constant 0 : i32
    %dma_wait3A_199 = arith.constant 0 : i32
    %dma_wait3A_200 = tpu.memref_slice %arg5[%dma_wait3A_198, %dma_wait3A_199] : memref<10000x16xf32, #tpu.memory_space<hbm>> -> memref<128x16xf32, #tpu.memory_space<hbm>>
    tpu.wait_dma2 semaphore(%arg15 : memref<!tpu.dma_semaphore, #tpu.memory_space<semaphore_mem>>) src(%dma_wait3A_200 : memref<128x16xf32, #tpu.memory_space<hbm>>) dst(%dma_wait3A_197 : memref<128x16xf32, #tpu.memory_space<vmem>>)
    %dma_wait3A_201 = arith.constant 0 : i32
    %dma_wait3A_202 = arith.constant 0 : i32
    %dma_wait3A_203 = tpu.memref_slice %arg10[%dma_wait3A_201, %dma_wait3A_202] : memref<256x16xf32, #tpu.memory_space<vmem>> -> memref<128x16xf32, #tpu.memory_space<vmem>>
    %dma_wait3A_204 = arith.constant 0 : i32
    %dma_wait3A_205 = arith.constant 0 : i32
    %dma_wait3A_206 = tpu.memref_slice %arg5[%dma_wait3A_204, %dma_wait3A_205] : memref<10000x16xf32, #tpu.memory_space<hbm>> -> memref<128x16xf32, #tpu.memory_space<hbm>>
    %dma_wait3A_207 = arith.constant 0 : i32
    %dma_wait3A_208 = arith.constant 0 : i32
    %dma_wait3A_209 = tpu.memref_slice %arg10[%dma_wait3A_207, %dma_wait3A_208] : memref<256x16xf32, #tpu.memory_space<vmem>> -> memref<128x16xf32, #tpu.memory_space<vmem>>
    %dma_wait3A_210 = arith.constant 0 : i32
    %dma_wait3A_211 = arith.constant 0 : i32
    %dma_wait3A_212 = tpu.memref_slice %arg5[%dma_wait3A_210, %dma_wait3A_211] : memref<10000x16xf32, #tpu.memory_space<hbm>> -> memref<128x16xf32, #tpu.memory_space<hbm>>
    tpu.wait_dma2 semaphore(%arg15 : memref<!tpu.dma_semaphore, #tpu.memory_space<semaphore_mem>>) src(%dma_wait3A_212 : memref<128x16xf32, #tpu.memory_space<hbm>>) dst(%dma_wait3A_209 : memref<128x16xf32, #tpu.memory_space<vmem>>)
    %barrier3A_213 = arith.constant 0 : index
    tpu.barrier barrier_id(%barrier3A_213)
    "tpu.region"() ({
      %run_scoped3A_215 = tpu.sem_alloc : memref<!tpu.dma_semaphore, #tpu.memory_space<semaphore_mem>>
      %dma_start3A_216 = arith.constant 0 : i32
      %dma_start3A_217 = tpu.memref_slice %arg12[%mul3A_2, %dma_start3A_216] : memref<10000x16xf32, #tpu.memory_space<vmem_shared>> -> memref<625x16xf32, #tpu.memory_space<vmem_shared>>
      %dma_start3A_218 = arith.constant 0 : i32
      %dma_start3A_219 = tpu.memref_slice %arg12[%mul3A_2, %dma_start3A_218] : memref<10000x16xf32, #tpu.memory_space<vmem_shared>> -> memref<625x16xf32, #tpu.memory_space<vmem_shared>>
      tpu.enqueue_dma source(%dma_start3A_219 : memref<625x16xf32, #tpu.memory_space<vmem_shared>>) target(%arg11 : memref<625x16xf32, #tpu.memory_space<vmem>>) target_semaphore(%run_scoped3A_215 : memref<!tpu.dma_semaphore, #tpu.memory_space<semaphore_mem>>)
      %dma_wait3A_220 = arith.constant 0 : i32
      %dma_wait3A_221 = tpu.memref_slice %arg12[%mul3A_2, %dma_wait3A_220] : memref<10000x16xf32, #tpu.memory_space<vmem_shared>> -> memref<625x16xf32, #tpu.memory_space<vmem_shared>>
      %dma_wait3A_222 = arith.constant 0 : i32
      %dma_wait3A_223 = tpu.memref_slice %arg12[%mul3A_2, %dma_wait3A_222] : memref<10000x16xf32, #tpu.memory_space<vmem_shared>> -> memref<625x16xf32, #tpu.memory_space<vmem_shared>>
      tpu.wait_dma2 semaphore(%run_scoped3A_215 : memref<!tpu.dma_semaphore, #tpu.memory_space<semaphore_mem>>) src(%dma_wait3A_223 : memref<625x16xf32, #tpu.memory_space<vmem_shared>>) dst(%arg11 : memref<625x16xf32, #tpu.memory_space<vmem>>)
      tpu.yield
    }) : () -> ()
    %run_scoped3A = arith.constant 0 : i32
    "tpu.region"() ({
      %run_scoped3A_215 = tpu.sem_alloc : memref<!tpu.dma_semaphore, #tpu.memory_space<semaphore_mem>>
      %dma_start3A_216 = arith.constant 0 : i32
      %dma_start3A_217 = tpu.memref_slice %arg6[%arg0, %run_scoped3A, %mul3A_2, %dma_start3A_216] : memref<2x2x10000x16xf32, #tpu.memory_space<hbm>> -> memref<1x1x625x16xf32, #tpu.memory_space<hbm>>
      %dma_start3A_218 = tpu.memref_squeeze %dma_start3A_217 : memref<1x1x625x16xf32, #tpu.memory_space<hbm>> -> memref<625x16xf32, #tpu.memory_space<hbm>>
      %dma_start3A_219 = arith.constant 0 : i32
      %dma_start3A_220 = tpu.memref_slice %arg6[%arg0, %run_scoped3A, %mul3A_2, %dma_start3A_219] : memref<2x2x10000x16xf32, #tpu.memory_space<hbm>> -> memref<1x1x625x16xf32, #tpu.memory_space<hbm>>
      %dma_start3A_221 = tpu.memref_squeeze %dma_start3A_220 : memref<1x1x625x16xf32, #tpu.memory_space<hbm>> -> memref<625x16xf32, #tpu.memory_space<hbm>>
      tpu.enqueue_dma source(%arg11 : memref<625x16xf32, #tpu.memory_space<vmem>>) target(%dma_start3A_221 : memref<625x16xf32, #tpu.memory_space<hbm>>) target_semaphore(%run_scoped3A_215 : memref<!tpu.dma_semaphore, #tpu.memory_space<semaphore_mem>>)
      %dma_wait3A_222 = arith.constant 0 : i32
      %dma_wait3A_223 = tpu.memref_slice %arg6[%arg0, %run_scoped3A, %mul3A_2, %dma_wait3A_222] : memref<2x2x10000x16xf32, #tpu.memory_space<hbm>> -> memref<1x1x625x16xf32, #tpu.memory_space<hbm>>
      %dma_wait3A_224 = tpu.memref_squeeze %dma_wait3A_223 : memref<1x1x625x16xf32, #tpu.memory_space<hbm>> -> memref<625x16xf32, #tpu.memory_space<hbm>>
      %dma_wait3A_225 = arith.constant 0 : i32
      %dma_wait3A_226 = tpu.memref_slice %arg6[%arg0, %run_scoped3A, %mul3A_2, %dma_wait3A_225] : memref<2x2x10000x16xf32, #tpu.memory_space<hbm>> -> memref<1x1x625x16xf32, #tpu.memory_space<hbm>>
      %dma_wait3A_227 = tpu.memref_squeeze %dma_wait3A_226 : memref<1x1x625x16xf32, #tpu.memory_space<hbm>> -> memref<625x16xf32, #tpu.memory_space<hbm>>
      tpu.wait_dma2 semaphore(%run_scoped3A_215 : memref<!tpu.dma_semaphore, #tpu.memory_space<semaphore_mem>>) src(%arg11 : memref<625x16xf32, #tpu.memory_space<vmem>>) dst(%dma_wait3A_227 : memref<625x16xf32, #tpu.memory_space<hbm>>)
      tpu.yield
    }) : () -> ()
    "tpu.region"() ({
      %run_scoped3A_215 = tpu.sem_alloc : memref<!tpu.dma_semaphore, #tpu.memory_space<semaphore_mem>>
      %dma_start3A_216 = arith.constant 0 : i32
      %dma_start3A_217 = tpu.memref_slice %arg13[%mul3A_2, %dma_start3A_216] : memref<10000x16xf32, #tpu.memory_space<vmem_shared>> -> memref<625x16xf32, #tpu.memory_space<vmem_shared>>
      %dma_start3A_218 = arith.constant 0 : i32
      %dma_start3A_219 = tpu.memref_slice %arg13[%mul3A_2, %dma_start3A_218] : memref<10000x16xf32, #tpu.memory_space<vmem_shared>> -> memref<625x16xf32, #tpu.memory_space<vmem_shared>>
      tpu.enqueue_dma source(%dma_start3A_219 : memref<625x16xf32, #tpu.memory_space<vmem_shared>>) target(%arg11 : memref<625x16xf32, #tpu.memory_space<vmem>>) target_semaphore(%run_scoped3A_215 : memref<!tpu.dma_semaphore, #tpu.memory_space<semaphore_mem>>)
      %dma_wait3A_220 = arith.constant 0 : i32
      %dma_wait3A_221 = tpu.memref_slice %arg13[%mul3A_2, %dma_wait3A_220] : memref<10000x16xf32, #tpu.memory_space<vmem_shared>> -> memref<625x16xf32, #tpu.memory_space<vmem_shared>>
      %dma_wait3A_222 = arith.constant 0 : i32
      %dma_wait3A_223 = tpu.memref_slice %arg13[%mul3A_2, %dma_wait3A_222] : memref<10000x16xf32, #tpu.memory_space<vmem_shared>> -> memref<625x16xf32, #tpu.memory_space<vmem_shared>>
      tpu.wait_dma2 semaphore(%run_scoped3A_215 : memref<!tpu.dma_semaphore, #tpu.memory_space<semaphore_mem>>) src(%dma_wait3A_223 : memref<625x16xf32, #tpu.memory_space<vmem_shared>>) dst(%arg11 : memref<625x16xf32, #tpu.memory_space<vmem>>)
      tpu.yield
    }) : () -> ()
    %run_scoped3A_214 = arith.constant 1 : i32
    "tpu.region"() ({
      %run_scoped3A_215 = tpu.sem_alloc : memref<!tpu.dma_semaphore, #tpu.memory_space<semaphore_mem>>
      %dma_start3A_216 = arith.constant 0 : i32
      %dma_start3A_217 = tpu.memref_slice %arg6[%arg0, %run_scoped3A_214, %mul3A_2, %dma_start3A_216] : memref<2x2x10000x16xf32, #tpu.memory_space<hbm>> -> memref<1x1x625x16xf32, #tpu.memory_space<hbm>>
      %dma_start3A_218 = tpu.memref_squeeze %dma_start3A_217 : memref<1x1x625x16xf32, #tpu.memory_space<hbm>> -> memref<625x16xf32, #tpu.memory_space<hbm>>
      %dma_start3A_219 = arith.constant 0 : i32
      %dma_start3A_220 = tpu.memref_slice %arg6[%arg0, %run_scoped3A_214, %mul3A_2, %dma_start3A_219] : memref<2x2x10000x16xf32, #tpu.memory_space<hbm>> -> memref<1x1x625x16xf32, #tpu.memory_space<hbm>>
      %dma_start3A_221 = tpu.memref_squeeze %dma_start3A_220 : memref<1x1x625x16xf32, #tpu.memory_space<hbm>> -> memref<625x16xf32, #tpu.memory_space<hbm>>
      tpu.enqueue_dma source(%arg11 : memref<625x16xf32, #tpu.memory_space<vmem>>) target(%dma_start3A_221 : memref<625x16xf32, #tpu.memory_space<hbm>>) target_semaphore(%run_scoped3A_215 : memref<!tpu.dma_semaphore, #tpu.memory_space<semaphore_mem>>)
      %dma_wait3A_222 = arith.constant 0 : i32
      %dma_wait3A_223 = tpu.memref_slice %arg6[%arg0, %run_scoped3A_214, %mul3A_2, %dma_wait3A_222] : memref<2x2x10000x16xf32, #tpu.memory_space<hbm>> -> memref<1x1x625x16xf32, #tpu.memory_space<hbm>>
      %dma_wait3A_224 = tpu.memref_squeeze %dma_wait3A_223 : memref<1x1x625x16xf32, #tpu.memory_space<hbm>> -> memref<625x16xf32, #tpu.memory_space<hbm>>
      %dma_wait3A_225 = arith.constant 0 : i32
      %dma_wait3A_226 = tpu.memref_slice %arg6[%arg0, %run_scoped3A_214, %mul3A_2, %dma_wait3A_225] : memref<2x2x10000x16xf32, #tpu.memory_space<hbm>> -> memref<1x1x625x16xf32, #tpu.memory_space<hbm>>
      %dma_wait3A_227 = tpu.memref_squeeze %dma_wait3A_226 : memref<1x1x625x16xf32, #tpu.memory_space<hbm>> -> memref<625x16xf32, #tpu.memory_space<hbm>>
      tpu.wait_dma2 semaphore(%run_scoped3A_215 : memref<!tpu.dma_semaphore, #tpu.memory_space<semaphore_mem>>) src(%arg11 : memref<625x16xf32, #tpu.memory_space<vmem>>) dst(%dma_wait3A_227 : memref<625x16xf32, #tpu.memory_space<hbm>>)
      tpu.yield
    }) : () -> ()
    return
  }
}

#map = affine_map<(d0, d1) -> (0, 0, 0, 0)>
#map1 = affine_map<(d0, d1) -> (0, 0)>
#map2 = affine_map<(d0, d1) -> (0, 0, 0)>
module attributes {stable_mosaic.version = 14 : i64} {
  func.func @_gather_scatter_add(%arg0: i32, %arg1: i32, %arg2: memref<2x2x10000x16xf32, #tpu.memory_space<hbm>>, %arg3: memref<2560x125xi32, #tpu.memory_space<hbm>>, %arg4: memref<2560x125xi32, #tpu.memory_space<hbm>>, %arg5: memref<10000x16xf32, #tpu.memory_space<hbm>>, %arg6: memref<2x10000x16xf32, #tpu.memory_space<hbm>>, %arg7: memref<10000x16xf32, #tpu.memory_space<hbm>>, %arg8: memref<80x125xi32, #tpu.memory_space<vmem>>, %arg9: memref<80x125xi32, #tpu.memory_space<vmem>>, %arg10: memref<2000x16xf32, #tpu.memory_space<vmem>>, %arg11: memref<625x16xf32, #tpu.memory_space<vmem>>, %arg12: memref<625x16xf32, #tpu.memory_space<vmem>>, %arg13: memref<625x16xf32, #tpu.memory_space<vmem>>, %arg14: memref<625x16xf32, #tpu.memory_space<vmem>>, %arg15: memref<625x16xf32, #tpu.memory_space<vmem>>, %arg16: memref<10000x16xf32, #tpu.memory_space<vmem_shared>>, %arg17: memref<!tpu.dma_semaphore, #tpu.memory_space<semaphore_mem>>, %arg18: memref<!tpu.dma_semaphore, #tpu.memory_space<semaphore_mem>>) attributes {dimension_semantics = [#tpu.dimension_semantics<core_parallel>, #tpu.dimension_semantics<subcore_parallel>], iteration_bounds = array<i64: 2, 16>, scalar_prefetch = 0 : i64, scratch_operands = 11 : i64, tpu.core_type = #tpu.core_type<sc_vector_subcore>, window_params = [{transform_indices = #map}, {transform_indices = #map1}, {transform_indices = #map1}, {transform_indices = #map1}, {transform_indices = #map2}, {transform_indices = #map1}]} {
    %mul3A = arith.constant 16 : i32
    %mul3A_0 = arith.muli %arg0, %mul3A : i32
    %add3A = arith.addi %mul3A_0, %arg1 : i32
    %mul3A_1 = arith.constant 625 : i32
    %mul3A_2 = arith.muli %arg1, %mul3A_1 : i32
    "tpu.region"() ({
      %run_scoped3A_208 = tpu.sem_alloc : memref<!tpu.dma_semaphore, #tpu.memory_space<semaphore_mem>>
      %dma_start3A_209 = arith.constant 0 : i32
      %dma_start3A_210 = tpu.memref_slice %arg16[%mul3A_2, %dma_start3A_209] : memref<10000x16xf32, #tpu.memory_space<vmem_shared>> -> memref<625x16xf32, #tpu.memory_space<vmem_shared>>
      %dma_start3A_211 = arith.constant 0 : i32
      %dma_start3A_212 = tpu.memref_slice %arg5[%mul3A_2, %dma_start3A_211] : memref<10000x16xf32, #tpu.memory_space<hbm>> -> memref<625x16xf32, #tpu.memory_space<hbm>>
      tpu.enqueue_dma source(%dma_start3A_212 : memref<625x16xf32, #tpu.memory_space<hbm>>) target(%dma_start3A_210 : memref<625x16xf32, #tpu.memory_space<vmem_shared>>) target_semaphore(%run_scoped3A_208 : memref<!tpu.dma_semaphore, #tpu.memory_space<semaphore_mem>>)
      %dma_wait3A_213 = arith.constant 0 : i32
      %dma_wait3A_214 = tpu.memref_slice %arg16[%mul3A_2, %dma_wait3A_213] : memref<10000x16xf32, #tpu.memory_space<vmem_shared>> -> memref<625x16xf32, #tpu.memory_space<vmem_shared>>
      %dma_wait3A_215 = arith.constant 0 : i32
      %dma_wait3A_216 = tpu.memref_slice %arg5[%mul3A_2, %dma_wait3A_215] : memref<10000x16xf32, #tpu.memory_space<hbm>> -> memref<625x16xf32, #tpu.memory_space<hbm>>
      tpu.wait_dma2 semaphore(%run_scoped3A_208 : memref<!tpu.dma_semaphore, #tpu.memory_space<semaphore_mem>>) src(%dma_wait3A_216 : memref<625x16xf32, #tpu.memory_space<hbm>>) dst(%dma_wait3A_214 : memref<625x16xf32, #tpu.memory_space<vmem_shared>>)
      tpu.yield
    }) : () -> ()
    %mul3A_3 = arith.constant 80 : i32
    %mul3A_4 = arith.muli %add3A, %mul3A_3 : i32
    "tpu.region"() ({
      %run_scoped3A_208 = tpu.sem_alloc : memref<!tpu.dma_semaphore, #tpu.memory_space<semaphore_mem>>
      %dma_start3A_209 = arith.constant 0 : i32
      %dma_start3A_210 = tpu.memref_slice %arg3[%mul3A_4, %dma_start3A_209] : memref<2560x125xi32, #tpu.memory_space<hbm>> -> memref<80x125xi32, #tpu.memory_space<hbm>>
      %dma_start3A_211 = arith.constant 0 : i32
      %dma_start3A_212 = tpu.memref_slice %arg3[%mul3A_4, %dma_start3A_211] : memref<2560x125xi32, #tpu.memory_space<hbm>> -> memref<80x125xi32, #tpu.memory_space<hbm>>
      tpu.enqueue_dma source(%dma_start3A_212 : memref<80x125xi32, #tpu.memory_space<hbm>>) target(%arg8 : memref<80x125xi32, #tpu.memory_space<vmem>>) target_semaphore(%run_scoped3A_208 : memref<!tpu.dma_semaphore, #tpu.memory_space<semaphore_mem>>)
      %dma_wait3A_213 = arith.constant 0 : i32
      %dma_wait3A_214 = tpu.memref_slice %arg3[%mul3A_4, %dma_wait3A_213] : memref<2560x125xi32, #tpu.memory_space<hbm>> -> memref<80x125xi32, #tpu.memory_space<hbm>>
      %dma_wait3A_215 = arith.constant 0 : i32
      %dma_wait3A_216 = tpu.memref_slice %arg3[%mul3A_4, %dma_wait3A_215] : memref<2560x125xi32, #tpu.memory_space<hbm>> -> memref<80x125xi32, #tpu.memory_space<hbm>>
      tpu.wait_dma2 semaphore(%run_scoped3A_208 : memref<!tpu.dma_semaphore, #tpu.memory_space<semaphore_mem>>) src(%dma_wait3A_216 : memref<80x125xi32, #tpu.memory_space<hbm>>) dst(%arg8 : memref<80x125xi32, #tpu.memory_space<vmem>>)
      tpu.yield
    }) : () -> ()
    %mul3A_5 = arith.constant 80 : i32
    %mul3A_6 = arith.muli %add3A, %mul3A_5 : i32
    "tpu.region"() ({
      %run_scoped3A_208 = tpu.sem_alloc : memref<!tpu.dma_semaphore, #tpu.memory_space<semaphore_mem>>
      %dma_start3A_209 = arith.constant 0 : i32
      %dma_start3A_210 = tpu.memref_slice %arg4[%mul3A_6, %dma_start3A_209] : memref<2560x125xi32, #tpu.memory_space<hbm>> -> memref<80x125xi32, #tpu.memory_space<hbm>>
      %dma_start3A_211 = arith.constant 0 : i32
      %dma_start3A_212 = tpu.memref_slice %arg4[%mul3A_6, %dma_start3A_211] : memref<2560x125xi32, #tpu.memory_space<hbm>> -> memref<80x125xi32, #tpu.memory_space<hbm>>
      tpu.enqueue_dma source(%dma_start3A_212 : memref<80x125xi32, #tpu.memory_space<hbm>>) target(%arg9 : memref<80x125xi32, #tpu.memory_space<vmem>>) target_semaphore(%run_scoped3A_208 : memref<!tpu.dma_semaphore, #tpu.memory_space<semaphore_mem>>)
      %dma_wait3A_213 = arith.constant 0 : i32
      %dma_wait3A_214 = tpu.memref_slice %arg4[%mul3A_6, %dma_wait3A_213] : memref<2560x125xi32, #tpu.memory_space<hbm>> -> memref<80x125xi32, #tpu.memory_space<hbm>>
      %dma_wait3A_215 = arith.constant 0 : i32
      %dma_wait3A_216 = tpu.memref_slice %arg4[%mul3A_6, %dma_wait3A_215] : memref<2560x125xi32, #tpu.memory_space<hbm>> -> memref<80x125xi32, #tpu.memory_space<hbm>>
      tpu.wait_dma2 semaphore(%run_scoped3A_208 : memref<!tpu.dma_semaphore, #tpu.memory_space<semaphore_mem>>) src(%dma_wait3A_216 : memref<80x125xi32, #tpu.memory_space<hbm>>) dst(%arg9 : memref<80x125xi32, #tpu.memory_space<vmem>>)
      tpu.yield
    }) : () -> ()
    %run_scoped3A = arith.constant 0 : i32
    %run_scoped3A_7 = arith.constant 0 : i32
    "tpu.region"() ({
      %run_scoped3A_208 = tpu.sem_alloc : memref<!tpu.dma_semaphore, #tpu.memory_space<semaphore_mem>>
      %dma_start3A_209 = arith.constant 0 : i32
      %dma_start3A_210 = tpu.memref_slice %arg2[%run_scoped3A, %run_scoped3A_7, %mul3A_2, %dma_start3A_209] : memref<2x2x10000x16xf32, #tpu.memory_space<hbm>> -> memref<1x1x625x16xf32, #tpu.memory_space<hbm>>
      %dma_start3A_211 = tpu.memref_squeeze %dma_start3A_210 : memref<1x1x625x16xf32, #tpu.memory_space<hbm>> -> memref<625x16xf32, #tpu.memory_space<hbm>>
      %dma_start3A_212 = arith.constant 0 : i32
      %dma_start3A_213 = tpu.memref_slice %arg2[%run_scoped3A, %run_scoped3A_7, %mul3A_2, %dma_start3A_212] : memref<2x2x10000x16xf32, #tpu.memory_space<hbm>> -> memref<1x1x625x16xf32, #tpu.memory_space<hbm>>
      %dma_start3A_214 = tpu.memref_squeeze %dma_start3A_213 : memref<1x1x625x16xf32, #tpu.memory_space<hbm>> -> memref<625x16xf32, #tpu.memory_space<hbm>>
      tpu.enqueue_dma source(%dma_start3A_214 : memref<625x16xf32, #tpu.memory_space<hbm>>) target(%arg11 : memref<625x16xf32, #tpu.memory_space<vmem>>) target_semaphore(%run_scoped3A_208 : memref<!tpu.dma_semaphore, #tpu.memory_space<semaphore_mem>>)
      %dma_wait3A_215 = arith.constant 0 : i32
      %dma_wait3A_216 = tpu.memref_slice %arg2[%run_scoped3A, %run_scoped3A_7, %mul3A_2, %dma_wait3A_215] : memref<2x2x10000x16xf32, #tpu.memory_space<hbm>> -> memref<1x1x625x16xf32, #tpu.memory_space<hbm>>
      %dma_wait3A_217 = tpu.memref_squeeze %dma_wait3A_216 : memref<1x1x625x16xf32, #tpu.memory_space<hbm>> -> memref<625x16xf32, #tpu.memory_space<hbm>>
      %dma_wait3A_218 = arith.constant 0 : i32
      %dma_wait3A_219 = tpu.memref_slice %arg2[%run_scoped3A, %run_scoped3A_7, %mul3A_2, %dma_wait3A_218] : memref<2x2x10000x16xf32, #tpu.memory_space<hbm>> -> memref<1x1x625x16xf32, #tpu.memory_space<hbm>>
      %dma_wait3A_220 = tpu.memref_squeeze %dma_wait3A_219 : memref<1x1x625x16xf32, #tpu.memory_space<hbm>> -> memref<625x16xf32, #tpu.memory_space<hbm>>
      tpu.wait_dma2 semaphore(%run_scoped3A_208 : memref<!tpu.dma_semaphore, #tpu.memory_space<semaphore_mem>>) src(%dma_wait3A_220 : memref<625x16xf32, #tpu.memory_space<hbm>>) dst(%arg11 : memref<625x16xf32, #tpu.memory_space<vmem>>)
      tpu.yield
    }) : () -> ()
    %run_scoped3A_8 = arith.constant 1 : i32
    %run_scoped3A_9 = arith.constant 0 : i32
    "tpu.region"() ({
      %run_scoped3A_208 = tpu.sem_alloc : memref<!tpu.dma_semaphore, #tpu.memory_space<semaphore_mem>>
      %dma_start3A_209 = arith.constant 0 : i32
      %dma_start3A_210 = tpu.memref_slice %arg2[%run_scoped3A_8, %run_scoped3A_9, %mul3A_2, %dma_start3A_209] : memref<2x2x10000x16xf32, #tpu.memory_space<hbm>> -> memref<1x1x625x16xf32, #tpu.memory_space<hbm>>
      %dma_start3A_211 = tpu.memref_squeeze %dma_start3A_210 : memref<1x1x625x16xf32, #tpu.memory_space<hbm>> -> memref<625x16xf32, #tpu.memory_space<hbm>>
      %dma_start3A_212 = arith.constant 0 : i32
      %dma_start3A_213 = tpu.memref_slice %arg2[%run_scoped3A_8, %run_scoped3A_9, %mul3A_2, %dma_start3A_212] : memref<2x2x10000x16xf32, #tpu.memory_space<hbm>> -> memref<1x1x625x16xf32, #tpu.memory_space<hbm>>
      %dma_start3A_214 = tpu.memref_squeeze %dma_start3A_213 : memref<1x1x625x16xf32, #tpu.memory_space<hbm>> -> memref<625x16xf32, #tpu.memory_space<hbm>>
      tpu.enqueue_dma source(%dma_start3A_214 : memref<625x16xf32, #tpu.memory_space<hbm>>) target(%arg12 : memref<625x16xf32, #tpu.memory_space<vmem>>) target_semaphore(%run_scoped3A_208 : memref<!tpu.dma_semaphore, #tpu.memory_space<semaphore_mem>>)
      %dma_wait3A_215 = arith.constant 0 : i32
      %dma_wait3A_216 = tpu.memref_slice %arg2[%run_scoped3A_8, %run_scoped3A_9, %mul3A_2, %dma_wait3A_215] : memref<2x2x10000x16xf32, #tpu.memory_space<hbm>> -> memref<1x1x625x16xf32, #tpu.memory_space<hbm>>
      %dma_wait3A_217 = tpu.memref_squeeze %dma_wait3A_216 : memref<1x1x625x16xf32, #tpu.memory_space<hbm>> -> memref<625x16xf32, #tpu.memory_space<hbm>>
      %dma_wait3A_218 = arith.constant 0 : i32
      %dma_wait3A_219 = tpu.memref_slice %arg2[%run_scoped3A_8, %run_scoped3A_9, %mul3A_2, %dma_wait3A_218] : memref<2x2x10000x16xf32, #tpu.memory_space<hbm>> -> memref<1x1x625x16xf32, #tpu.memory_space<hbm>>
      %dma_wait3A_220 = tpu.memref_squeeze %dma_wait3A_219 : memref<1x1x625x16xf32, #tpu.memory_space<hbm>> -> memref<625x16xf32, #tpu.memory_space<hbm>>
      tpu.wait_dma2 semaphore(%run_scoped3A_208 : memref<!tpu.dma_semaphore, #tpu.memory_space<semaphore_mem>>) src(%dma_wait3A_220 : memref<625x16xf32, #tpu.memory_space<hbm>>) dst(%arg12 : memref<625x16xf32, #tpu.memory_space<vmem>>)
      tpu.yield
    }) : () -> ()
    %run_scoped3A_10 = arith.constant 0 : i32
    %run_scoped3A_11 = arith.constant 1 : i32
    "tpu.region"() ({
      %run_scoped3A_208 = tpu.sem_alloc : memref<!tpu.dma_semaphore, #tpu.memory_space<semaphore_mem>>
      %dma_start3A_209 = arith.constant 0 : i32
      %dma_start3A_210 = tpu.memref_slice %arg2[%run_scoped3A_10, %run_scoped3A_11, %mul3A_2, %dma_start3A_209] : memref<2x2x10000x16xf32, #tpu.memory_space<hbm>> -> memref<1x1x625x16xf32, #tpu.memory_space<hbm>>
      %dma_start3A_211 = tpu.memref_squeeze %dma_start3A_210 : memref<1x1x625x16xf32, #tpu.memory_space<hbm>> -> memref<625x16xf32, #tpu.memory_space<hbm>>
      %dma_start3A_212 = arith.constant 0 : i32
      %dma_start3A_213 = tpu.memref_slice %arg2[%run_scoped3A_10, %run_scoped3A_11, %mul3A_2, %dma_start3A_212] : memref<2x2x10000x16xf32, #tpu.memory_space<hbm>> -> memref<1x1x625x16xf32, #tpu.memory_space<hbm>>
      %dma_start3A_214 = tpu.memref_squeeze %dma_start3A_213 : memref<1x1x625x16xf32, #tpu.memory_space<hbm>> -> memref<625x16xf32, #tpu.memory_space<hbm>>
      tpu.enqueue_dma source(%dma_start3A_214 : memref<625x16xf32, #tpu.memory_space<hbm>>) target(%arg13 : memref<625x16xf32, #tpu.memory_space<vmem>>) target_semaphore(%run_scoped3A_208 : memref<!tpu.dma_semaphore, #tpu.memory_space<semaphore_mem>>)
      %dma_wait3A_215 = arith.constant 0 : i32
      %dma_wait3A_216 = tpu.memref_slice %arg2[%run_scoped3A_10, %run_scoped3A_11, %mul3A_2, %dma_wait3A_215] : memref<2x2x10000x16xf32, #tpu.memory_space<hbm>> -> memref<1x1x625x16xf32, #tpu.memory_space<hbm>>
      %dma_wait3A_217 = tpu.memref_squeeze %dma_wait3A_216 : memref<1x1x625x16xf32, #tpu.memory_space<hbm>> -> memref<625x16xf32, #tpu.memory_space<hbm>>
      %dma_wait3A_218 = arith.constant 0 : i32
      %dma_wait3A_219 = tpu.memref_slice %arg2[%run_scoped3A_10, %run_scoped3A_11, %mul3A_2, %dma_wait3A_218] : memref<2x2x10000x16xf32, #tpu.memory_space<hbm>> -> memref<1x1x625x16xf32, #tpu.memory_space<hbm>>
      %dma_wait3A_220 = tpu.memref_squeeze %dma_wait3A_219 : memref<1x1x625x16xf32, #tpu.memory_space<hbm>> -> memref<625x16xf32, #tpu.memory_space<hbm>>
      tpu.wait_dma2 semaphore(%run_scoped3A_208 : memref<!tpu.dma_semaphore, #tpu.memory_space<semaphore_mem>>) src(%dma_wait3A_220 : memref<625x16xf32, #tpu.memory_space<hbm>>) dst(%arg13 : memref<625x16xf32, #tpu.memory_space<vmem>>)
      tpu.yield
    }) : () -> ()
    %run_scoped3A_12 = arith.constant 1 : i32
    %run_scoped3A_13 = arith.constant 1 : i32
    "tpu.region"() ({
      %run_scoped3A_208 = tpu.sem_alloc : memref<!tpu.dma_semaphore, #tpu.memory_space<semaphore_mem>>
      %dma_start3A_209 = arith.constant 0 : i32
      %dma_start3A_210 = tpu.memref_slice %arg2[%run_scoped3A_12, %run_scoped3A_13, %mul3A_2, %dma_start3A_209] : memref<2x2x10000x16xf32, #tpu.memory_space<hbm>> -> memref<1x1x625x16xf32, #tpu.memory_space<hbm>>
      %dma_start3A_211 = tpu.memref_squeeze %dma_start3A_210 : memref<1x1x625x16xf32, #tpu.memory_space<hbm>> -> memref<625x16xf32, #tpu.memory_space<hbm>>
      %dma_start3A_212 = arith.constant 0 : i32
      %dma_start3A_213 = tpu.memref_slice %arg2[%run_scoped3A_12, %run_scoped3A_13, %mul3A_2, %dma_start3A_212] : memref<2x2x10000x16xf32, #tpu.memory_space<hbm>> -> memref<1x1x625x16xf32, #tpu.memory_space<hbm>>
      %dma_start3A_214 = tpu.memref_squeeze %dma_start3A_213 : memref<1x1x625x16xf32, #tpu.memory_space<hbm>> -> memref<625x16xf32, #tpu.memory_space<hbm>>
      tpu.enqueue_dma source(%dma_start3A_214 : memref<625x16xf32, #tpu.memory_space<hbm>>) target(%arg14 : memref<625x16xf32, #tpu.memory_space<vmem>>) target_semaphore(%run_scoped3A_208 : memref<!tpu.dma_semaphore, #tpu.memory_space<semaphore_mem>>)
      %dma_wait3A_215 = arith.constant 0 : i32
      %dma_wait3A_216 = tpu.memref_slice %arg2[%run_scoped3A_12, %run_scoped3A_13, %mul3A_2, %dma_wait3A_215] : memref<2x2x10000x16xf32, #tpu.memory_space<hbm>> -> memref<1x1x625x16xf32, #tpu.memory_space<hbm>>
      %dma_wait3A_217 = tpu.memref_squeeze %dma_wait3A_216 : memref<1x1x625x16xf32, #tpu.memory_space<hbm>> -> memref<625x16xf32, #tpu.memory_space<hbm>>
      %dma_wait3A_218 = arith.constant 0 : i32
      %dma_wait3A_219 = tpu.memref_slice %arg2[%run_scoped3A_12, %run_scoped3A_13, %mul3A_2, %dma_wait3A_218] : memref<2x2x10000x16xf32, #tpu.memory_space<hbm>> -> memref<1x1x625x16xf32, #tpu.memory_space<hbm>>
      %dma_wait3A_220 = tpu.memref_squeeze %dma_wait3A_219 : memref<1x1x625x16xf32, #tpu.memory_space<hbm>> -> memref<625x16xf32, #tpu.memory_space<hbm>>
      tpu.wait_dma2 semaphore(%run_scoped3A_208 : memref<!tpu.dma_semaphore, #tpu.memory_space<semaphore_mem>>) src(%dma_wait3A_220 : memref<625x16xf32, #tpu.memory_space<hbm>>) dst(%arg14 : memref<625x16xf32, #tpu.memory_space<vmem>>)
      tpu.yield
    }) : () -> ()
    %iota3A = tpu.iota {dimensions = array<i32: 0>} : vector<16xi32>
    %xor3A = arith.constant 8 : i32
    %xor3A_14 = vector.broadcast %xor3A : i32 to vector<16xi32>
    %xor3A_15 = arith.xori %iota3A, %xor3A_14 : vector<16xi32>
    %eq3A = arith.constant 8 : i32
    %eq3A_16 = vector.broadcast %eq3A : i32 to vector<16xi32>
    %eq3A_17 = arith.cmpi eq, %iota3A, %eq3A_16 : vector<16xi32>
    %jit3A = arith.constant 1.000000e+00 : f32
    %jit3A_18 = arith.constant 0.000000e+00 : f32
    %broadcast_in_dim3A = vector.broadcast %jit3A : f32 to vector<16xf32>
    %broadcast_in_dim3A_19 = vector.broadcast %jit3A_18 : f32 to vector<16xf32>
    %select_n3A = arith.select %eq3A_17, %broadcast_in_dim3A, %broadcast_in_dim3A_19 : vector<16xi1>, vector<16xf32>
    %lt3A = arith.constant 8 : i32
    %lt3A_20 = vector.broadcast %lt3A : i32 to vector<16xi32>
    %lt3A_21 = arith.cmpi slt, %iota3A, %lt3A_20 : vector<16xi32>
    %scan3A = arith.constant 0 : i32
    %scan3A_22 = arith.constant 0 : i32
    %scan3A_23 = arith.constant 625 : i32
    %scan3A_24 = arith.addi %scan3A_22, %scan3A_23 : i32
    %scan3A_25 = arith.constant 1 : i32
    scf.for %scan3A_208 = %scan3A_22 to %scan3A_24 step %scan3A_25  : i32 {
      %get3A = arith.index_cast %scan3A_208 : i32 to index
      %get3A_209 = arith.constant 0 : index
      %get3A_210 = tpu.vector_load %arg11[%get3A, %get3A_209] {strides = array<i32>} : memref<625x16xf32, #tpu.memory_space<vmem>>, vector<16xf32>,
      %get3A_211 = arith.index_cast %scan3A_208 : i32 to index
      %get3A_212 = arith.constant 0 : index
      %get3A_213 = tpu.vector_load %arg12[%get3A_211, %get3A_212] {strides = array<i32>} : memref<625x16xf32, #tpu.memory_space<vmem>>, vector<16xf32>,
      %add3A_214 = arith.addf %get3A_210, %get3A_213 : vector<16xf32>
      %broadcast_in_dim3A_215 = vector.broadcast %scan3A_208 : i32 to vector<16xi32>
      %gather3A = tpu.vector_load_idx %arg13[%broadcast_in_dim3A_215, %xor3A_15] : memref<625x16xf32, #tpu.memory_space<vmem>>[vector<16xi32>, vector<16xi32>], vector<16xf32>,
      %gather3A_216 = tpu.vector_load_idx %arg14[%broadcast_in_dim3A_215, %xor3A_15] : memref<625x16xf32, #tpu.memory_space<vmem>>[vector<16xi32>, vector<16xi32>], vector<16xf32>,
      %add3A_217 = arith.addf %gather3A, %gather3A_216 : vector<16xf32>
      %add3A_218 = arith.addf %add3A_214, %add3A_217 : vector<16xf32>
      %select_n3A_219 = arith.select %lt3A_21, %add3A_218, %select_n3A : vector<16xi1>, vector<16xf32>
      %swap3A = arith.index_cast %scan3A_208 : i32 to index
      %swap3A_220 = arith.constant 0 : index
      %swap3A_221 = tpu.vector_load %arg15[%swap3A, %swap3A_220] {strides = array<i32>} : memref<625x16xf32, #tpu.memory_space<vmem>>, vector<16xf32>,
      tpu.vector_store %arg15[%swap3A, %swap3A_220], %select_n3A_219 {strides = array<i32>} : memref<625x16xf32, #tpu.memory_space<vmem>>, vector<16xf32>,
    }
    %scan3A_26 = arith.constant 625 : i32
    "tpu.region"() ({
      %run_scoped3A_208 = tpu.sem_alloc : memref<!tpu.dma_semaphore, #tpu.memory_space<semaphore_mem>>
      %dma_start3A_209 = arith.constant 0 : i32
      %dma_start3A_210 = tpu.memref_slice %arg7[%mul3A_2, %dma_start3A_209] : memref<10000x16xf32, #tpu.memory_space<hbm>> -> memref<625x16xf32, #tpu.memory_space<hbm>>
      %dma_start3A_211 = arith.constant 0 : i32
      %dma_start3A_212 = tpu.memref_slice %arg7[%mul3A_2, %dma_start3A_211] : memref<10000x16xf32, #tpu.memory_space<hbm>> -> memref<625x16xf32, #tpu.memory_space<hbm>>
      tpu.enqueue_dma source(%arg15 : memref<625x16xf32, #tpu.memory_space<vmem>>) target(%dma_start3A_212 : memref<625x16xf32, #tpu.memory_space<hbm>>) target_semaphore(%run_scoped3A_208 : memref<!tpu.dma_semaphore, #tpu.memory_space<semaphore_mem>>)
      %dma_wait3A_213 = arith.constant 0 : i32
      %dma_wait3A_214 = tpu.memref_slice %arg7[%mul3A_2, %dma_wait3A_213] : memref<10000x16xf32, #tpu.memory_space<hbm>> -> memref<625x16xf32, #tpu.memory_space<hbm>>
      %dma_wait3A_215 = arith.constant 0 : i32
      %dma_wait3A_216 = tpu.memref_slice %arg7[%mul3A_2, %dma_wait3A_215] : memref<10000x16xf32, #tpu.memory_space<hbm>> -> memref<625x16xf32, #tpu.memory_space<hbm>>
      tpu.wait_dma2 semaphore(%run_scoped3A_208 : memref<!tpu.dma_semaphore, #tpu.memory_space<semaphore_mem>>) src(%arg15 : memref<625x16xf32, #tpu.memory_space<vmem>>) dst(%dma_wait3A_216 : memref<625x16xf32, #tpu.memory_space<hbm>>)
      tpu.yield
    }) : () -> ()
    %barrier3A = arith.constant 0 : index
    tpu.barrier barrier_id(%barrier3A)
    %dma_start3A = arith.constant 0 : i32
    %dma_start3A_27 = arith.constant 0 : i32
    %dma_start3A_28 = arith.constant 0 : i32
    %dma_start3A_29 = tpu.memref_slice %arg10[%dma_start3A_27, %dma_start3A_28] : memref<2000x16xf32, #tpu.memory_space<vmem>> -> memref<125x16xf32, #tpu.memory_space<vmem>>
    %dma_start3A_30 = arith.constant 0 : i32
    %dma_start3A_31 = tpu.memref_slice %arg8[%dma_start3A, %dma_start3A_30] : memref<80x125xi32, #tpu.memory_space<vmem>> -> memref<1x125xi32, #tpu.memory_space<vmem>>
    %dma_start3A_32 = tpu.memref_squeeze %dma_start3A_31 : memref<1x125xi32, #tpu.memory_space<vmem>> -> memref<125xi32, #tpu.memory_space<vmem>>
    %dma_start3A_33 = arith.constant 0 : i32
    %dma_start3A_34 = arith.constant 0 : i32
    %dma_start3A_35 = tpu.memref_slice %arg7[%dma_start3A_33, %dma_start3A_34] : memref<10000x16xf32, #tpu.memory_space<hbm>> -> memref<10000x16xf32, #tpu.memory_space<hbm>>
    tpu.enqueue_indirect_dma source(%dma_start3A_35 : memref<10000x16xf32, #tpu.memory_space<hbm>>) target(%dma_start3A_29 : memref<125x16xf32, #tpu.memory_space<vmem>>) offsets(%dma_start3A_32 : memref<125xi32, #tpu.memory_space<vmem>>) semaphore(%arg17 : memref<!tpu.dma_semaphore, #tpu.memory_space<semaphore_mem>>)
    %dma_start3A_36 = arith.constant 1 : i32
    %dma_start3A_37 = arith.constant 125 : i32
    %dma_start3A_38 = arith.constant 0 : i32
    %dma_start3A_39 = tpu.memref_slice %arg10[%dma_start3A_37, %dma_start3A_38] : memref<2000x16xf32, #tpu.memory_space<vmem>> -> memref<125x16xf32, #tpu.memory_space<vmem>>
    %dma_start3A_40 = arith.constant 0 : i32
    %dma_start3A_41 = tpu.memref_slice %arg8[%dma_start3A_36, %dma_start3A_40] : memref<80x125xi32, #tpu.memory_space<vmem>> -> memref<1x125xi32, #tpu.memory_space<vmem>>
    %dma_start3A_42 = tpu.memref_squeeze %dma_start3A_41 : memref<1x125xi32, #tpu.memory_space<vmem>> -> memref<125xi32, #tpu.memory_space<vmem>>
    %dma_start3A_43 = arith.constant 0 : i32
    %dma_start3A_44 = arith.constant 0 : i32
    %dma_start3A_45 = tpu.memref_slice %arg7[%dma_start3A_43, %dma_start3A_44] : memref<10000x16xf32, #tpu.memory_space<hbm>> -> memref<10000x16xf32, #tpu.memory_space<hbm>>
    tpu.enqueue_indirect_dma source(%dma_start3A_45 : memref<10000x16xf32, #tpu.memory_space<hbm>>) target(%dma_start3A_39 : memref<125x16xf32, #tpu.memory_space<vmem>>) offsets(%dma_start3A_42 : memref<125xi32, #tpu.memory_space<vmem>>) semaphore(%arg17 : memref<!tpu.dma_semaphore, #tpu.memory_space<semaphore_mem>>)
    %dma_start3A_46 = arith.constant 2 : i32
    %dma_start3A_47 = arith.constant 250 : i32
    %dma_start3A_48 = arith.constant 0 : i32
    %dma_start3A_49 = tpu.memref_slice %arg10[%dma_start3A_47, %dma_start3A_48] : memref<2000x16xf32, #tpu.memory_space<vmem>> -> memref<125x16xf32, #tpu.memory_space<vmem>>
    %dma_start3A_50 = arith.constant 0 : i32
    %dma_start3A_51 = tpu.memref_slice %arg8[%dma_start3A_46, %dma_start3A_50] : memref<80x125xi32, #tpu.memory_space<vmem>> -> memref<1x125xi32, #tpu.memory_space<vmem>>
    %dma_start3A_52 = tpu.memref_squeeze %dma_start3A_51 : memref<1x125xi32, #tpu.memory_space<vmem>> -> memref<125xi32, #tpu.memory_space<vmem>>
    %dma_start3A_53 = arith.constant 0 : i32
    %dma_start3A_54 = arith.constant 0 : i32
    %dma_start3A_55 = tpu.memref_slice %arg7[%dma_start3A_53, %dma_start3A_54] : memref<10000x16xf32, #tpu.memory_space<hbm>> -> memref<10000x16xf32, #tpu.memory_space<hbm>>
    tpu.enqueue_indirect_dma source(%dma_start3A_55 : memref<10000x16xf32, #tpu.memory_space<hbm>>) target(%dma_start3A_49 : memref<125x16xf32, #tpu.memory_space<vmem>>) offsets(%dma_start3A_52 : memref<125xi32, #tpu.memory_space<vmem>>) semaphore(%arg17 : memref<!tpu.dma_semaphore, #tpu.memory_space<semaphore_mem>>)
    %dma_start3A_56 = arith.constant 3 : i32
    %dma_start3A_57 = arith.constant 375 : i32
    %dma_start3A_58 = arith.constant 0 : i32
    %dma_start3A_59 = tpu.memref_slice %arg10[%dma_start3A_57, %dma_start3A_58] : memref<2000x16xf32, #tpu.memory_space<vmem>> -> memref<125x16xf32, #tpu.memory_space<vmem>>
    %dma_start3A_60 = arith.constant 0 : i32
    %dma_start3A_61 = tpu.memref_slice %arg8[%dma_start3A_56, %dma_start3A_60] : memref<80x125xi32, #tpu.memory_space<vmem>> -> memref<1x125xi32, #tpu.memory_space<vmem>>
    %dma_start3A_62 = tpu.memref_squeeze %dma_start3A_61 : memref<1x125xi32, #tpu.memory_space<vmem>> -> memref<125xi32, #tpu.memory_space<vmem>>
    %dma_start3A_63 = arith.constant 0 : i32
    %dma_start3A_64 = arith.constant 0 : i32
    %dma_start3A_65 = tpu.memref_slice %arg7[%dma_start3A_63, %dma_start3A_64] : memref<10000x16xf32, #tpu.memory_space<hbm>> -> memref<10000x16xf32, #tpu.memory_space<hbm>>
    tpu.enqueue_indirect_dma source(%dma_start3A_65 : memref<10000x16xf32, #tpu.memory_space<hbm>>) target(%dma_start3A_59 : memref<125x16xf32, #tpu.memory_space<vmem>>) offsets(%dma_start3A_62 : memref<125xi32, #tpu.memory_space<vmem>>) semaphore(%arg17 : memref<!tpu.dma_semaphore, #tpu.memory_space<semaphore_mem>>)
    %dma_start3A_66 = arith.constant 4 : i32
    %dma_start3A_67 = arith.constant 500 : i32
    %dma_start3A_68 = arith.constant 0 : i32
    %dma_start3A_69 = tpu.memref_slice %arg10[%dma_start3A_67, %dma_start3A_68] : memref<2000x16xf32, #tpu.memory_space<vmem>> -> memref<125x16xf32, #tpu.memory_space<vmem>>
    %dma_start3A_70 = arith.constant 0 : i32
    %dma_start3A_71 = tpu.memref_slice %arg8[%dma_start3A_66, %dma_start3A_70] : memref<80x125xi32, #tpu.memory_space<vmem>> -> memref<1x125xi32, #tpu.memory_space<vmem>>
    %dma_start3A_72 = tpu.memref_squeeze %dma_start3A_71 : memref<1x125xi32, #tpu.memory_space<vmem>> -> memref<125xi32, #tpu.memory_space<vmem>>
    %dma_start3A_73 = arith.constant 0 : i32
    %dma_start3A_74 = arith.constant 0 : i32
    %dma_start3A_75 = tpu.memref_slice %arg7[%dma_start3A_73, %dma_start3A_74] : memref<10000x16xf32, #tpu.memory_space<hbm>> -> memref<10000x16xf32, #tpu.memory_space<hbm>>
    tpu.enqueue_indirect_dma source(%dma_start3A_75 : memref<10000x16xf32, #tpu.memory_space<hbm>>) target(%dma_start3A_69 : memref<125x16xf32, #tpu.memory_space<vmem>>) offsets(%dma_start3A_72 : memref<125xi32, #tpu.memory_space<vmem>>) semaphore(%arg17 : memref<!tpu.dma_semaphore, #tpu.memory_space<semaphore_mem>>)
    %dma_start3A_76 = arith.constant 5 : i32
    %dma_start3A_77 = arith.constant 625 : i32
    %dma_start3A_78 = arith.constant 0 : i32
    %dma_start3A_79 = tpu.memref_slice %arg10[%dma_start3A_77, %dma_start3A_78] : memref<2000x16xf32, #tpu.memory_space<vmem>> -> memref<125x16xf32, #tpu.memory_space<vmem>>
    %dma_start3A_80 = arith.constant 0 : i32
    %dma_start3A_81 = tpu.memref_slice %arg8[%dma_start3A_76, %dma_start3A_80] : memref<80x125xi32, #tpu.memory_space<vmem>> -> memref<1x125xi32, #tpu.memory_space<vmem>>
    %dma_start3A_82 = tpu.memref_squeeze %dma_start3A_81 : memref<1x125xi32, #tpu.memory_space<vmem>> -> memref<125xi32, #tpu.memory_space<vmem>>
    %dma_start3A_83 = arith.constant 0 : i32
    %dma_start3A_84 = arith.constant 0 : i32
    %dma_start3A_85 = tpu.memref_slice %arg7[%dma_start3A_83, %dma_start3A_84] : memref<10000x16xf32, #tpu.memory_space<hbm>> -> memref<10000x16xf32, #tpu.memory_space<hbm>>
    tpu.enqueue_indirect_dma source(%dma_start3A_85 : memref<10000x16xf32, #tpu.memory_space<hbm>>) target(%dma_start3A_79 : memref<125x16xf32, #tpu.memory_space<vmem>>) offsets(%dma_start3A_82 : memref<125xi32, #tpu.memory_space<vmem>>) semaphore(%arg17 : memref<!tpu.dma_semaphore, #tpu.memory_space<semaphore_mem>>)
    %dma_start3A_86 = arith.constant 6 : i32
    %dma_start3A_87 = arith.constant 750 : i32
    %dma_start3A_88 = arith.constant 0 : i32
    %dma_start3A_89 = tpu.memref_slice %arg10[%dma_start3A_87, %dma_start3A_88] : memref<2000x16xf32, #tpu.memory_space<vmem>> -> memref<125x16xf32, #tpu.memory_space<vmem>>
    %dma_start3A_90 = arith.constant 0 : i32
    %dma_start3A_91 = tpu.memref_slice %arg8[%dma_start3A_86, %dma_start3A_90] : memref<80x125xi32, #tpu.memory_space<vmem>> -> memref<1x125xi32, #tpu.memory_space<vmem>>
    %dma_start3A_92 = tpu.memref_squeeze %dma_start3A_91 : memref<1x125xi32, #tpu.memory_space<vmem>> -> memref<125xi32, #tpu.memory_space<vmem>>
    %dma_start3A_93 = arith.constant 0 : i32
    %dma_start3A_94 = arith.constant 0 : i32
    %dma_start3A_95 = tpu.memref_slice %arg7[%dma_start3A_93, %dma_start3A_94] : memref<10000x16xf32, #tpu.memory_space<hbm>> -> memref<10000x16xf32, #tpu.memory_space<hbm>>
    tpu.enqueue_indirect_dma source(%dma_start3A_95 : memref<10000x16xf32, #tpu.memory_space<hbm>>) target(%dma_start3A_89 : memref<125x16xf32, #tpu.memory_space<vmem>>) offsets(%dma_start3A_92 : memref<125xi32, #tpu.memory_space<vmem>>) semaphore(%arg17 : memref<!tpu.dma_semaphore, #tpu.memory_space<semaphore_mem>>)
    %dma_start3A_96 = arith.constant 7 : i32
    %dma_start3A_97 = arith.constant 875 : i32
    %dma_start3A_98 = arith.constant 0 : i32
    %dma_start3A_99 = tpu.memref_slice %arg10[%dma_start3A_97, %dma_start3A_98] : memref<2000x16xf32, #tpu.memory_space<vmem>> -> memref<125x16xf32, #tpu.memory_space<vmem>>
    %dma_start3A_100 = arith.constant 0 : i32
    %dma_start3A_101 = tpu.memref_slice %arg8[%dma_start3A_96, %dma_start3A_100] : memref<80x125xi32, #tpu.memory_space<vmem>> -> memref<1x125xi32, #tpu.memory_space<vmem>>
    %dma_start3A_102 = tpu.memref_squeeze %dma_start3A_101 : memref<1x125xi32, #tpu.memory_space<vmem>> -> memref<125xi32, #tpu.memory_space<vmem>>
    %dma_start3A_103 = arith.constant 0 : i32
    %dma_start3A_104 = arith.constant 0 : i32
    %dma_start3A_105 = tpu.memref_slice %arg7[%dma_start3A_103, %dma_start3A_104] : memref<10000x16xf32, #tpu.memory_space<hbm>> -> memref<10000x16xf32, #tpu.memory_space<hbm>>
    tpu.enqueue_indirect_dma source(%dma_start3A_105 : memref<10000x16xf32, #tpu.memory_space<hbm>>) target(%dma_start3A_99 : memref<125x16xf32, #tpu.memory_space<vmem>>) offsets(%dma_start3A_102 : memref<125xi32, #tpu.memory_space<vmem>>) semaphore(%arg17 : memref<!tpu.dma_semaphore, #tpu.memory_space<semaphore_mem>>)
    %scan3A_106 = arith.constant 0 : i32
    %scan3A_107 = arith.constant 0 : i32
    %scan3A_108 = arith.constant 10 : i32
    %scan3A_109 = arith.addi %scan3A_107, %scan3A_108 : i32
    %scan3A_110 = arith.constant 1 : i32
    scf.for %scan3A_208 = %scan3A_107 to %scan3A_109 step %scan3A_110  : i32 {
      %and3A = arith.constant 1 : i32
      %and3A_209 = arith.andi %scan3A_208, %and3A : i32
      %mul3A_210 = arith.constant 1000 : i32
      %mul3A_211 = arith.muli %and3A_209, %mul3A_210 : i32
      %dma_wait3A_212 = arith.constant 0 : i32
      %dma_wait3A_213 = arith.constant 0 : i32
      %dma_wait3A_214 = tpu.memref_slice %arg10[%dma_wait3A_212, %dma_wait3A_213] : memref<2000x16xf32, #tpu.memory_space<vmem>> -> memref<125x16xf32, #tpu.memory_space<vmem>>
      %dma_wait3A_215 = arith.constant 0 : i32
      %dma_wait3A_216 = arith.constant 0 : i32
      %dma_wait3A_217 = tpu.memref_slice %arg5[%dma_wait3A_215, %dma_wait3A_216] : memref<10000x16xf32, #tpu.memory_space<hbm>> -> memref<125x16xf32, #tpu.memory_space<hbm>>
      %dma_wait3A_218 = arith.constant 0 : i32
      %dma_wait3A_219 = arith.constant 0 : i32
      %dma_wait3A_220 = tpu.memref_slice %arg10[%dma_wait3A_218, %dma_wait3A_219] : memref<2000x16xf32, #tpu.memory_space<vmem>> -> memref<125x16xf32, #tpu.memory_space<vmem>>
      %dma_wait3A_221 = arith.constant 0 : i32
      %dma_wait3A_222 = arith.constant 0 : i32
      %dma_wait3A_223 = tpu.memref_slice %arg5[%dma_wait3A_221, %dma_wait3A_222] : memref<10000x16xf32, #tpu.memory_space<hbm>> -> memref<125x16xf32, #tpu.memory_space<hbm>>
      tpu.wait_dma2 semaphore(%arg17 : memref<!tpu.dma_semaphore, #tpu.memory_space<semaphore_mem>>) src(%dma_wait3A_223 : memref<125x16xf32, #tpu.memory_space<hbm>>) dst(%dma_wait3A_220 : memref<125x16xf32, #tpu.memory_space<vmem>>)
      %dma_wait3A_224 = arith.constant 0 : i32
      %dma_wait3A_225 = arith.constant 0 : i32
      %dma_wait3A_226 = tpu.memref_slice %arg10[%dma_wait3A_224, %dma_wait3A_225] : memref<2000x16xf32, #tpu.memory_space<vmem>> -> memref<125x16xf32, #tpu.memory_space<vmem>>
      %dma_wait3A_227 = arith.constant 0 : i32
      %dma_wait3A_228 = arith.constant 0 : i32
      %dma_wait3A_229 = tpu.memref_slice %arg5[%dma_wait3A_227, %dma_wait3A_228] : memref<10000x16xf32, #tpu.memory_space<hbm>> -> memref<125x16xf32, #tpu.memory_space<hbm>>
      %dma_wait3A_230 = arith.constant 0 : i32
      %dma_wait3A_231 = arith.constant 0 : i32
      %dma_wait3A_232 = tpu.memref_slice %arg10[%dma_wait3A_230, %dma_wait3A_231] : memref<2000x16xf32, #tpu.memory_space<vmem>> -> memref<125x16xf32, #tpu.memory_space<vmem>>
      %dma_wait3A_233 = arith.constant 0 : i32
      %dma_wait3A_234 = arith.constant 0 : i32
      %dma_wait3A_235 = tpu.memref_slice %arg5[%dma_wait3A_233, %dma_wait3A_234] : memref<10000x16xf32, #tpu.memory_space<hbm>> -> memref<125x16xf32, #tpu.memory_space<hbm>>
      tpu.wait_dma2 semaphore(%arg17 : memref<!tpu.dma_semaphore, #tpu.memory_space<semaphore_mem>>) src(%dma_wait3A_235 : memref<125x16xf32, #tpu.memory_space<hbm>>) dst(%dma_wait3A_232 : memref<125x16xf32, #tpu.memory_space<vmem>>)
      %dma_wait3A_236 = arith.constant 0 : i32
      %dma_wait3A_237 = arith.constant 0 : i32
      %dma_wait3A_238 = tpu.memref_slice %arg10[%dma_wait3A_236, %dma_wait3A_237] : memref<2000x16xf32, #tpu.memory_space<vmem>> -> memref<125x16xf32, #tpu.memory_space<vmem>>
      %dma_wait3A_239 = arith.constant 0 : i32
      %dma_wait3A_240 = arith.constant 0 : i32
      %dma_wait3A_241 = tpu.memref_slice %arg5[%dma_wait3A_239, %dma_wait3A_240] : memref<10000x16xf32, #tpu.memory_space<hbm>> -> memref<125x16xf32, #tpu.memory_space<hbm>>
      %dma_wait3A_242 = arith.constant 0 : i32
      %dma_wait3A_243 = arith.constant 0 : i32
      %dma_wait3A_244 = tpu.memref_slice %arg10[%dma_wait3A_242, %dma_wait3A_243] : memref<2000x16xf32, #tpu.memory_space<vmem>> -> memref<125x16xf32, #tpu.memory_space<vmem>>
      %dma_wait3A_245 = arith.constant 0 : i32
      %dma_wait3A_246 = arith.constant 0 : i32
      %dma_wait3A_247 = tpu.memref_slice %arg5[%dma_wait3A_245, %dma_wait3A_246] : memref<10000x16xf32, #tpu.memory_space<hbm>> -> memref<125x16xf32, #tpu.memory_space<hbm>>
      tpu.wait_dma2 semaphore(%arg17 : memref<!tpu.dma_semaphore, #tpu.memory_space<semaphore_mem>>) src(%dma_wait3A_247 : memref<125x16xf32, #tpu.memory_space<hbm>>) dst(%dma_wait3A_244 : memref<125x16xf32, #tpu.memory_space<vmem>>)
      %dma_wait3A_248 = arith.constant 0 : i32
      %dma_wait3A_249 = arith.constant 0 : i32
      %dma_wait3A_250 = tpu.memref_slice %arg10[%dma_wait3A_248, %dma_wait3A_249] : memref<2000x16xf32, #tpu.memory_space<vmem>> -> memref<125x16xf32, #tpu.memory_space<vmem>>
      %dma_wait3A_251 = arith.constant 0 : i32
      %dma_wait3A_252 = arith.constant 0 : i32
      %dma_wait3A_253 = tpu.memref_slice %arg5[%dma_wait3A_251, %dma_wait3A_252] : memref<10000x16xf32, #tpu.memory_space<hbm>> -> memref<125x16xf32, #tpu.memory_space<hbm>>
      %dma_wait3A_254 = arith.constant 0 : i32
      %dma_wait3A_255 = arith.constant 0 : i32
      %dma_wait3A_256 = tpu.memref_slice %arg10[%dma_wait3A_254, %dma_wait3A_255] : memref<2000x16xf32, #tpu.memory_space<vmem>> -> memref<125x16xf32, #tpu.memory_space<vmem>>
      %dma_wait3A_257 = arith.constant 0 : i32
      %dma_wait3A_258 = arith.constant 0 : i32
      %dma_wait3A_259 = tpu.memref_slice %arg5[%dma_wait3A_257, %dma_wait3A_258] : memref<10000x16xf32, #tpu.memory_space<hbm>> -> memref<125x16xf32, #tpu.memory_space<hbm>>
      tpu.wait_dma2 semaphore(%arg17 : memref<!tpu.dma_semaphore, #tpu.memory_space<semaphore_mem>>) src(%dma_wait3A_259 : memref<125x16xf32, #tpu.memory_space<hbm>>) dst(%dma_wait3A_256 : memref<125x16xf32, #tpu.memory_space<vmem>>)
      %dma_wait3A_260 = arith.constant 0 : i32
      %dma_wait3A_261 = arith.constant 0 : i32
      %dma_wait3A_262 = tpu.memref_slice %arg10[%dma_wait3A_260, %dma_wait3A_261] : memref<2000x16xf32, #tpu.memory_space<vmem>> -> memref<125x16xf32, #tpu.memory_space<vmem>>
      %dma_wait3A_263 = arith.constant 0 : i32
      %dma_wait3A_264 = arith.constant 0 : i32
      %dma_wait3A_265 = tpu.memref_slice %arg5[%dma_wait3A_263, %dma_wait3A_264] : memref<10000x16xf32, #tpu.memory_space<hbm>> -> memref<125x16xf32, #tpu.memory_space<hbm>>
      %dma_wait3A_266 = arith.constant 0 : i32
      %dma_wait3A_267 = arith.constant 0 : i32
      %dma_wait3A_268 = tpu.memref_slice %arg10[%dma_wait3A_266, %dma_wait3A_267] : memref<2000x16xf32, #tpu.memory_space<vmem>> -> memref<125x16xf32, #tpu.memory_space<vmem>>
      %dma_wait3A_269 = arith.constant 0 : i32
      %dma_wait3A_270 = arith.constant 0 : i32
      %dma_wait3A_271 = tpu.memref_slice %arg5[%dma_wait3A_269, %dma_wait3A_270] : memref<10000x16xf32, #tpu.memory_space<hbm>> -> memref<125x16xf32, #tpu.memory_space<hbm>>
      tpu.wait_dma2 semaphore(%arg17 : memref<!tpu.dma_semaphore, #tpu.memory_space<semaphore_mem>>) src(%dma_wait3A_271 : memref<125x16xf32, #tpu.memory_space<hbm>>) dst(%dma_wait3A_268 : memref<125x16xf32, #tpu.memory_space<vmem>>)
      %dma_wait3A_272 = arith.constant 0 : i32
      %dma_wait3A_273 = arith.constant 0 : i32
      %dma_wait3A_274 = tpu.memref_slice %arg10[%dma_wait3A_272, %dma_wait3A_273] : memref<2000x16xf32, #tpu.memory_space<vmem>> -> memref<125x16xf32, #tpu.memory_space<vmem>>
      %dma_wait3A_275 = arith.constant 0 : i32
      %dma_wait3A_276 = arith.constant 0 : i32
      %dma_wait3A_277 = tpu.memref_slice %arg5[%dma_wait3A_275, %dma_wait3A_276] : memref<10000x16xf32, #tpu.memory_space<hbm>> -> memref<125x16xf32, #tpu.memory_space<hbm>>
      %dma_wait3A_278 = arith.constant 0 : i32
      %dma_wait3A_279 = arith.constant 0 : i32
      %dma_wait3A_280 = tpu.memref_slice %arg10[%dma_wait3A_278, %dma_wait3A_279] : memref<2000x16xf32, #tpu.memory_space<vmem>> -> memref<125x16xf32, #tpu.memory_space<vmem>>
      %dma_wait3A_281 = arith.constant 0 : i32
      %dma_wait3A_282 = arith.constant 0 : i32
      %dma_wait3A_283 = tpu.memref_slice %arg5[%dma_wait3A_281, %dma_wait3A_282] : memref<10000x16xf32, #tpu.memory_space<hbm>> -> memref<125x16xf32, #tpu.memory_space<hbm>>
      tpu.wait_dma2 semaphore(%arg17 : memref<!tpu.dma_semaphore, #tpu.memory_space<semaphore_mem>>) src(%dma_wait3A_283 : memref<125x16xf32, #tpu.memory_space<hbm>>) dst(%dma_wait3A_280 : memref<125x16xf32, #tpu.memory_space<vmem>>)
      %dma_wait3A_284 = arith.constant 0 : i32
      %dma_wait3A_285 = arith.constant 0 : i32
      %dma_wait3A_286 = tpu.memref_slice %arg10[%dma_wait3A_284, %dma_wait3A_285] : memref<2000x16xf32, #tpu.memory_space<vmem>> -> memref<125x16xf32, #tpu.memory_space<vmem>>
      %dma_wait3A_287 = arith.constant 0 : i32
      %dma_wait3A_288 = arith.constant 0 : i32
      %dma_wait3A_289 = tpu.memref_slice %arg5[%dma_wait3A_287, %dma_wait3A_288] : memref<10000x16xf32, #tpu.memory_space<hbm>> -> memref<125x16xf32, #tpu.memory_space<hbm>>
      %dma_wait3A_290 = arith.constant 0 : i32
      %dma_wait3A_291 = arith.constant 0 : i32
      %dma_wait3A_292 = tpu.memref_slice %arg10[%dma_wait3A_290, %dma_wait3A_291] : memref<2000x16xf32, #tpu.memory_space<vmem>> -> memref<125x16xf32, #tpu.memory_space<vmem>>
      %dma_wait3A_293 = arith.constant 0 : i32
      %dma_wait3A_294 = arith.constant 0 : i32
      %dma_wait3A_295 = tpu.memref_slice %arg5[%dma_wait3A_293, %dma_wait3A_294] : memref<10000x16xf32, #tpu.memory_space<hbm>> -> memref<125x16xf32, #tpu.memory_space<hbm>>
      tpu.wait_dma2 semaphore(%arg17 : memref<!tpu.dma_semaphore, #tpu.memory_space<semaphore_mem>>) src(%dma_wait3A_295 : memref<125x16xf32, #tpu.memory_space<hbm>>) dst(%dma_wait3A_292 : memref<125x16xf32, #tpu.memory_space<vmem>>)
      %dma_wait3A_296 = arith.constant 0 : i32
      %dma_wait3A_297 = arith.constant 0 : i32
      %dma_wait3A_298 = tpu.memref_slice %arg10[%dma_wait3A_296, %dma_wait3A_297] : memref<2000x16xf32, #tpu.memory_space<vmem>> -> memref<125x16xf32, #tpu.memory_space<vmem>>
      %dma_wait3A_299 = arith.constant 0 : i32
      %dma_wait3A_300 = arith.constant 0 : i32
      %dma_wait3A_301 = tpu.memref_slice %arg5[%dma_wait3A_299, %dma_wait3A_300] : memref<10000x16xf32, #tpu.memory_space<hbm>> -> memref<125x16xf32, #tpu.memory_space<hbm>>
      %dma_wait3A_302 = arith.constant 0 : i32
      %dma_wait3A_303 = arith.constant 0 : i32
      %dma_wait3A_304 = tpu.memref_slice %arg10[%dma_wait3A_302, %dma_wait3A_303] : memref<2000x16xf32, #tpu.memory_space<vmem>> -> memref<125x16xf32, #tpu.memory_space<vmem>>
      %dma_wait3A_305 = arith.constant 0 : i32
      %dma_wait3A_306 = arith.constant 0 : i32
      %dma_wait3A_307 = tpu.memref_slice %arg5[%dma_wait3A_305, %dma_wait3A_306] : memref<10000x16xf32, #tpu.memory_space<hbm>> -> memref<125x16xf32, #tpu.memory_space<hbm>>
      tpu.wait_dma2 semaphore(%arg17 : memref<!tpu.dma_semaphore, #tpu.memory_space<semaphore_mem>>) src(%dma_wait3A_307 : memref<125x16xf32, #tpu.memory_space<hbm>>) dst(%dma_wait3A_304 : memref<125x16xf32, #tpu.memory_space<vmem>>)
      %ge3A = arith.constant 1 : i32
      %ge3A_308 = arith.cmpi sge, %scan3A_208, %ge3A : i32
      %convert_element_type3A = arith.extui %ge3A_308 : i1 to i32
      %cond3A = arith.constant 0 : i32
      %cond3A_309 = arith.cmpi ne, %convert_element_type3A, %cond3A : i32
      scf.if %cond3A_309 {
        %dma_wait3A_429 = arith.constant 0 : i32
        %dma_wait3A_430 = arith.constant 0 : i32
        %dma_wait3A_431 = tpu.memref_slice %arg10[%dma_wait3A_429, %dma_wait3A_430] : memref<2000x16xf32, #tpu.memory_space<vmem>> -> memref<125x16xf32, #tpu.memory_space<vmem>>
        %dma_wait3A_432 = arith.constant 0 : i32
        %dma_wait3A_433 = arith.constant 0 : i32
        %dma_wait3A_434 = tpu.memref_slice %arg5[%dma_wait3A_432, %dma_wait3A_433] : memref<10000x16xf32, #tpu.memory_space<hbm>> -> memref<125x16xf32, #tpu.memory_space<hbm>>
        %dma_wait3A_435 = arith.constant 0 : i32
        %dma_wait3A_436 = arith.constant 0 : i32
        %dma_wait3A_437 = tpu.memref_slice %arg10[%dma_wait3A_435, %dma_wait3A_436] : memref<2000x16xf32, #tpu.memory_space<vmem>> -> memref<125x16xf32, #tpu.memory_space<vmem>>
        %dma_wait3A_438 = arith.constant 0 : i32
        %dma_wait3A_439 = arith.constant 0 : i32
        %dma_wait3A_440 = tpu.memref_slice %arg5[%dma_wait3A_438, %dma_wait3A_439] : memref<10000x16xf32, #tpu.memory_space<hbm>> -> memref<125x16xf32, #tpu.memory_space<hbm>>
        tpu.wait_dma2 semaphore(%arg18 : memref<!tpu.dma_semaphore, #tpu.memory_space<semaphore_mem>>) src(%dma_wait3A_440 : memref<125x16xf32, #tpu.memory_space<hbm>>) dst(%dma_wait3A_437 : memref<125x16xf32, #tpu.memory_space<vmem>>)
        %dma_wait3A_441 = arith.constant 0 : i32
        %dma_wait3A_442 = arith.constant 0 : i32
        %dma_wait3A_443 = tpu.memref_slice %arg10[%dma_wait3A_441, %dma_wait3A_442] : memref<2000x16xf32, #tpu.memory_space<vmem>> -> memref<125x16xf32, #tpu.memory_space<vmem>>
        %dma_wait3A_444 = arith.constant 0 : i32
        %dma_wait3A_445 = arith.constant 0 : i32
        %dma_wait3A_446 = tpu.memref_slice %arg5[%dma_wait3A_444, %dma_wait3A_445] : memref<10000x16xf32, #tpu.memory_space<hbm>> -> memref<125x16xf32, #tpu.memory_space<hbm>>
        %dma_wait3A_447 = arith.constant 0 : i32
        %dma_wait3A_448 = arith.constant 0 : i32
        %dma_wait3A_449 = tpu.memref_slice %arg10[%dma_wait3A_447, %dma_wait3A_448] : memref<2000x16xf32, #tpu.memory_space<vmem>> -> memref<125x16xf32, #tpu.memory_space<vmem>>
        %dma_wait3A_450 = arith.constant 0 : i32
        %dma_wait3A_451 = arith.constant 0 : i32
        %dma_wait3A_452 = tpu.memref_slice %arg5[%dma_wait3A_450, %dma_wait3A_451] : memref<10000x16xf32, #tpu.memory_space<hbm>> -> memref<125x16xf32, #tpu.memory_space<hbm>>
        tpu.wait_dma2 semaphore(%arg18 : memref<!tpu.dma_semaphore, #tpu.memory_space<semaphore_mem>>) src(%dma_wait3A_452 : memref<125x16xf32, #tpu.memory_space<hbm>>) dst(%dma_wait3A_449 : memref<125x16xf32, #tpu.memory_space<vmem>>)
        %dma_wait3A_453 = arith.constant 0 : i32
        %dma_wait3A_454 = arith.constant 0 : i32
        %dma_wait3A_455 = tpu.memref_slice %arg10[%dma_wait3A_453, %dma_wait3A_454] : memref<2000x16xf32, #tpu.memory_space<vmem>> -> memref<125x16xf32, #tpu.memory_space<vmem>>
        %dma_wait3A_456 = arith.constant 0 : i32
        %dma_wait3A_457 = arith.constant 0 : i32
        %dma_wait3A_458 = tpu.memref_slice %arg5[%dma_wait3A_456, %dma_wait3A_457] : memref<10000x16xf32, #tpu.memory_space<hbm>> -> memref<125x16xf32, #tpu.memory_space<hbm>>
        %dma_wait3A_459 = arith.constant 0 : i32
        %dma_wait3A_460 = arith.constant 0 : i32
        %dma_wait3A_461 = tpu.memref_slice %arg10[%dma_wait3A_459, %dma_wait3A_460] : memref<2000x16xf32, #tpu.memory_space<vmem>> -> memref<125x16xf32, #tpu.memory_space<vmem>>
        %dma_wait3A_462 = arith.constant 0 : i32
        %dma_wait3A_463 = arith.constant 0 : i32
        %dma_wait3A_464 = tpu.memref_slice %arg5[%dma_wait3A_462, %dma_wait3A_463] : memref<10000x16xf32, #tpu.memory_space<hbm>> -> memref<125x16xf32, #tpu.memory_space<hbm>>
        tpu.wait_dma2 semaphore(%arg18 : memref<!tpu.dma_semaphore, #tpu.memory_space<semaphore_mem>>) src(%dma_wait3A_464 : memref<125x16xf32, #tpu.memory_space<hbm>>) dst(%dma_wait3A_461 : memref<125x16xf32, #tpu.memory_space<vmem>>)
        %dma_wait3A_465 = arith.constant 0 : i32
        %dma_wait3A_466 = arith.constant 0 : i32
        %dma_wait3A_467 = tpu.memref_slice %arg10[%dma_wait3A_465, %dma_wait3A_466] : memref<2000x16xf32, #tpu.memory_space<vmem>> -> memref<125x16xf32, #tpu.memory_space<vmem>>
        %dma_wait3A_468 = arith.constant 0 : i32
        %dma_wait3A_469 = arith.constant 0 : i32
        %dma_wait3A_470 = tpu.memref_slice %arg5[%dma_wait3A_468, %dma_wait3A_469] : memref<10000x16xf32, #tpu.memory_space<hbm>> -> memref<125x16xf32, #tpu.memory_space<hbm>>
        %dma_wait3A_471 = arith.constant 0 : i32
        %dma_wait3A_472 = arith.constant 0 : i32
        %dma_wait3A_473 = tpu.memref_slice %arg10[%dma_wait3A_471, %dma_wait3A_472] : memref<2000x16xf32, #tpu.memory_space<vmem>> -> memref<125x16xf32, #tpu.memory_space<vmem>>
        %dma_wait3A_474 = arith.constant 0 : i32
        %dma_wait3A_475 = arith.constant 0 : i32
        %dma_wait3A_476 = tpu.memref_slice %arg5[%dma_wait3A_474, %dma_wait3A_475] : memref<10000x16xf32, #tpu.memory_space<hbm>> -> memref<125x16xf32, #tpu.memory_space<hbm>>
        tpu.wait_dma2 semaphore(%arg18 : memref<!tpu.dma_semaphore, #tpu.memory_space<semaphore_mem>>) src(%dma_wait3A_476 : memref<125x16xf32, #tpu.memory_space<hbm>>) dst(%dma_wait3A_473 : memref<125x16xf32, #tpu.memory_space<vmem>>)
        %dma_wait3A_477 = arith.constant 0 : i32
        %dma_wait3A_478 = arith.constant 0 : i32
        %dma_wait3A_479 = tpu.memref_slice %arg10[%dma_wait3A_477, %dma_wait3A_478] : memref<2000x16xf32, #tpu.memory_space<vmem>> -> memref<125x16xf32, #tpu.memory_space<vmem>>
        %dma_wait3A_480 = arith.constant 0 : i32
        %dma_wait3A_481 = arith.constant 0 : i32
        %dma_wait3A_482 = tpu.memref_slice %arg5[%dma_wait3A_480, %dma_wait3A_481] : memref<10000x16xf32, #tpu.memory_space<hbm>> -> memref<125x16xf32, #tpu.memory_space<hbm>>
        %dma_wait3A_483 = arith.constant 0 : i32
        %dma_wait3A_484 = arith.constant 0 : i32
        %dma_wait3A_485 = tpu.memref_slice %arg10[%dma_wait3A_483, %dma_wait3A_484] : memref<2000x16xf32, #tpu.memory_space<vmem>> -> memref<125x16xf32, #tpu.memory_space<vmem>>
        %dma_wait3A_486 = arith.constant 0 : i32
        %dma_wait3A_487 = arith.constant 0 : i32
        %dma_wait3A_488 = tpu.memref_slice %arg5[%dma_wait3A_486, %dma_wait3A_487] : memref<10000x16xf32, #tpu.memory_space<hbm>> -> memref<125x16xf32, #tpu.memory_space<hbm>>
        tpu.wait_dma2 semaphore(%arg18 : memref<!tpu.dma_semaphore, #tpu.memory_space<semaphore_mem>>) src(%dma_wait3A_488 : memref<125x16xf32, #tpu.memory_space<hbm>>) dst(%dma_wait3A_485 : memref<125x16xf32, #tpu.memory_space<vmem>>)
        %dma_wait3A_489 = arith.constant 0 : i32
        %dma_wait3A_490 = arith.constant 0 : i32
        %dma_wait3A_491 = tpu.memref_slice %arg10[%dma_wait3A_489, %dma_wait3A_490] : memref<2000x16xf32, #tpu.memory_space<vmem>> -> memref<125x16xf32, #tpu.memory_space<vmem>>
        %dma_wait3A_492 = arith.constant 0 : i32
        %dma_wait3A_493 = arith.constant 0 : i32
        %dma_wait3A_494 = tpu.memref_slice %arg5[%dma_wait3A_492, %dma_wait3A_493] : memref<10000x16xf32, #tpu.memory_space<hbm>> -> memref<125x16xf32, #tpu.memory_space<hbm>>
        %dma_wait3A_495 = arith.constant 0 : i32
        %dma_wait3A_496 = arith.constant 0 : i32
        %dma_wait3A_497 = tpu.memref_slice %arg10[%dma_wait3A_495, %dma_wait3A_496] : memref<2000x16xf32, #tpu.memory_space<vmem>> -> memref<125x16xf32, #tpu.memory_space<vmem>>
        %dma_wait3A_498 = arith.constant 0 : i32
        %dma_wait3A_499 = arith.constant 0 : i32
        %dma_wait3A_500 = tpu.memref_slice %arg5[%dma_wait3A_498, %dma_wait3A_499] : memref<10000x16xf32, #tpu.memory_space<hbm>> -> memref<125x16xf32, #tpu.memory_space<hbm>>
        tpu.wait_dma2 semaphore(%arg18 : memref<!tpu.dma_semaphore, #tpu.memory_space<semaphore_mem>>) src(%dma_wait3A_500 : memref<125x16xf32, #tpu.memory_space<hbm>>) dst(%dma_wait3A_497 : memref<125x16xf32, #tpu.memory_space<vmem>>)
        %dma_wait3A_501 = arith.constant 0 : i32
        %dma_wait3A_502 = arith.constant 0 : i32
        %dma_wait3A_503 = tpu.memref_slice %arg10[%dma_wait3A_501, %dma_wait3A_502] : memref<2000x16xf32, #tpu.memory_space<vmem>> -> memref<125x16xf32, #tpu.memory_space<vmem>>
        %dma_wait3A_504 = arith.constant 0 : i32
        %dma_wait3A_505 = arith.constant 0 : i32
        %dma_wait3A_506 = tpu.memref_slice %arg5[%dma_wait3A_504, %dma_wait3A_505] : memref<10000x16xf32, #tpu.memory_space<hbm>> -> memref<125x16xf32, #tpu.memory_space<hbm>>
        %dma_wait3A_507 = arith.constant 0 : i32
        %dma_wait3A_508 = arith.constant 0 : i32
        %dma_wait3A_509 = tpu.memref_slice %arg10[%dma_wait3A_507, %dma_wait3A_508] : memref<2000x16xf32, #tpu.memory_space<vmem>> -> memref<125x16xf32, #tpu.memory_space<vmem>>
        %dma_wait3A_510 = arith.constant 0 : i32
        %dma_wait3A_511 = arith.constant 0 : i32
        %dma_wait3A_512 = tpu.memref_slice %arg5[%dma_wait3A_510, %dma_wait3A_511] : memref<10000x16xf32, #tpu.memory_space<hbm>> -> memref<125x16xf32, #tpu.memory_space<hbm>>
        tpu.wait_dma2 semaphore(%arg18 : memref<!tpu.dma_semaphore, #tpu.memory_space<semaphore_mem>>) src(%dma_wait3A_512 : memref<125x16xf32, #tpu.memory_space<hbm>>) dst(%dma_wait3A_509 : memref<125x16xf32, #tpu.memory_space<vmem>>)
        %dma_wait3A_513 = arith.constant 0 : i32
        %dma_wait3A_514 = arith.constant 0 : i32
        %dma_wait3A_515 = tpu.memref_slice %arg10[%dma_wait3A_513, %dma_wait3A_514] : memref<2000x16xf32, #tpu.memory_space<vmem>> -> memref<125x16xf32, #tpu.memory_space<vmem>>
        %dma_wait3A_516 = arith.constant 0 : i32
        %dma_wait3A_517 = arith.constant 0 : i32
        %dma_wait3A_518 = tpu.memref_slice %arg5[%dma_wait3A_516, %dma_wait3A_517] : memref<10000x16xf32, #tpu.memory_space<hbm>> -> memref<125x16xf32, #tpu.memory_space<hbm>>
        %dma_wait3A_519 = arith.constant 0 : i32
        %dma_wait3A_520 = arith.constant 0 : i32
        %dma_wait3A_521 = tpu.memref_slice %arg10[%dma_wait3A_519, %dma_wait3A_520] : memref<2000x16xf32, #tpu.memory_space<vmem>> -> memref<125x16xf32, #tpu.memory_space<vmem>>
        %dma_wait3A_522 = arith.constant 0 : i32
        %dma_wait3A_523 = arith.constant 0 : i32
        %dma_wait3A_524 = tpu.memref_slice %arg5[%dma_wait3A_522, %dma_wait3A_523] : memref<10000x16xf32, #tpu.memory_space<hbm>> -> memref<125x16xf32, #tpu.memory_space<hbm>>
        tpu.wait_dma2 semaphore(%arg18 : memref<!tpu.dma_semaphore, #tpu.memory_space<semaphore_mem>>) src(%dma_wait3A_524 : memref<125x16xf32, #tpu.memory_space<hbm>>) dst(%dma_wait3A_521 : memref<125x16xf32, #tpu.memory_space<vmem>>)
      } else {
      }
      %add3A_310 = arith.constant 1 : i32
      %add3A_311 = arith.addi %scan3A_208, %add3A_310 : i32
      %lt3A_312 = arith.constant 10 : i32
      %lt3A_313 = arith.cmpi slt, %add3A_311, %lt3A_312 : i32
      %convert_element_type3A_314 = arith.extui %lt3A_313 : i1 to i32
      %cond3A_315 = arith.constant 0 : i32
      %cond3A_316 = arith.cmpi ne, %convert_element_type3A_314, %cond3A_315 : i32
      scf.if %cond3A_316 {
        %sub3A = arith.constant 1000 : i32
        %sub3A_429 = arith.subi %sub3A, %mul3A_211 : i32
        %add3A_430 = arith.constant 1 : i32
        %add3A_431 = arith.addi %scan3A_208, %add3A_430 : i32
        %mul3A_432 = arith.constant 8 : i32
        %mul3A_433 = arith.muli %add3A_431, %mul3A_432 : i32
        %add3A_434 = arith.constant 0 : i32
        %add3A_435 = arith.addi %mul3A_433, %add3A_434 : i32
        %add3A_436 = arith.constant 0 : i32
        %add3A_437 = arith.addi %sub3A_429, %add3A_436 : i32
        %dma_start3A_438 = arith.constant 0 : i32
        %dma_start3A_439 = tpu.memref_slice %arg10[%add3A_437, %dma_start3A_438] : memref<2000x16xf32, #tpu.memory_space<vmem>> -> memref<125x16xf32, #tpu.memory_space<vmem>>
        %dma_start3A_440 = arith.constant 0 : i32
        %dma_start3A_441 = tpu.memref_slice %arg8[%add3A_435, %dma_start3A_440] : memref<80x125xi32, #tpu.memory_space<vmem>> -> memref<1x125xi32, #tpu.memory_space<vmem>>
        %dma_start3A_442 = tpu.memref_squeeze %dma_start3A_441 : memref<1x125xi32, #tpu.memory_space<vmem>> -> memref<125xi32, #tpu.memory_space<vmem>>
        %dma_start3A_443 = arith.constant 0 : i32
        %dma_start3A_444 = arith.constant 0 : i32
        %dma_start3A_445 = tpu.memref_slice %arg7[%dma_start3A_443, %dma_start3A_444] : memref<10000x16xf32, #tpu.memory_space<hbm>> -> memref<10000x16xf32, #tpu.memory_space<hbm>>
        tpu.enqueue_indirect_dma source(%dma_start3A_445 : memref<10000x16xf32, #tpu.memory_space<hbm>>) target(%dma_start3A_439 : memref<125x16xf32, #tpu.memory_space<vmem>>) offsets(%dma_start3A_442 : memref<125xi32, #tpu.memory_space<vmem>>) semaphore(%arg17 : memref<!tpu.dma_semaphore, #tpu.memory_space<semaphore_mem>>)
        %add3A_446 = arith.constant 1 : i32
        %add3A_447 = arith.addi %scan3A_208, %add3A_446 : i32
        %mul3A_448 = arith.constant 8 : i32
        %mul3A_449 = arith.muli %add3A_447, %mul3A_448 : i32
        %add3A_450 = arith.constant 1 : i32
        %add3A_451 = arith.addi %mul3A_449, %add3A_450 : i32
        %add3A_452 = arith.constant 125 : i32
        %add3A_453 = arith.addi %sub3A_429, %add3A_452 : i32
        %dma_start3A_454 = arith.constant 0 : i32
        %dma_start3A_455 = tpu.memref_slice %arg10[%add3A_453, %dma_start3A_454] : memref<2000x16xf32, #tpu.memory_space<vmem>> -> memref<125x16xf32, #tpu.memory_space<vmem>>
        %dma_start3A_456 = arith.constant 0 : i32
        %dma_start3A_457 = tpu.memref_slice %arg8[%add3A_451, %dma_start3A_456] : memref<80x125xi32, #tpu.memory_space<vmem>> -> memref<1x125xi32, #tpu.memory_space<vmem>>
        %dma_start3A_458 = tpu.memref_squeeze %dma_start3A_457 : memref<1x125xi32, #tpu.memory_space<vmem>> -> memref<125xi32, #tpu.memory_space<vmem>>
        %dma_start3A_459 = arith.constant 0 : i32
        %dma_start3A_460 = arith.constant 0 : i32
        %dma_start3A_461 = tpu.memref_slice %arg7[%dma_start3A_459, %dma_start3A_460] : memref<10000x16xf32, #tpu.memory_space<hbm>> -> memref<10000x16xf32, #tpu.memory_space<hbm>>
        tpu.enqueue_indirect_dma source(%dma_start3A_461 : memref<10000x16xf32, #tpu.memory_space<hbm>>) target(%dma_start3A_455 : memref<125x16xf32, #tpu.memory_space<vmem>>) offsets(%dma_start3A_458 : memref<125xi32, #tpu.memory_space<vmem>>) semaphore(%arg17 : memref<!tpu.dma_semaphore, #tpu.memory_space<semaphore_mem>>)
        %add3A_462 = arith.constant 1 : i32
        %add3A_463 = arith.addi %scan3A_208, %add3A_462 : i32
        %mul3A_464 = arith.constant 8 : i32
        %mul3A_465 = arith.muli %add3A_463, %mul3A_464 : i32
        %add3A_466 = arith.constant 2 : i32
        %add3A_467 = arith.addi %mul3A_465, %add3A_466 : i32
        %add3A_468 = arith.constant 250 : i32
        %add3A_469 = arith.addi %sub3A_429, %add3A_468 : i32
        %dma_start3A_470 = arith.constant 0 : i32
        %dma_start3A_471 = tpu.memref_slice %arg10[%add3A_469, %dma_start3A_470] : memref<2000x16xf32, #tpu.memory_space<vmem>> -> memref<125x16xf32, #tpu.memory_space<vmem>>
        %dma_start3A_472 = arith.constant 0 : i32
        %dma_start3A_473 = tpu.memref_slice %arg8[%add3A_467, %dma_start3A_472] : memref<80x125xi32, #tpu.memory_space<vmem>> -> memref<1x125xi32, #tpu.memory_space<vmem>>
        %dma_start3A_474 = tpu.memref_squeeze %dma_start3A_473 : memref<1x125xi32, #tpu.memory_space<vmem>> -> memref<125xi32, #tpu.memory_space<vmem>>
        %dma_start3A_475 = arith.constant 0 : i32
        %dma_start3A_476 = arith.constant 0 : i32
        %dma_start3A_477 = tpu.memref_slice %arg7[%dma_start3A_475, %dma_start3A_476] : memref<10000x16xf32, #tpu.memory_space<hbm>> -> memref<10000x16xf32, #tpu.memory_space<hbm>>
        tpu.enqueue_indirect_dma source(%dma_start3A_477 : memref<10000x16xf32, #tpu.memory_space<hbm>>) target(%dma_start3A_471 : memref<125x16xf32, #tpu.memory_space<vmem>>) offsets(%dma_start3A_474 : memref<125xi32, #tpu.memory_space<vmem>>) semaphore(%arg17 : memref<!tpu.dma_semaphore, #tpu.memory_space<semaphore_mem>>)
        %add3A_478 = arith.constant 1 : i32
        %add3A_479 = arith.addi %scan3A_208, %add3A_478 : i32
        %mul3A_480 = arith.constant 8 : i32
        %mul3A_481 = arith.muli %add3A_479, %mul3A_480 : i32
        %add3A_482 = arith.constant 3 : i32
        %add3A_483 = arith.addi %mul3A_481, %add3A_482 : i32
        %add3A_484 = arith.constant 375 : i32
        %add3A_485 = arith.addi %sub3A_429, %add3A_484 : i32
        %dma_start3A_486 = arith.constant 0 : i32
        %dma_start3A_487 = tpu.memref_slice %arg10[%add3A_485, %dma_start3A_486] : memref<2000x16xf32, #tpu.memory_space<vmem>> -> memref<125x16xf32, #tpu.memory_space<vmem>>
        %dma_start3A_488 = arith.constant 0 : i32
        %dma_start3A_489 = tpu.memref_slice %arg8[%add3A_483, %dma_start3A_488] : memref<80x125xi32, #tpu.memory_space<vmem>> -> memref<1x125xi32, #tpu.memory_space<vmem>>
        %dma_start3A_490 = tpu.memref_squeeze %dma_start3A_489 : memref<1x125xi32, #tpu.memory_space<vmem>> -> memref<125xi32, #tpu.memory_space<vmem>>
        %dma_start3A_491 = arith.constant 0 : i32
        %dma_start3A_492 = arith.constant 0 : i32
        %dma_start3A_493 = tpu.memref_slice %arg7[%dma_start3A_491, %dma_start3A_492] : memref<10000x16xf32, #tpu.memory_space<hbm>> -> memref<10000x16xf32, #tpu.memory_space<hbm>>
        tpu.enqueue_indirect_dma source(%dma_start3A_493 : memref<10000x16xf32, #tpu.memory_space<hbm>>) target(%dma_start3A_487 : memref<125x16xf32, #tpu.memory_space<vmem>>) offsets(%dma_start3A_490 : memref<125xi32, #tpu.memory_space<vmem>>) semaphore(%arg17 : memref<!tpu.dma_semaphore, #tpu.memory_space<semaphore_mem>>)
        %add3A_494 = arith.constant 1 : i32
        %add3A_495 = arith.addi %scan3A_208, %add3A_494 : i32
        %mul3A_496 = arith.constant 8 : i32
        %mul3A_497 = arith.muli %add3A_495, %mul3A_496 : i32
        %add3A_498 = arith.constant 4 : i32
        %add3A_499 = arith.addi %mul3A_497, %add3A_498 : i32
        %add3A_500 = arith.constant 500 : i32
        %add3A_501 = arith.addi %sub3A_429, %add3A_500 : i32
        %dma_start3A_502 = arith.constant 0 : i32
        %dma_start3A_503 = tpu.memref_slice %arg10[%add3A_501, %dma_start3A_502] : memref<2000x16xf32, #tpu.memory_space<vmem>> -> memref<125x16xf32, #tpu.memory_space<vmem>>
        %dma_start3A_504 = arith.constant 0 : i32
        %dma_start3A_505 = tpu.memref_slice %arg8[%add3A_499, %dma_start3A_504] : memref<80x125xi32, #tpu.memory_space<vmem>> -> memref<1x125xi32, #tpu.memory_space<vmem>>
        %dma_start3A_506 = tpu.memref_squeeze %dma_start3A_505 : memref<1x125xi32, #tpu.memory_space<vmem>> -> memref<125xi32, #tpu.memory_space<vmem>>
        %dma_start3A_507 = arith.constant 0 : i32
        %dma_start3A_508 = arith.constant 0 : i32
        %dma_start3A_509 = tpu.memref_slice %arg7[%dma_start3A_507, %dma_start3A_508] : memref<10000x16xf32, #tpu.memory_space<hbm>> -> memref<10000x16xf32, #tpu.memory_space<hbm>>
        tpu.enqueue_indirect_dma source(%dma_start3A_509 : memref<10000x16xf32, #tpu.memory_space<hbm>>) target(%dma_start3A_503 : memref<125x16xf32, #tpu.memory_space<vmem>>) offsets(%dma_start3A_506 : memref<125xi32, #tpu.memory_space<vmem>>) semaphore(%arg17 : memref<!tpu.dma_semaphore, #tpu.memory_space<semaphore_mem>>)
        %add3A_510 = arith.constant 1 : i32
        %add3A_511 = arith.addi %scan3A_208, %add3A_510 : i32
        %mul3A_512 = arith.constant 8 : i32
        %mul3A_513 = arith.muli %add3A_511, %mul3A_512 : i32
        %add3A_514 = arith.constant 5 : i32
        %add3A_515 = arith.addi %mul3A_513, %add3A_514 : i32
        %add3A_516 = arith.constant 625 : i32
        %add3A_517 = arith.addi %sub3A_429, %add3A_516 : i32
        %dma_start3A_518 = arith.constant 0 : i32
        %dma_start3A_519 = tpu.memref_slice %arg10[%add3A_517, %dma_start3A_518] : memref<2000x16xf32, #tpu.memory_space<vmem>> -> memref<125x16xf32, #tpu.memory_space<vmem>>
        %dma_start3A_520 = arith.constant 0 : i32
        %dma_start3A_521 = tpu.memref_slice %arg8[%add3A_515, %dma_start3A_520] : memref<80x125xi32, #tpu.memory_space<vmem>> -> memref<1x125xi32, #tpu.memory_space<vmem>>
        %dma_start3A_522 = tpu.memref_squeeze %dma_start3A_521 : memref<1x125xi32, #tpu.memory_space<vmem>> -> memref<125xi32, #tpu.memory_space<vmem>>
        %dma_start3A_523 = arith.constant 0 : i32
        %dma_start3A_524 = arith.constant 0 : i32
        %dma_start3A_525 = tpu.memref_slice %arg7[%dma_start3A_523, %dma_start3A_524] : memref<10000x16xf32, #tpu.memory_space<hbm>> -> memref<10000x16xf32, #tpu.memory_space<hbm>>
        tpu.enqueue_indirect_dma source(%dma_start3A_525 : memref<10000x16xf32, #tpu.memory_space<hbm>>) target(%dma_start3A_519 : memref<125x16xf32, #tpu.memory_space<vmem>>) offsets(%dma_start3A_522 : memref<125xi32, #tpu.memory_space<vmem>>) semaphore(%arg17 : memref<!tpu.dma_semaphore, #tpu.memory_space<semaphore_mem>>)
        %add3A_526 = arith.constant 1 : i32
        %add3A_527 = arith.addi %scan3A_208, %add3A_526 : i32
        %mul3A_528 = arith.constant 8 : i32
        %mul3A_529 = arith.muli %add3A_527, %mul3A_528 : i32
        %add3A_530 = arith.constant 6 : i32
        %add3A_531 = arith.addi %mul3A_529, %add3A_530 : i32
        %add3A_532 = arith.constant 750 : i32
        %add3A_533 = arith.addi %sub3A_429, %add3A_532 : i32
        %dma_start3A_534 = arith.constant 0 : i32
        %dma_start3A_535 = tpu.memref_slice %arg10[%add3A_533, %dma_start3A_534] : memref<2000x16xf32, #tpu.memory_space<vmem>> -> memref<125x16xf32, #tpu.memory_space<vmem>>
        %dma_start3A_536 = arith.constant 0 : i32
        %dma_start3A_537 = tpu.memref_slice %arg8[%add3A_531, %dma_start3A_536] : memref<80x125xi32, #tpu.memory_space<vmem>> -> memref<1x125xi32, #tpu.memory_space<vmem>>
        %dma_start3A_538 = tpu.memref_squeeze %dma_start3A_537 : memref<1x125xi32, #tpu.memory_space<vmem>> -> memref<125xi32, #tpu.memory_space<vmem>>
        %dma_start3A_539 = arith.constant 0 : i32
        %dma_start3A_540 = arith.constant 0 : i32
        %dma_start3A_541 = tpu.memref_slice %arg7[%dma_start3A_539, %dma_start3A_540] : memref<10000x16xf32, #tpu.memory_space<hbm>> -> memref<10000x16xf32, #tpu.memory_space<hbm>>
        tpu.enqueue_indirect_dma source(%dma_start3A_541 : memref<10000x16xf32, #tpu.memory_space<hbm>>) target(%dma_start3A_535 : memref<125x16xf32, #tpu.memory_space<vmem>>) offsets(%dma_start3A_538 : memref<125xi32, #tpu.memory_space<vmem>>) semaphore(%arg17 : memref<!tpu.dma_semaphore, #tpu.memory_space<semaphore_mem>>)
        %add3A_542 = arith.constant 1 : i32
        %add3A_543 = arith.addi %scan3A_208, %add3A_542 : i32
        %mul3A_544 = arith.constant 8 : i32
        %mul3A_545 = arith.muli %add3A_543, %mul3A_544 : i32
        %add3A_546 = arith.constant 7 : i32
        %add3A_547 = arith.addi %mul3A_545, %add3A_546 : i32
        %add3A_548 = arith.constant 875 : i32
        %add3A_549 = arith.addi %sub3A_429, %add3A_548 : i32
        %dma_start3A_550 = arith.constant 0 : i32
        %dma_start3A_551 = tpu.memref_slice %arg10[%add3A_549, %dma_start3A_550] : memref<2000x16xf32, #tpu.memory_space<vmem>> -> memref<125x16xf32, #tpu.memory_space<vmem>>
        %dma_start3A_552 = arith.constant 0 : i32
        %dma_start3A_553 = tpu.memref_slice %arg8[%add3A_547, %dma_start3A_552] : memref<80x125xi32, #tpu.memory_space<vmem>> -> memref<1x125xi32, #tpu.memory_space<vmem>>
        %dma_start3A_554 = tpu.memref_squeeze %dma_start3A_553 : memref<1x125xi32, #tpu.memory_space<vmem>> -> memref<125xi32, #tpu.memory_space<vmem>>
        %dma_start3A_555 = arith.constant 0 : i32
        %dma_start3A_556 = arith.constant 0 : i32
        %dma_start3A_557 = tpu.memref_slice %arg7[%dma_start3A_555, %dma_start3A_556] : memref<10000x16xf32, #tpu.memory_space<hbm>> -> memref<10000x16xf32, #tpu.memory_space<hbm>>
        tpu.enqueue_indirect_dma source(%dma_start3A_557 : memref<10000x16xf32, #tpu.memory_space<hbm>>) target(%dma_start3A_551 : memref<125x16xf32, #tpu.memory_space<vmem>>) offsets(%dma_start3A_554 : memref<125xi32, #tpu.memory_space<vmem>>) semaphore(%arg17 : memref<!tpu.dma_semaphore, #tpu.memory_space<semaphore_mem>>)
      } else {
      }
      %add3A_317 = arith.constant 0 : i32
      %add3A_318 = arith.addi %mul3A_211, %add3A_317 : i32
      %mul3A_319 = arith.constant 8 : i32
      %mul3A_320 = arith.muli %scan3A_208, %mul3A_319 : i32
      %add3A_321 = arith.constant 0 : i32
      %add3A_322 = arith.addi %mul3A_320, %add3A_321 : i32
      %dma_start3A_323 = arith.constant 0 : i32
      %dma_start3A_324 = tpu.memref_slice %arg10[%add3A_318, %dma_start3A_323] : memref<2000x16xf32, #tpu.memory_space<vmem>> -> memref<125x16xf32, #tpu.memory_space<vmem>>
      %dma_start3A_325 = arith.constant 0 : i32
      %dma_start3A_326 = tpu.memref_slice %arg9[%add3A_322, %dma_start3A_325] : memref<80x125xi32, #tpu.memory_space<vmem>> -> memref<1x125xi32, #tpu.memory_space<vmem>>
      %dma_start3A_327 = tpu.memref_squeeze %dma_start3A_326 : memref<1x125xi32, #tpu.memory_space<vmem>> -> memref<125xi32, #tpu.memory_space<vmem>>
      %dma_start3A_328 = arith.constant 0 : i32
      %dma_start3A_329 = arith.constant 0 : i32
      %dma_start3A_330 = tpu.memref_slice %arg16[%dma_start3A_328, %dma_start3A_329] : memref<10000x16xf32, #tpu.memory_space<vmem_shared>> -> memref<10000x16xf32, #tpu.memory_space<vmem_shared>>
      tpu.enqueue_indirect_dma source(%dma_start3A_324 : memref<125x16xf32, #tpu.memory_space<vmem>>) target(%dma_start3A_330 : memref<10000x16xf32, #tpu.memory_space<vmem_shared>>) offsets(%dma_start3A_327 : memref<125xi32, #tpu.memory_space<vmem>>) semaphore(%arg18 : memref<!tpu.dma_semaphore, #tpu.memory_space<semaphore_mem>>) {add = true}
      %add3A_331 = arith.constant 125 : i32
      %add3A_332 = arith.addi %mul3A_211, %add3A_331 : i32
      %mul3A_333 = arith.constant 8 : i32
      %mul3A_334 = arith.muli %scan3A_208, %mul3A_333 : i32
      %add3A_335 = arith.constant 1 : i32
      %add3A_336 = arith.addi %mul3A_334, %add3A_335 : i32
      %dma_start3A_337 = arith.constant 0 : i32
      %dma_start3A_338 = tpu.memref_slice %arg10[%add3A_332, %dma_start3A_337] : memref<2000x16xf32, #tpu.memory_space<vmem>> -> memref<125x16xf32, #tpu.memory_space<vmem>>
      %dma_start3A_339 = arith.constant 0 : i32
      %dma_start3A_340 = tpu.memref_slice %arg9[%add3A_336, %dma_start3A_339] : memref<80x125xi32, #tpu.memory_space<vmem>> -> memref<1x125xi32, #tpu.memory_space<vmem>>
      %dma_start3A_341 = tpu.memref_squeeze %dma_start3A_340 : memref<1x125xi32, #tpu.memory_space<vmem>> -> memref<125xi32, #tpu.memory_space<vmem>>
      %dma_start3A_342 = arith.constant 0 : i32
      %dma_start3A_343 = arith.constant 0 : i32
      %dma_start3A_344 = tpu.memref_slice %arg16[%dma_start3A_342, %dma_start3A_343] : memref<10000x16xf32, #tpu.memory_space<vmem_shared>> -> memref<10000x16xf32, #tpu.memory_space<vmem_shared>>
      tpu.enqueue_indirect_dma source(%dma_start3A_338 : memref<125x16xf32, #tpu.memory_space<vmem>>) target(%dma_start3A_344 : memref<10000x16xf32, #tpu.memory_space<vmem_shared>>) offsets(%dma_start3A_341 : memref<125xi32, #tpu.memory_space<vmem>>) semaphore(%arg18 : memref<!tpu.dma_semaphore, #tpu.memory_space<semaphore_mem>>) {add = true}
      %add3A_345 = arith.constant 250 : i32
      %add3A_346 = arith.addi %mul3A_211, %add3A_345 : i32
      %mul3A_347 = arith.constant 8 : i32
      %mul3A_348 = arith.muli %scan3A_208, %mul3A_347 : i32
      %add3A_349 = arith.constant 2 : i32
      %add3A_350 = arith.addi %mul3A_348, %add3A_349 : i32
      %dma_start3A_351 = arith.constant 0 : i32
      %dma_start3A_352 = tpu.memref_slice %arg10[%add3A_346, %dma_start3A_351] : memref<2000x16xf32, #tpu.memory_space<vmem>> -> memref<125x16xf32, #tpu.memory_space<vmem>>
      %dma_start3A_353 = arith.constant 0 : i32
      %dma_start3A_354 = tpu.memref_slice %arg9[%add3A_350, %dma_start3A_353] : memref<80x125xi32, #tpu.memory_space<vmem>> -> memref<1x125xi32, #tpu.memory_space<vmem>>
      %dma_start3A_355 = tpu.memref_squeeze %dma_start3A_354 : memref<1x125xi32, #tpu.memory_space<vmem>> -> memref<125xi32, #tpu.memory_space<vmem>>
      %dma_start3A_356 = arith.constant 0 : i32
      %dma_start3A_357 = arith.constant 0 : i32
      %dma_start3A_358 = tpu.memref_slice %arg16[%dma_start3A_356, %dma_start3A_357] : memref<10000x16xf32, #tpu.memory_space<vmem_shared>> -> memref<10000x16xf32, #tpu.memory_space<vmem_shared>>
      tpu.enqueue_indirect_dma source(%dma_start3A_352 : memref<125x16xf32, #tpu.memory_space<vmem>>) target(%dma_start3A_358 : memref<10000x16xf32, #tpu.memory_space<vmem_shared>>) offsets(%dma_start3A_355 : memref<125xi32, #tpu.memory_space<vmem>>) semaphore(%arg18 : memref<!tpu.dma_semaphore, #tpu.memory_space<semaphore_mem>>) {add = true}
      %add3A_359 = arith.constant 375 : i32
      %add3A_360 = arith.addi %mul3A_211, %add3A_359 : i32
      %mul3A_361 = arith.constant 8 : i32
      %mul3A_362 = arith.muli %scan3A_208, %mul3A_361 : i32
      %add3A_363 = arith.constant 3 : i32
      %add3A_364 = arith.addi %mul3A_362, %add3A_363 : i32
      %dma_start3A_365 = arith.constant 0 : i32
      %dma_start3A_366 = tpu.memref_slice %arg10[%add3A_360, %dma_start3A_365] : memref<2000x16xf32, #tpu.memory_space<vmem>> -> memref<125x16xf32, #tpu.memory_space<vmem>>
      %dma_start3A_367 = arith.constant 0 : i32
      %dma_start3A_368 = tpu.memref_slice %arg9[%add3A_364, %dma_start3A_367] : memref<80x125xi32, #tpu.memory_space<vmem>> -> memref<1x125xi32, #tpu.memory_space<vmem>>
      %dma_start3A_369 = tpu.memref_squeeze %dma_start3A_368 : memref<1x125xi32, #tpu.memory_space<vmem>> -> memref<125xi32, #tpu.memory_space<vmem>>
      %dma_start3A_370 = arith.constant 0 : i32
      %dma_start3A_371 = arith.constant 0 : i32
      %dma_start3A_372 = tpu.memref_slice %arg16[%dma_start3A_370, %dma_start3A_371] : memref<10000x16xf32, #tpu.memory_space<vmem_shared>> -> memref<10000x16xf32, #tpu.memory_space<vmem_shared>>
      tpu.enqueue_indirect_dma source(%dma_start3A_366 : memref<125x16xf32, #tpu.memory_space<vmem>>) target(%dma_start3A_372 : memref<10000x16xf32, #tpu.memory_space<vmem_shared>>) offsets(%dma_start3A_369 : memref<125xi32, #tpu.memory_space<vmem>>) semaphore(%arg18 : memref<!tpu.dma_semaphore, #tpu.memory_space<semaphore_mem>>) {add = true}
      %add3A_373 = arith.constant 500 : i32
      %add3A_374 = arith.addi %mul3A_211, %add3A_373 : i32
      %mul3A_375 = arith.constant 8 : i32
      %mul3A_376 = arith.muli %scan3A_208, %mul3A_375 : i32
      %add3A_377 = arith.constant 4 : i32
      %add3A_378 = arith.addi %mul3A_376, %add3A_377 : i32
      %dma_start3A_379 = arith.constant 0 : i32
      %dma_start3A_380 = tpu.memref_slice %arg10[%add3A_374, %dma_start3A_379] : memref<2000x16xf32, #tpu.memory_space<vmem>> -> memref<125x16xf32, #tpu.memory_space<vmem>>
      %dma_start3A_381 = arith.constant 0 : i32
      %dma_start3A_382 = tpu.memref_slice %arg9[%add3A_378, %dma_start3A_381] : memref<80x125xi32, #tpu.memory_space<vmem>> -> memref<1x125xi32, #tpu.memory_space<vmem>>
      %dma_start3A_383 = tpu.memref_squeeze %dma_start3A_382 : memref<1x125xi32, #tpu.memory_space<vmem>> -> memref<125xi32, #tpu.memory_space<vmem>>
      %dma_start3A_384 = arith.constant 0 : i32
      %dma_start3A_385 = arith.constant 0 : i32
      %dma_start3A_386 = tpu.memref_slice %arg16[%dma_start3A_384, %dma_start3A_385] : memref<10000x16xf32, #tpu.memory_space<vmem_shared>> -> memref<10000x16xf32, #tpu.memory_space<vmem_shared>>
      tpu.enqueue_indirect_dma source(%dma_start3A_380 : memref<125x16xf32, #tpu.memory_space<vmem>>) target(%dma_start3A_386 : memref<10000x16xf32, #tpu.memory_space<vmem_shared>>) offsets(%dma_start3A_383 : memref<125xi32, #tpu.memory_space<vmem>>) semaphore(%arg18 : memref<!tpu.dma_semaphore, #tpu.memory_space<semaphore_mem>>) {add = true}
      %add3A_387 = arith.constant 625 : i32
      %add3A_388 = arith.addi %mul3A_211, %add3A_387 : i32
      %mul3A_389 = arith.constant 8 : i32
      %mul3A_390 = arith.muli %scan3A_208, %mul3A_389 : i32
      %add3A_391 = arith.constant 5 : i32
      %add3A_392 = arith.addi %mul3A_390, %add3A_391 : i32
      %dma_start3A_393 = arith.constant 0 : i32
      %dma_start3A_394 = tpu.memref_slice %arg10[%add3A_388, %dma_start3A_393] : memref<2000x16xf32, #tpu.memory_space<vmem>> -> memref<125x16xf32, #tpu.memory_space<vmem>>
      %dma_start3A_395 = arith.constant 0 : i32
      %dma_start3A_396 = tpu.memref_slice %arg9[%add3A_392, %dma_start3A_395] : memref<80x125xi32, #tpu.memory_space<vmem>> -> memref<1x125xi32, #tpu.memory_space<vmem>>
      %dma_start3A_397 = tpu.memref_squeeze %dma_start3A_396 : memref<1x125xi32, #tpu.memory_space<vmem>> -> memref<125xi32, #tpu.memory_space<vmem>>
      %dma_start3A_398 = arith.constant 0 : i32
      %dma_start3A_399 = arith.constant 0 : i32
      %dma_start3A_400 = tpu.memref_slice %arg16[%dma_start3A_398, %dma_start3A_399] : memref<10000x16xf32, #tpu.memory_space<vmem_shared>> -> memref<10000x16xf32, #tpu.memory_space<vmem_shared>>
      tpu.enqueue_indirect_dma source(%dma_start3A_394 : memref<125x16xf32, #tpu.memory_space<vmem>>) target(%dma_start3A_400 : memref<10000x16xf32, #tpu.memory_space<vmem_shared>>) offsets(%dma_start3A_397 : memref<125xi32, #tpu.memory_space<vmem>>) semaphore(%arg18 : memref<!tpu.dma_semaphore, #tpu.memory_space<semaphore_mem>>) {add = true}
      %add3A_401 = arith.constant 750 : i32
      %add3A_402 = arith.addi %mul3A_211, %add3A_401 : i32
      %mul3A_403 = arith.constant 8 : i32
      %mul3A_404 = arith.muli %scan3A_208, %mul3A_403 : i32
      %add3A_405 = arith.constant 6 : i32
      %add3A_406 = arith.addi %mul3A_404, %add3A_405 : i32
      %dma_start3A_407 = arith.constant 0 : i32
      %dma_start3A_408 = tpu.memref_slice %arg10[%add3A_402, %dma_start3A_407] : memref<2000x16xf32, #tpu.memory_space<vmem>> -> memref<125x16xf32, #tpu.memory_space<vmem>>
      %dma_start3A_409 = arith.constant 0 : i32
      %dma_start3A_410 = tpu.memref_slice %arg9[%add3A_406, %dma_start3A_409] : memref<80x125xi32, #tpu.memory_space<vmem>> -> memref<1x125xi32, #tpu.memory_space<vmem>>
      %dma_start3A_411 = tpu.memref_squeeze %dma_start3A_410 : memref<1x125xi32, #tpu.memory_space<vmem>> -> memref<125xi32, #tpu.memory_space<vmem>>
      %dma_start3A_412 = arith.constant 0 : i32
      %dma_start3A_413 = arith.constant 0 : i32
      %dma_start3A_414 = tpu.memref_slice %arg16[%dma_start3A_412, %dma_start3A_413] : memref<10000x16xf32, #tpu.memory_space<vmem_shared>> -> memref<10000x16xf32, #tpu.memory_space<vmem_shared>>
      tpu.enqueue_indirect_dma source(%dma_start3A_408 : memref<125x16xf32, #tpu.memory_space<vmem>>) target(%dma_start3A_414 : memref<10000x16xf32, #tpu.memory_space<vmem_shared>>) offsets(%dma_start3A_411 : memref<125xi32, #tpu.memory_space<vmem>>) semaphore(%arg18 : memref<!tpu.dma_semaphore, #tpu.memory_space<semaphore_mem>>) {add = true}
      %add3A_415 = arith.constant 875 : i32
      %add3A_416 = arith.addi %mul3A_211, %add3A_415 : i32
      %mul3A_417 = arith.constant 8 : i32
      %mul3A_418 = arith.muli %scan3A_208, %mul3A_417 : i32
      %add3A_419 = arith.constant 7 : i32
      %add3A_420 = arith.addi %mul3A_418, %add3A_419 : i32
      %dma_start3A_421 = arith.constant 0 : i32
      %dma_start3A_422 = tpu.memref_slice %arg10[%add3A_416, %dma_start3A_421] : memref<2000x16xf32, #tpu.memory_space<vmem>> -> memref<125x16xf32, #tpu.memory_space<vmem>>
      %dma_start3A_423 = arith.constant 0 : i32
      %dma_start3A_424 = tpu.memref_slice %arg9[%add3A_420, %dma_start3A_423] : memref<80x125xi32, #tpu.memory_space<vmem>> -> memref<1x125xi32, #tpu.memory_space<vmem>>
      %dma_start3A_425 = tpu.memref_squeeze %dma_start3A_424 : memref<1x125xi32, #tpu.memory_space<vmem>> -> memref<125xi32, #tpu.memory_space<vmem>>
      %dma_start3A_426 = arith.constant 0 : i32
      %dma_start3A_427 = arith.constant 0 : i32
      %dma_start3A_428 = tpu.memref_slice %arg16[%dma_start3A_426, %dma_start3A_427] : memref<10000x16xf32, #tpu.memory_space<vmem_shared>> -> memref<10000x16xf32, #tpu.memory_space<vmem_shared>>
      tpu.enqueue_indirect_dma source(%dma_start3A_422 : memref<125x16xf32, #tpu.memory_space<vmem>>) target(%dma_start3A_428 : memref<10000x16xf32, #tpu.memory_space<vmem_shared>>) offsets(%dma_start3A_425 : memref<125xi32, #tpu.memory_space<vmem>>) semaphore(%arg18 : memref<!tpu.dma_semaphore, #tpu.memory_space<semaphore_mem>>) {add = true}
    }
    %scan3A_111 = arith.constant 10 : i32
    %dma_wait3A = arith.constant 0 : i32
    %dma_wait3A_112 = arith.constant 0 : i32
    %dma_wait3A_113 = tpu.memref_slice %arg10[%dma_wait3A, %dma_wait3A_112] : memref<2000x16xf32, #tpu.memory_space<vmem>> -> memref<125x16xf32, #tpu.memory_space<vmem>>
    %dma_wait3A_114 = arith.constant 0 : i32
    %dma_wait3A_115 = arith.constant 0 : i32
    %dma_wait3A_116 = tpu.memref_slice %arg5[%dma_wait3A_114, %dma_wait3A_115] : memref<10000x16xf32, #tpu.memory_space<hbm>> -> memref<125x16xf32, #tpu.memory_space<hbm>>
    %dma_wait3A_117 = arith.constant 0 : i32
    %dma_wait3A_118 = arith.constant 0 : i32
    %dma_wait3A_119 = tpu.memref_slice %arg10[%dma_wait3A_117, %dma_wait3A_118] : memref<2000x16xf32, #tpu.memory_space<vmem>> -> memref<125x16xf32, #tpu.memory_space<vmem>>
    %dma_wait3A_120 = arith.constant 0 : i32
    %dma_wait3A_121 = arith.constant 0 : i32
    %dma_wait3A_122 = tpu.memref_slice %arg5[%dma_wait3A_120, %dma_wait3A_121] : memref<10000x16xf32, #tpu.memory_space<hbm>> -> memref<125x16xf32, #tpu.memory_space<hbm>>
    tpu.wait_dma2 semaphore(%arg18 : memref<!tpu.dma_semaphore, #tpu.memory_space<semaphore_mem>>) src(%dma_wait3A_122 : memref<125x16xf32, #tpu.memory_space<hbm>>) dst(%dma_wait3A_119 : memref<125x16xf32, #tpu.memory_space<vmem>>)
    %dma_wait3A_123 = arith.constant 0 : i32
    %dma_wait3A_124 = arith.constant 0 : i32
    %dma_wait3A_125 = tpu.memref_slice %arg10[%dma_wait3A_123, %dma_wait3A_124] : memref<2000x16xf32, #tpu.memory_space<vmem>> -> memref<125x16xf32, #tpu.memory_space<vmem>>
    %dma_wait3A_126 = arith.constant 0 : i32
    %dma_wait3A_127 = arith.constant 0 : i32
    %dma_wait3A_128 = tpu.memref_slice %arg5[%dma_wait3A_126, %dma_wait3A_127] : memref<10000x16xf32, #tpu.memory_space<hbm>> -> memref<125x16xf32, #tpu.memory_space<hbm>>
    %dma_wait3A_129 = arith.constant 0 : i32
    %dma_wait3A_130 = arith.constant 0 : i32
    %dma_wait3A_131 = tpu.memref_slice %arg10[%dma_wait3A_129, %dma_wait3A_130] : memref<2000x16xf32, #tpu.memory_space<vmem>> -> memref<125x16xf32, #tpu.memory_space<vmem>>
    %dma_wait3A_132 = arith.constant 0 : i32
    %dma_wait3A_133 = arith.constant 0 : i32
    %dma_wait3A_134 = tpu.memref_slice %arg5[%dma_wait3A_132, %dma_wait3A_133] : memref<10000x16xf32, #tpu.memory_space<hbm>> -> memref<125x16xf32, #tpu.memory_space<hbm>>
    tpu.wait_dma2 semaphore(%arg18 : memref<!tpu.dma_semaphore, #tpu.memory_space<semaphore_mem>>) src(%dma_wait3A_134 : memref<125x16xf32, #tpu.memory_space<hbm>>) dst(%dma_wait3A_131 : memref<125x16xf32, #tpu.memory_space<vmem>>)
    %dma_wait3A_135 = arith.constant 0 : i32
    %dma_wait3A_136 = arith.constant 0 : i32
    %dma_wait3A_137 = tpu.memref_slice %arg10[%dma_wait3A_135, %dma_wait3A_136] : memref<2000x16xf32, #tpu.memory_space<vmem>> -> memref<125x16xf32, #tpu.memory_space<vmem>>
    %dma_wait3A_138 = arith.constant 0 : i32
    %dma_wait3A_139 = arith.constant 0 : i32
    %dma_wait3A_140 = tpu.memref_slice %arg5[%dma_wait3A_138, %dma_wait3A_139] : memref<10000x16xf32, #tpu.memory_space<hbm>> -> memref<125x16xf32, #tpu.memory_space<hbm>>
    %dma_wait3A_141 = arith.constant 0 : i32
    %dma_wait3A_142 = arith.constant 0 : i32
    %dma_wait3A_143 = tpu.memref_slice %arg10[%dma_wait3A_141, %dma_wait3A_142] : memref<2000x16xf32, #tpu.memory_space<vmem>> -> memref<125x16xf32, #tpu.memory_space<vmem>>
    %dma_wait3A_144 = arith.constant 0 : i32
    %dma_wait3A_145 = arith.constant 0 : i32
    %dma_wait3A_146 = tpu.memref_slice %arg5[%dma_wait3A_144, %dma_wait3A_145] : memref<10000x16xf32, #tpu.memory_space<hbm>> -> memref<125x16xf32, #tpu.memory_space<hbm>>
    tpu.wait_dma2 semaphore(%arg18 : memref<!tpu.dma_semaphore, #tpu.memory_space<semaphore_mem>>) src(%dma_wait3A_146 : memref<125x16xf32, #tpu.memory_space<hbm>>) dst(%dma_wait3A_143 : memref<125x16xf32, #tpu.memory_space<vmem>>)
    %dma_wait3A_147 = arith.constant 0 : i32
    %dma_wait3A_148 = arith.constant 0 : i32
    %dma_wait3A_149 = tpu.memref_slice %arg10[%dma_wait3A_147, %dma_wait3A_148] : memref<2000x16xf32, #tpu.memory_space<vmem>> -> memref<125x16xf32, #tpu.memory_space<vmem>>
    %dma_wait3A_150 = arith.constant 0 : i32
    %dma_wait3A_151 = arith.constant 0 : i32
    %dma_wait3A_152 = tpu.memref_slice %arg5[%dma_wait3A_150, %dma_wait3A_151] : memref<10000x16xf32, #tpu.memory_space<hbm>> -> memref<125x16xf32, #tpu.memory_space<hbm>>
    %dma_wait3A_153 = arith.constant 0 : i32
    %dma_wait3A_154 = arith.constant 0 : i32
    %dma_wait3A_155 = tpu.memref_slice %arg10[%dma_wait3A_153, %dma_wait3A_154] : memref<2000x16xf32, #tpu.memory_space<vmem>> -> memref<125x16xf32, #tpu.memory_space<vmem>>
    %dma_wait3A_156 = arith.constant 0 : i32
    %dma_wait3A_157 = arith.constant 0 : i32
    %dma_wait3A_158 = tpu.memref_slice %arg5[%dma_wait3A_156, %dma_wait3A_157] : memref<10000x16xf32, #tpu.memory_space<hbm>> -> memref<125x16xf32, #tpu.memory_space<hbm>>
    tpu.wait_dma2 semaphore(%arg18 : memref<!tpu.dma_semaphore, #tpu.memory_space<semaphore_mem>>) src(%dma_wait3A_158 : memref<125x16xf32, #tpu.memory_space<hbm>>) dst(%dma_wait3A_155 : memref<125x16xf32, #tpu.memory_space<vmem>>)
    %dma_wait3A_159 = arith.constant 0 : i32
    %dma_wait3A_160 = arith.constant 0 : i32
    %dma_wait3A_161 = tpu.memref_slice %arg10[%dma_wait3A_159, %dma_wait3A_160] : memref<2000x16xf32, #tpu.memory_space<vmem>> -> memref<125x16xf32, #tpu.memory_space<vmem>>
    %dma_wait3A_162 = arith.constant 0 : i32
    %dma_wait3A_163 = arith.constant 0 : i32
    %dma_wait3A_164 = tpu.memref_slice %arg5[%dma_wait3A_162, %dma_wait3A_163] : memref<10000x16xf32, #tpu.memory_space<hbm>> -> memref<125x16xf32, #tpu.memory_space<hbm>>
    %dma_wait3A_165 = arith.constant 0 : i32
    %dma_wait3A_166 = arith.constant 0 : i32
    %dma_wait3A_167 = tpu.memref_slice %arg10[%dma_wait3A_165, %dma_wait3A_166] : memref<2000x16xf32, #tpu.memory_space<vmem>> -> memref<125x16xf32, #tpu.memory_space<vmem>>
    %dma_wait3A_168 = arith.constant 0 : i32
    %dma_wait3A_169 = arith.constant 0 : i32
    %dma_wait3A_170 = tpu.memref_slice %arg5[%dma_wait3A_168, %dma_wait3A_169] : memref<10000x16xf32, #tpu.memory_space<hbm>> -> memref<125x16xf32, #tpu.memory_space<hbm>>
    tpu.wait_dma2 semaphore(%arg18 : memref<!tpu.dma_semaphore, #tpu.memory_space<semaphore_mem>>) src(%dma_wait3A_170 : memref<125x16xf32, #tpu.memory_space<hbm>>) dst(%dma_wait3A_167 : memref<125x16xf32, #tpu.memory_space<vmem>>)
    %dma_wait3A_171 = arith.constant 0 : i32
    %dma_wait3A_172 = arith.constant 0 : i32
    %dma_wait3A_173 = tpu.memref_slice %arg10[%dma_wait3A_171, %dma_wait3A_172] : memref<2000x16xf32, #tpu.memory_space<vmem>> -> memref<125x16xf32, #tpu.memory_space<vmem>>
    %dma_wait3A_174 = arith.constant 0 : i32
    %dma_wait3A_175 = arith.constant 0 : i32
    %dma_wait3A_176 = tpu.memref_slice %arg5[%dma_wait3A_174, %dma_wait3A_175] : memref<10000x16xf32, #tpu.memory_space<hbm>> -> memref<125x16xf32, #tpu.memory_space<hbm>>
    %dma_wait3A_177 = arith.constant 0 : i32
    %dma_wait3A_178 = arith.constant 0 : i32
    %dma_wait3A_179 = tpu.memref_slice %arg10[%dma_wait3A_177, %dma_wait3A_178] : memref<2000x16xf32, #tpu.memory_space<vmem>> -> memref<125x16xf32, #tpu.memory_space<vmem>>
    %dma_wait3A_180 = arith.constant 0 : i32
    %dma_wait3A_181 = arith.constant 0 : i32
    %dma_wait3A_182 = tpu.memref_slice %arg5[%dma_wait3A_180, %dma_wait3A_181] : memref<10000x16xf32, #tpu.memory_space<hbm>> -> memref<125x16xf32, #tpu.memory_space<hbm>>
    tpu.wait_dma2 semaphore(%arg18 : memref<!tpu.dma_semaphore, #tpu.memory_space<semaphore_mem>>) src(%dma_wait3A_182 : memref<125x16xf32, #tpu.memory_space<hbm>>) dst(%dma_wait3A_179 : memref<125x16xf32, #tpu.memory_space<vmem>>)
    %dma_wait3A_183 = arith.constant 0 : i32
    %dma_wait3A_184 = arith.constant 0 : i32
    %dma_wait3A_185 = tpu.memref_slice %arg10[%dma_wait3A_183, %dma_wait3A_184] : memref<2000x16xf32, #tpu.memory_space<vmem>> -> memref<125x16xf32, #tpu.memory_space<vmem>>
    %dma_wait3A_186 = arith.constant 0 : i32
    %dma_wait3A_187 = arith.constant 0 : i32
    %dma_wait3A_188 = tpu.memref_slice %arg5[%dma_wait3A_186, %dma_wait3A_187] : memref<10000x16xf32, #tpu.memory_space<hbm>> -> memref<125x16xf32, #tpu.memory_space<hbm>>
    %dma_wait3A_189 = arith.constant 0 : i32
    %dma_wait3A_190 = arith.constant 0 : i32
    %dma_wait3A_191 = tpu.memref_slice %arg10[%dma_wait3A_189, %dma_wait3A_190] : memref<2000x16xf32, #tpu.memory_space<vmem>> -> memref<125x16xf32, #tpu.memory_space<vmem>>
    %dma_wait3A_192 = arith.constant 0 : i32
    %dma_wait3A_193 = arith.constant 0 : i32
    %dma_wait3A_194 = tpu.memref_slice %arg5[%dma_wait3A_192, %dma_wait3A_193] : memref<10000x16xf32, #tpu.memory_space<hbm>> -> memref<125x16xf32, #tpu.memory_space<hbm>>
    tpu.wait_dma2 semaphore(%arg18 : memref<!tpu.dma_semaphore, #tpu.memory_space<semaphore_mem>>) src(%dma_wait3A_194 : memref<125x16xf32, #tpu.memory_space<hbm>>) dst(%dma_wait3A_191 : memref<125x16xf32, #tpu.memory_space<vmem>>)
    %dma_wait3A_195 = arith.constant 0 : i32
    %dma_wait3A_196 = arith.constant 0 : i32
    %dma_wait3A_197 = tpu.memref_slice %arg10[%dma_wait3A_195, %dma_wait3A_196] : memref<2000x16xf32, #tpu.memory_space<vmem>> -> memref<125x16xf32, #tpu.memory_space<vmem>>
    %dma_wait3A_198 = arith.constant 0 : i32
    %dma_wait3A_199 = arith.constant 0 : i32
    %dma_wait3A_200 = tpu.memref_slice %arg5[%dma_wait3A_198, %dma_wait3A_199] : memref<10000x16xf32, #tpu.memory_space<hbm>> -> memref<125x16xf32, #tpu.memory_space<hbm>>
    %dma_wait3A_201 = arith.constant 0 : i32
    %dma_wait3A_202 = arith.constant 0 : i32
    %dma_wait3A_203 = tpu.memref_slice %arg10[%dma_wait3A_201, %dma_wait3A_202] : memref<2000x16xf32, #tpu.memory_space<vmem>> -> memref<125x16xf32, #tpu.memory_space<vmem>>
    %dma_wait3A_204 = arith.constant 0 : i32
    %dma_wait3A_205 = arith.constant 0 : i32
    %dma_wait3A_206 = tpu.memref_slice %arg5[%dma_wait3A_204, %dma_wait3A_205] : memref<10000x16xf32, #tpu.memory_space<hbm>> -> memref<125x16xf32, #tpu.memory_space<hbm>>
    tpu.wait_dma2 semaphore(%arg18 : memref<!tpu.dma_semaphore, #tpu.memory_space<semaphore_mem>>) src(%dma_wait3A_206 : memref<125x16xf32, #tpu.memory_space<hbm>>) dst(%dma_wait3A_203 : memref<125x16xf32, #tpu.memory_space<vmem>>)
    %barrier3A_207 = arith.constant 0 : index
    tpu.barrier barrier_id(%barrier3A_207)
    "tpu.region"() ({
      %run_scoped3A_208 = tpu.sem_alloc : memref<!tpu.dma_semaphore, #tpu.memory_space<semaphore_mem>>
      %dma_start3A_209 = arith.constant 0 : i32
      %dma_start3A_210 = tpu.memref_slice %arg16[%mul3A_2, %dma_start3A_209] : memref<10000x16xf32, #tpu.memory_space<vmem_shared>> -> memref<625x16xf32, #tpu.memory_space<vmem_shared>>
      %dma_start3A_211 = arith.constant 0 : i32
      %dma_start3A_212 = tpu.memref_slice %arg16[%mul3A_2, %dma_start3A_211] : memref<10000x16xf32, #tpu.memory_space<vmem_shared>> -> memref<625x16xf32, #tpu.memory_space<vmem_shared>>
      tpu.enqueue_dma source(%dma_start3A_212 : memref<625x16xf32, #tpu.memory_space<vmem_shared>>) target(%arg11 : memref<625x16xf32, #tpu.memory_space<vmem>>) target_semaphore(%run_scoped3A_208 : memref<!tpu.dma_semaphore, #tpu.memory_space<semaphore_mem>>)
      %dma_wait3A_213 = arith.constant 0 : i32
      %dma_wait3A_214 = tpu.memref_slice %arg16[%mul3A_2, %dma_wait3A_213] : memref<10000x16xf32, #tpu.memory_space<vmem_shared>> -> memref<625x16xf32, #tpu.memory_space<vmem_shared>>
      %dma_wait3A_215 = arith.constant 0 : i32
      %dma_wait3A_216 = tpu.memref_slice %arg16[%mul3A_2, %dma_wait3A_215] : memref<10000x16xf32, #tpu.memory_space<vmem_shared>> -> memref<625x16xf32, #tpu.memory_space<vmem_shared>>
      tpu.wait_dma2 semaphore(%run_scoped3A_208 : memref<!tpu.dma_semaphore, #tpu.memory_space<semaphore_mem>>) src(%dma_wait3A_216 : memref<625x16xf32, #tpu.memory_space<vmem_shared>>) dst(%arg11 : memref<625x16xf32, #tpu.memory_space<vmem>>)
      tpu.yield
    }) : () -> ()
    "tpu.region"() ({
      %run_scoped3A_208 = tpu.sem_alloc : memref<!tpu.dma_semaphore, #tpu.memory_space<semaphore_mem>>
      %dma_start3A_209 = arith.constant 0 : i32
      %dma_start3A_210 = tpu.memref_slice %arg6[%arg0, %mul3A_2, %dma_start3A_209] : memref<2x10000x16xf32, #tpu.memory_space<hbm>> -> memref<1x625x16xf32, #tpu.memory_space<hbm>>
      %dma_start3A_211 = tpu.memref_squeeze %dma_start3A_210 : memref<1x625x16xf32, #tpu.memory_space<hbm>> -> memref<625x16xf32, #tpu.memory_space<hbm>>
      %dma_start3A_212 = arith.constant 0 : i32
      %dma_start3A_213 = tpu.memref_slice %arg6[%arg0, %mul3A_2, %dma_start3A_212] : memref<2x10000x16xf32, #tpu.memory_space<hbm>> -> memref<1x625x16xf32, #tpu.memory_space<hbm>>
      %dma_start3A_214 = tpu.memref_squeeze %dma_start3A_213 : memref<1x625x16xf32, #tpu.memory_space<hbm>> -> memref<625x16xf32, #tpu.memory_space<hbm>>
      tpu.enqueue_dma source(%arg11 : memref<625x16xf32, #tpu.memory_space<vmem>>) target(%dma_start3A_214 : memref<625x16xf32, #tpu.memory_space<hbm>>) target_semaphore(%run_scoped3A_208 : memref<!tpu.dma_semaphore, #tpu.memory_space<semaphore_mem>>)
      %dma_wait3A_215 = arith.constant 0 : i32
      %dma_wait3A_216 = tpu.memref_slice %arg6[%arg0, %mul3A_2, %dma_wait3A_215] : memref<2x10000x16xf32, #tpu.memory_space<hbm>> -> memref<1x625x16xf32, #tpu.memory_space<hbm>>
      %dma_wait3A_217 = tpu.memref_squeeze %dma_wait3A_216 : memref<1x625x16xf32, #tpu.memory_space<hbm>> -> memref<625x16xf32, #tpu.memory_space<hbm>>
      %dma_wait3A_218 = arith.constant 0 : i32
      %dma_wait3A_219 = tpu.memref_slice %arg6[%arg0, %mul3A_2, %dma_wait3A_218] : memref<2x10000x16xf32, #tpu.memory_space<hbm>> -> memref<1x625x16xf32, #tpu.memory_space<hbm>>
      %dma_wait3A_220 = tpu.memref_squeeze %dma_wait3A_219 : memref<1x625x16xf32, #tpu.memory_space<hbm>> -> memref<625x16xf32, #tpu.memory_space<hbm>>
      tpu.wait_dma2 semaphore(%run_scoped3A_208 : memref<!tpu.dma_semaphore, #tpu.memory_space<semaphore_mem>>) src(%arg11 : memref<625x16xf32, #tpu.memory_space<vmem>>) dst(%dma_wait3A_220 : memref<625x16xf32, #tpu.memory_space<hbm>>)
      tpu.yield
    }) : () -> ()
    return
  }
}

module attributes {stable_mosaic.version = 14 : i64} {
  func.func @_dense_body(%arg0: i32, %arg1: memref<1000x256xf32, #tpu.memory_space<vmem>>, %arg2: memref<264x256xf32, #tpu.memory_space<vmem>>, %arg3: memref<1x256xf32, #tpu.memory_space<vmem>>, %arg4: memref<1000x256xf32, #tpu.memory_space<vmem>>) attributes {dimension_semantics = [#tpu.dimension_semantics<arbitrary>], iteration_bounds = array<i64: 10>, scalar_prefetch = 0 : i64, scratch_operands = 0 : i64, tpu.core_type = #tpu.core_type<tc>, window_params = [{transform_indices = @transform_0, window_bounds = array<i64: 1000, 256>}, {pipeline_mode = #tpu.pipeline_mode<synchronous>, transform_indices = @transform_1, window_bounds = array<i64: 264, 256>}, {pipeline_mode = #tpu.pipeline_mode<synchronous>, transform_indices = @transform_2, window_bounds = array<i64: 1, 256>}, {transform_indices = @transform_3, window_bounds = array<i64: 1000, 256>}]} {
    %get3A = arith.constant 0 : index
    %get3A_0 = arith.constant 0 : index
    %get3A_1 = vector.load %arg1[%get3A, %get3A_0] : memref<1000x256xf32, #tpu.memory_space<vmem>>, vector<1000x256xf32>
    %get3A_2 = arith.constant 8 : index
    %get3A_3 = arith.constant 0 : index
    %get3A_4 = vector.load %arg2[%get3A_2, %get3A_3] : memref<264x256xf32, #tpu.memory_space<vmem>>, vector<256x256xf32>
    %dot_general3A = arith.constant dense<0.000000e+00> : vector<1000x256xf32>
    %dot_general3A_5 = tpu.matmul %get3A_1, %get3A_4, %dot_general3A {dimension_numbers = #tpu.dot_dimension_numbers<[1], [0], [0], [1], [0, 0, 1, 1], [], []>, transpose_lhs_hint = false} : vector<1000x256xf32>, vector<256x256xf32>, vector<1000x256xf32> -> vector<1000x256xf32>
    %get3A_6 = arith.constant 0 : index
    %get3A_7 = arith.constant 0 : index
    %get3A_8 = vector.load %arg3[%get3A_6, %get3A_7] : memref<1x256xf32, #tpu.memory_space<vmem>>, vector<1x256xf32>
    %add3A = vector.broadcast %get3A_8 : vector<1x256xf32> to vector<1000x256xf32>
    %add3A_9 = arith.addf %dot_general3A_5, %add3A : vector<1000x256xf32>
    %swap3A = arith.constant 0 : index
    %swap3A_10 = arith.constant 0 : index
    %swap3A_11 = vector.load %arg4[%swap3A, %swap3A_10] : memref<1000x256xf32, #tpu.memory_space<vmem>>, vector<1000x256xf32>
    tpu.vector_store %arg4[%swap3A, %swap3A_10], %add3A_9 {strides = array<i32>} : memref<1000x256xf32, #tpu.memory_space<vmem>>, vector<1000x256xf32>,
    return
  }
  func.func @transform_0(%arg0: i32) -> (i32, i32) {
    %c0_i32 = arith.constant 0 : i32
    %c0_i32_0 = arith.constant 0 : i32
    return %arg0, %c0_i32 : i32, i32
  }
  func.func @transform_1(%arg0: i32) -> (i32, i32) {
    %c0_i32 = arith.constant 0 : i32
    %c0_i32_0 = arith.constant 0 : i32
    %c0_i32_1 = arith.constant 0 : i32
    return %c0_i32, %c0_i32_0 : i32, i32
  }
  func.func @transform_2(%arg0: i32) -> (i32, i32) {
    %c0_i32 = arith.constant 0 : i32
    %c0_i32_0 = arith.constant 0 : i32
    %c0_i32_1 = arith.constant 0 : i32
    return %c0_i32, %c0_i32_0 : i32, i32
  }
  func.func @transform_3(%arg0: i32) -> (i32, i32) {
    %c0_i32 = arith.constant 0 : i32
    %c0_i32_0 = arith.constant 0 : i32
    return %arg0, %c0_i32 : i32, i32
  }
}

module attributes {stable_mosaic.version = 14 : i64} {
  func.func @_finish_body(%arg0: i32, %arg1: memref<1000x256xf32, #tpu.memory_space<vmem>>, %arg2: memref<1x1000x16xf32, #tpu.memory_space<vmem>>, %arg3: memref<1x1000x16xf32, #tpu.memory_space<vmem>>, %arg4: memref<264x256xf32, #tpu.memory_space<vmem>>, %arg5: memref<1000x256xf32, #tpu.memory_space<vmem>>) attributes {dimension_semantics = [#tpu.dimension_semantics<arbitrary>], iteration_bounds = array<i64: 10>, scalar_prefetch = 0 : i64, scratch_operands = 0 : i64, tpu.core_type = #tpu.core_type<tc>, window_params = [{transform_indices = @transform_0, window_bounds = array<i64: 1000, 256>}, {transform_indices = @transform_1, window_bounds = array<i64: 1, 1000, 16>}, {transform_indices = @transform_2, window_bounds = array<i64: 1, 1000, 16>}, {pipeline_mode = #tpu.pipeline_mode<synchronous>, transform_indices = @transform_3, window_bounds = array<i64: 264, 256>}, {transform_indices = @transform_4, window_bounds = array<i64: 1000, 256>}]} {
    %get3A = arith.constant 0 : index
    %get3A_0 = arith.constant 0 : index
    %get3A_1 = arith.constant 0 : index
    %get3A_2 = vector.load %arg2[%get3A, %get3A_0, %get3A_1] : memref<1x1000x16xf32, #tpu.memory_space<vmem>>, vector<1x1000x16xf32>
    %get3A_3 = vector.shape_cast %get3A_2 : vector<1x1000x16xf32> to vector<1000x16xf32>
    %get3A_4 = arith.constant 0 : index
    %get3A_5 = arith.constant 0 : index
    %get3A_6 = arith.constant 0 : index
    %get3A_7 = vector.load %arg3[%get3A_4, %get3A_5, %get3A_6] : memref<1x1000x16xf32, #tpu.memory_space<vmem>>, vector<1x1000x16xf32>
    %get3A_8 = vector.shape_cast %get3A_7 : vector<1x1000x16xf32> to vector<1000x16xf32>
    %add3A = arith.addf %get3A_3, %get3A_8 : vector<1000x16xf32>
    %slice3A = vector.extract_strided_slice %add3A {offsets = [0, 8], sizes = [1000, 1], strides = [1, 1]} : vector<1000x16xf32> to vector<1000x1xf32>
    %max3A = arith.constant 1.000000e+00 : f32
    %max3A_9 = vector.broadcast %max3A : f32 to vector<1000x1xf32>
    %max3A_10 = arith.maximumf %slice3A, %max3A_9 : vector<1000x1xf32>
    %slice3A_11 = vector.extract_strided_slice %add3A {offsets = [0, 0], sizes = [1000, 8], strides = [1, 1]} : vector<1000x16xf32> to vector<1000x8xf32>
    %div3A = vector.broadcast %max3A_10 : vector<1000x1xf32> to vector<1000x8xf32>
    %div3A_12 = arith.divf %slice3A_11, %div3A : vector<1000x8xf32>
    %get3A_13 = arith.constant 0 : index
    %get3A_14 = arith.constant 0 : index
    %get3A_15 = vector.load %arg1[%get3A_13, %get3A_14] : memref<1000x256xf32, #tpu.memory_space<vmem>>, vector<1000x256xf32>
    %get3A_16 = arith.constant 0 : index
    %get3A_17 = arith.constant 0 : index
    %get3A_18 = vector.load %arg4[%get3A_16, %get3A_17] : memref<264x256xf32, #tpu.memory_space<vmem>>, vector<8x256xf32>
    %dot_general3A = arith.constant dense<0.000000e+00> : vector<1000x256xf32>
    %dot_general3A_19 = tpu.matmul %div3A_12, %get3A_18, %dot_general3A {dimension_numbers = #tpu.dot_dimension_numbers<[1], [0], [0], [1], [0, 0, 1, 1], [], []>, transpose_lhs_hint = false} : vector<1000x8xf32>, vector<8x256xf32>, vector<1000x256xf32> -> vector<1000x256xf32>
    %add3A_20 = arith.addf %get3A_15, %dot_general3A_19 : vector<1000x256xf32>
    %swap3A = arith.constant 0 : index
    %swap3A_21 = arith.constant 0 : index
    %swap3A_22 = vector.load %arg5[%swap3A, %swap3A_21] : memref<1000x256xf32, #tpu.memory_space<vmem>>, vector<1000x256xf32>
    tpu.vector_store %arg5[%swap3A, %swap3A_21], %add3A_20 {strides = array<i32>} : memref<1000x256xf32, #tpu.memory_space<vmem>>, vector<1000x256xf32>,
    return
  }
  func.func @transform_0(%arg0: i32) -> (i32, i32) {
    %c0_i32 = arith.constant 0 : i32
    %c0_i32_0 = arith.constant 0 : i32
    return %arg0, %c0_i32 : i32, i32
  }
  func.func @transform_1(%arg0: i32) -> (i32, i32, i32) {
    %c0_i32 = arith.constant 0 : i32
    %c0_i32_0 = arith.constant 0 : i32
    %c0_i32_1 = arith.constant 0 : i32
    return %c0_i32, %arg0, %c0_i32_0 : i32, i32, i32
  }
  func.func @transform_2(%arg0: i32) -> (i32, i32, i32) {
    %c1_i32 = arith.constant 1 : i32
    %c0_i32 = arith.constant 0 : i32
    %c0_i32_0 = arith.constant 0 : i32
    return %c1_i32, %arg0, %c0_i32 : i32, i32, i32
  }
  func.func @transform_3(%arg0: i32) -> (i32, i32) {
    %c0_i32 = arith.constant 0 : i32
    %c0_i32_0 = arith.constant 0 : i32
    %c0_i32_1 = arith.constant 0 : i32
    return %c0_i32, %c0_i32_0 : i32, i32
  }
  func.func @transform_4(%arg0: i32) -> (i32, i32) {
    %c0_i32 = arith.constant 0 : i32
    %c0_i32_0 = arith.constant 0 : i32
    return %arg0, %c0_i32 : i32, i32
  }
}

</mosaic_0001>

<sc_bundles>
// kernel: kernel.6.cloned.1.call-start
scs
__scs_entry_jumppad:
0x0: {  	(pc) =	sbr.rel $0x88, $3  }
0x1: {  	(tag) =	ssettag $0x0;
	lr =	simm.s32 $0x1  }
0x2: {  	[smem:$0x3F9C] =	sst lr;
	_ =	strace $0xD0000000  }
0x3: {  	_ = 	snop  }
0x4: {  	_ = 	snop  }
0x5: {  	_ = 	snop  }
0x6: {  	_ = 	snop  }
0x7: {  	_ = 	snop  }
__scs_overlays_trampoline_lowered:
0x8: {  	[smem:$0x3FAB] =	sst s0  }
0x9: {  	[smem:$0x3FAC] =	sst s1  }
0xa: {  	[smem:$0x3FAD] =	sst s2  }
0xb: {  	[smem:$0x3FAE] =	sst s3  }
0xc: {  	[smem:$0x3FAF] =	sst s4  }
0xd: {  	[smem:$0x3FB0] =	sst s5  }
0xe: {  	[smem:$0x3FB1] =	sst s6  }
0xf: {  	[smem:$0x3FB2] =	sst s7  }
0x10: {  	[smem:$0x3FB3] =	sst s8  }
0x11: {  	[smem:$0x3FB4] =	sst s9;
	s0 =	simm.s32 @!p0 $0x0  }
0x12: {  	s1 =	sld [smem:$0x3F9A];
	s0 =	simm.s32 @p0 $0x1  }
0x13: {  	[smem:$0x3FB5] =	sst s0;
	s0 =	simm.s32 @!p1 $0x0  }
0x14: {  	s2 =	sld [smem:$0x3F99];
	s0 =	simm.s32 @p1 $0x1  }
0x15: {  	[smem:$0x3FB6] =	sst s0;
	s0 =	simm.s32 @!p2 $0x0  }
0x16: {  	s3 =	sld [smem:$0x3FDB];
	s0 =	simm.s32 @p2 $0x1  }
0x17: {  	s4 =	simm.s32 $0x1BF5;
	[smem:$0x3FB8] =	sst s0  }
0x18: {  	s0 =	sld [smem:$0x3F9B];
	_ =	swait.ge [sflag:s4], $0x0  }
0x19: {  	s7 =	sld [smem:$0x3F9C]  }
0x1a: {  	s8 =	sadd.s32 $0xFFFFE003, lr  }
0x1b: {  	s9 =	sadd.s32 $0xFFFFFEF7, lr;
	s5 =	simm.s32 $0xFFFFFFFF;
	p2 =	slt.u32 s8, $0xFFFFF086  }
0x1c: {  	p1 =	slt.u32 s9, $0xF7A;
	s5 =	simm.s32 @!p2 $0x0  }
0x1d: {  	s5 =	simm.s32 @p1 $0x1;
	p0 =	seq.s32 s7, s2  }
0x1e: {  	s7 =	smul.u32 @!p0 $0xF7A, s2;
	p2 =	seq.s32 @!p0 s5, $0x0  }
0x1f: {  	s9 =	smul.u32 $0xF7A, s1;
	s8 =	simm.s32 @!p0 $0x1BF5;
	p2 =	por !p2, p0  }
0x20: {  	[sflag:s8] =	ssyncset.s32 @!p0 $0xFFFFF086;
	s6 =	sadd.s32 @!p0 s3, s7;
	s7 =	simm.s32 @!p0 $0x108  }
0x21: {  	s3 =	sadd.s32 s3, s9;
	s6 =	sadd.s32 @!p0 $0x88, s6;
	s7 =	simm.s32 @p2 $0x1082  }
0x22: {  	[simem:s7], [sflag:s8] =	dma.local @!p0 [hbm:s6], $0xF7A  }
0x23: {  	s9 =	sor.u32 $0xD0000000, s2;
	s6 =	simm.s32 $0x108;
	_ =	swait.ge @!p0 [sflag:s8], $0x0  }
0x24: {  	s3 =	sadd.s32 $0x88, s3;
	s6 =	simm.s32 @!p1 $0x1082;
	[sflag:s4] =	ssyncset.s32 $0xFFFFF086  }
0x25: {  	[simem:s6], [sflag:s4] =	dma.local [hbm:s3], $0xF7A  }
0x26: {  	[smem:$0x3F9C] =	sst s1;
	(tag) =	ssettag s2;
	_ =	strace s9  }
0x27: {  	s1 =	sld [smem:$0x3FAC]  }
0x28: {  	s2 =	sld [smem:$0x3FAD]  }
0x29: {  	s4 =	sld [smem:$0x3FAF]  }
0x2a: {  	p0 =	seq.s32 s5, $0x0;
	s5 =	sld [smem:$0x3FB0]  }
0x2b: {  	s6 =	sld [smem:$0x3FB1]  }
0x2c: {  	s7 =	sld [smem:$0x3FB2]  }
0x2d: {  	s3 =	simm.s32 $0x108;
	s8 =	sld [smem:$0x3FB3]  }
0x2e: {  	s3 =	simm.s32 @!p0 $0x1082;
	s9 =	sld [smem:$0x3FB4]  }
0x2f: {  	lr =	sadd.s32 s0, s3;
	s0 =	sld [smem:$0x3FAB]  }
0x30: {  	s3 =	sld [smem:$0x3FAE]  }
0x31: {  	[smem:$0x3FB7] =	sst s10  }
0x32: {  	s10 =	sld [smem:$0x3FB5];
	_ =	sdelay $0x3  }
0x33: {  	p0 =	seq.s32 s10, $0x1;
	s10 =	sld [smem:$0x3FB7];
	_ =	sdelay $0x3  }
0x34: {  	[smem:$0x3FB7] =	sst s10  }
0x35: {  	s10 =	sld [smem:$0x3FB6];
	_ =	sdelay $0x3  }
0x36: {  	p1 =	seq.s32 s10, $0x1;
	s10 =	sld [smem:$0x3FB7];
	_ =	sdelay $0x3  }
0x37: {  	[smem:$0x3FB7] =	sst s10  }
0x38: {  	s10 =	sld [smem:$0x3FB8]  }
0x39: {  	_ = 	snop;
	(pc) =	sbr.ind lr, $3  }
0x3a: {  	_ = 	snop  }
0x3b: {  	_ = 	snop  }
0x3c: {  	p2 =	seq.s32 s10, $0x1;
	s10 =	sld [smem:$0x3FB7]  }
0x3d: {  	_ =	shalt  }
0x3e: {  	_ =	shalt  }
0x3f: {  	_ =	shalt  }
0x40: {  	_ =	shalt  }
0x41: {  	_ =	shalt  }
0x42: {  	_ =	shalt  }
0x43: {  	_ =	shalt  }
0x44: {  	_ =	shalt  }
0x45: {  	_ =	shalt  }
0x46: {  	_ =	shalt  }
0x47: {  	_ =	shalt  }
0x48: {  	_ =	shalt  }
0x49: {  	_ =	shalt  }
0x4a: {  	_ =	shalt  }
0x4b: {  	_ =	shalt  }
0x4c: {  	_ =	shalt  }
0x4d: {  	_ =	shalt  }
0x4e: {  	_ =	shalt  }
0x4f: {  	_ =	shalt  }
0x50: {  	_ =	shalt  }
0x51: {  	_ =	shalt  }
0x52: {  	_ =	shalt  }
0x53: {  	_ =	shalt  }
0x54: {  	_ =	shalt  }
0x55: {  	_ =	shalt  }
0x56: {  	_ =	shalt  }
0x57: {  	_ =	shalt  }
0x58: {  	_ =	shalt  }
0x59: {  	_ =	shalt  }
0x5a: {  	_ =	shalt  }
0x5b: {  	_ =	shalt  }
0x5c: {  	_ =	shalt  }
0x5d: {  	_ =	shalt  }
0x5e: {  	_ =	shalt  }
0x5f: {  	_ =	shalt  }
0x60: {  	_ =	shalt  }
0x61: {  	_ =	shalt  }
0x62: {  	_ =	shalt  }
0x63: {  	_ =	shalt  }
0x64: {  	_ =	shalt  }
0x65: {  	_ =	shalt  }
0x66: {  	_ =	shalt  }
0x67: {  	_ =	shalt  }
0x68: {  	_ =	shalt  }
0x69: {  	_ =	shalt  }
0x6a: {  	_ =	shalt  }
0x6b: {  	_ =	shalt  }
0x6c: {  	_ =	shalt  }
0x6d: {  	_ =	shalt  }
0x6e: {  	_ =	shalt  }
0x6f: {  	_ =	shalt  }
0x70: {  	_ =	shalt  }
0x71: {  	_ =	shalt  }
0x72: {  	_ =	shalt  }
0x73: {  	_ =	shalt  }
0x74: {  	_ =	shalt  }
0x75: {  	_ =	shalt  }
0x76: {  	_ =	shalt  }
0x77: {  	_ =	shalt  }
0x78: {  	_ =	shalt  }
0x79: {  	_ =	shalt  }
0x7a: {  	_ =	shalt  }
0x7b: {  	_ =	shalt  }
0x7c: {  	_ =	shalt  }
0x7d: {  	_ =	shalt  }
0x7e: {  	_ =	shalt  }
0x7f: {  	_ =	shalt  }
0x80: {  	_ =	shalt  }
0x81: {  	_ =	shalt  }
0x82: {  	_ =	shalt  }
0x83: {  	_ =	shalt  }
0x84: {  	_ =	shalt  }
0x85: {  	_ =	shalt  }
0x86: {  	_ =	shalt  }
0x87: {  	_ =	shalt  }
.Lfunc_end0:
.L_simem_size_0:
called_computation_lowered:
.L_overlay_start_0:
0x88: {  	s2 =	sld [smem:$0x3FD9]  }
0x89: {  	s3 =	sld [smem:$0x3FFE];
	_ =	sdelay $0x1  }
0x8a: {  	s1 =	srdreg.scid  }
0x8b: {  	s0 =	sand.u32 $0x1, s1  }
0x8c: {  	s17 =	sshll.u32 s0, $0xA;
	s2 =	sadd.s32 s3, s2  }
0x8d: {  	s2 =	sadd.s32 s2, s17  }
0x8e: {  	[smem:$0x3FC3] =	sst s2  }
0x8f: {  	_ = 	snop  }
0x90: {  	s2 =	sld [smem:$0x3FC8]  }
0x91: {  	s18 =	sld [smem:$0x3FD0];
	(tm) =	ssettm $0x1  }
0x92: {  	s4 =	sld [smem:$0x3FFB];
	_ =	sdelay $0x3  }
0x93: {  	_ =	strace s4  }
0x94: {  	s4 =	sld [smem:$0x3FFC];
	_ =	sdelay $0x3  }
0x95: {  	_ =	strace s4  }
0x96: {  	s4 =	sld [smem:$0x3FFD];
	_ =	sdelay $0x3  }
0x97: {  	_ =	strace s4  }
0x98: {  	_ =	strace $0x8FFFFFFF  }
0x99: {  	s19 =	sld [smem:$0x3FDB];
	_ =	sdelay $0x1  }
0x9a: {  	s5 =	simm.s32 $_scs_section_size  }
0x9b: {  	s6 =	simm.s32 $_size__tile_overlayer_lowered;
	s7 =	simm.s32 $_tile_overlayer_lowered  }
0x9c: {  	s22 =	simm.s32 $0x1BFF;
	s21 =	sshll.u32 s7, $0x1;
	s4 =	sadd.s32 s5, s19  }
0x9d: {  	s8 =	simm.s32 $0x0;
	s20 =	sshll.u32 s6, $0x1;
	s6 =	sadd.s32 s21, s4  }
0x9e: {  	[timem:s8], [sflag:s22] =	dma.local [hbm:s6], s20  }
0x9f: {  	_ =	swait.ge [sflag:s22], s20  }
0xa0: {  	s5 =	ssub.s32 $0x0, s20;
	[sflag:s22] =	ssyncset.done $0x0  }
0xa1: {  	[sflag:s22] =	ssyncadd.s32 s5;
	_ =	sdelay $0x1  }
0xa2: {  	s23 =	simm.s32 $0x1B8B  }
0xa3: {  	_ =	swait.ge [sflag:s23], $0x1  }
0xa4: {  	[sflag:s23] =	ssyncset.done $0x0  }
0xa5: {  	s25 =	simm.s32 $0x1B8E;
	s24 =	sld [smem:$0x3FFE];
	[sflag:s23] =	ssyncadd.s32 $0xFFFFFFFF  }
0xa6: {  	s26 =	simm.s32 $execute0_lowered;
	[smem:$0x3FD2] =	sst s25  }
0xa7: {  	s6 =	sshll.u32 s26, $0x1;
	_ =	strace $0x80000046;
	[dreg:$0x1] =	wrdreg $0xFFFFFFFF  }
0xa8: {  	s28 =	simm.s32 $_size_execute0_lowered;
	s4 =	sadd.s32 s4, s6;
	[dreg:$0x0] =	wrdreg $0x0  }
0xa9: {  	s6 =	sshll.u32 s28, $0x1;
	[dreg:$0x2] =	wrdreg s4  }
0xaa: {  	[dreg:$0x3] =	wrdreg s6  }
0xab: {  	[dreg:$0x4] =	wrdreg $0xC0  }
0xac: {  	_ =	task [dreg:s8], $0x5FFFF  }
0xad: {  	[dreg:$0x1] =	wrdreg $0xFFFFFFFF  }
0xae: {  	[dreg:$0x0] =	wrdreg $0x60  }
0xaf: {  	[dreg:$0x2] =	wrdreg s2  }
0xb0: {  	[dreg:$0x3] =	wrdreg s24  }
0xb1: {  	[dreg:$0x4] =	wrdreg s18  }
0xb2: {  	[dreg:$0x5] =	wrdreg $0x19F100  }
0xb3: {  	[dreg:$0x6] =	wrdreg $0x1C6200  }
0xb4: {  	[dreg:$0x7] =	wrdreg $0x9  }
0xb5: {  	_ =	task.clear_ibuf [dreg:s8], $0x8FFFF;
	_ =	strace $0x90000046  }
0xb6: {  	s29 =	simm.s32 $0x9;
	_ =	strace $0x80000048  }
0xb7: {  	_ =	swait.ge [sflag:s29], $0x1  }
0xb8: {  	[sflag:s29] =	ssyncadd.s32 $0xFFFFFFFF  }
0xb9: {  	_ =	strace $0x90000048  }
0xba: {  	_ =	sfence  }
0xbb: {  	s30 =	sld [smem:$0x0];
	_ =	sdelay $0x2  }
0xbc: {  	s31 =	sshll.u32 s1, $0xD;
	s1 =	sshrl.u32 s1, $0x2  }
0xbd: {  	s3 =	sand.u32 $0x4000, s31;
	s1 =	sadd.s32 s1, s30  }
0xbe: {  	s0 =	sor.u32 s3, s0;
	s1 =	sshll.u32 s1, $0x11  }
0xbf: {  	s0 =	sor.u32 s1, s0  }
0xc0: {  	s0 =	sadd.s32 $0x8F2B, s0  }
0xc1: {  	[sflag:s0] =	ssyncadd.remote.s32 $0x1  }
0xc2: {  	_ =	sfence.sel $0xFFFF  }
0xc3: {  	[dreg:$0x0] =	wrdreg $0xFFFFFFFF;
	(pc) =	sbr.abs _section_cstart, $3  }
0xc4: {  	[dreg:$0x1] =	wrdreg $0xFFFFFFFF  }
0xc5: {  	_ =	task.clear_ibuf [dreg:s8], $0x2FFFF;
	_ =	strace $0x9FFFFFFF  }
0xc6: {  	(tm) =	ssettm $0x7FFFFFFF  }
0xc7: {  	_ =	shalt  }
tec
execute0_lowered:
.L_overlay_start_1:
0x0: {  	(tag) =	ssettag $0x1  }
0x1: {  	s0 =	rddreg [dreg:$0x0]  }
0x2: {  	s2 =	rddreg [dreg:$0x1]  }
0x3: {  	s16 =	rddreg [dreg:$0x2]  }
0x4: {  	s1 =	rddreg [dreg:$0x3]  }
0x5: {  	s3 =	rddreg [dreg:$0x4];
	s4 =	simm.s32 $0x0;
	s19 =	stileid.u32  }
0x6: {  	s5 =	srdreg.scid;
	s28 =	simm.s32 $0x80;
	s29 =	simm.s32 $0x2  }
0x7: {  	s30 =	simm.s32 $0x17800;
	s31 =	simm.s32 $0x0;
	[smem:$0x7FF] =	sst s4  }
0x8: {  	s13 =	smul.u32 $0x2710, s19;
	s11 =	sand.u32 $0x1, s5;
	s17 =	sadd.s32 $0x6A00, s2  }
0x9: {  	s18 =	sadd.s32 $0x1A00, s2;
	s15 =	sadd.s32 $0x27100, s0;
	s22 =	sshll.u32 s19, $0x6  }
0xa: {  	_ =	strace $0x80000047;
	s5 =	sshll.u32 s11, $0x4;
	s7 =	ssub.s32 $0x2, s11  }
0xb: {  	s6 =	sshrl.u32 s13, $0x3;
	s21 =	sor.u32 s19, s5;
	s12 =	sshrl.u32 s7, $0x1  }
0xc: {  	s5 =	simm.s32 $0x28;
	s10 =	sadd.s32 s13, s1;
	s2 =	sadd.s32 s6, s2  }
0xd: {  	s8 =	smul.u32 $0x27, s21;
	p0 =	slt.u32 s21, $0x2;
	s20 =	ssub.s32 s7, s12  }
0xe: {  	s9 =	smin.u32 s21, $0x2;
	s5 =	simm.s32 @!p0 $0x27;
	s20 =	smax.u32 s20, $0x1  }
0xf: {  	p0 =	sgt.u32 s21, $0x1;
	s21 =	simm.s32 $0x2800;
	s12 =	sadd.s32 s9, s8  }
0x10: {  	s14 =	sshll.u32 s12, $0x7;
	s9 =	sshll.u32 s12, $0x4;
	s23 =	sadd.s32 $0x27, s12  }
0x11: {  	s12 =	sor.u32 $0x1C03, s22;
	s6 =	sadd.s32 s0, s14;
	s7 =	sadd.s32 s14, s15  }
0x12: {  	v0 =	vlaneseq.u32;
	v9 =	vimm.s32 $0xA000;
	s8 =	sadd.s32 s17, s9;
	s9 =	sadd.s32 s18, s9;
	s14 =	smul.u32 $0x4E200, s11  }
0x13: {  	v1 =	vmul.u32 $0x10, v0;
	v10 =	vor.u32 $0x10, v0;
	v11 =	vor.u32 $0x20, v0;
	s11 =	sadd.s32 $0xBA00, s2;
	s24 =	sshll.u32 s23, $0x7;
	s26 =	sshll.u32 s23, $0x4  }
0x14: {  	v12 =	vor.u32 $0x30, v0;
	v13 =	vor.u32 $0x40, v0;
	v14 =	vor.u32 $0x50, v0;
	s15 =	sadd.s32 s24, s15;
	s17 =	sadd.s32 s17, s26;
	s22 =	sadd.s32 s13, s14  }
0x15: {  	v15 =	vor.u32 $0x60, v0;
	v16 =	vor.u32 $0x70, v0;
	v2 =	vor.u32 $0x700, v1;
	s18 =	sadd.s32 s18, s26;
	s26 =	simm.s32 $0x16800;
	s25 =	sshrl.u32 s22, $0x3  }
0x16: {  	v3 =	vor.u32 $0x600, v1;
	v4 =	vor.u32 $0x500, v1;
	v5 =	vor.u32 $0x400, v1;
	s13 =	sadd.s32 s13, s3;
	s14 =	sadd.s32 s0, s24;
	s16 =	sadd.s32 s16, s25  }
0x17: {  	v6 =	vor.u32 $0x300, v1;
	v7 =	vor.u32 $0x200, v1;
	v8 =	vor.u32 $0x100, v1;
	s24 =	simm.s32 $0x3;
	s25 =	simm.s32 $0x1;
	s19 =	sadd.s32 $0x4E20, s16  }
.LBB2_1:
0x18: {  	[tilespmem:s21], [sflag:$0x1] =	stream.linear.gather [hbm4b:s6+s4], $0x9C00, $0x38;
	[tilespmem:$0x1ED30] =	vst v63  }
0x19: {  	s0 =	simm.s32 $0xC800  }
0x1a: {  	[tilespmem:s0], [sflag:$0x1] =	stream.linear.gather [hbm4b:s7+s4], $0x9C00, $0x38;
	[tilespmem:$0x1ED30] =	vst v63  }
0x1b: {  	_ = 	snop  }
0x1c: {  	[tilespmem:s4], [sflag:$0x1] =	stream.linear.gather [hbm4b:s8+s4], $0x1380, $0x38;
	[tilespmem:$0x1ED30] =	vst v63  }
0x1d: {  	s2 =	simm.s32 $0x1400;
	s22 =	sshrl.u32 s10, $0x3  }
0x1e: {  	[tilespmem:s2], [sflag:$0x1] =	stream.linear.gather [hbm4b:s9+s4], $0x1380, $0x38;
	[tilespmem:$0x1ED30] =	vst v63  }
0x1f: {  	[spmem:s22], [sflag:s12] =	dma.local [hbm:s11], $0x4E2  }
0x20: {  	_ =	swait.ge [sflag:s24], $0x4E2  }
0x21: {  	[sflag:s24] =	ssyncset.done $0x0  }
0x22: {  	s23 =	sshrl.u32 s13, $0x3;
	[sflag:s24] =	ssyncadd.s32 $0xFFFFFB1E  }
0x23: {  	[spmem:s23], [sflag:s12] =	dma.local [hbm:s11], $0x4E2  }
0x24: {  	_ =	swait.ge [sflag:s24], $0x4E2  }
0x25: {  	[sflag:s24] =	ssyncset.done $0x0  }
0x26: {  	s0 =	simm.s32 @!p0 $0x0;
	s2 =	simm.s32 @!p0 $0xC400;
	[sflag:s24] =	ssyncadd.s32 $0xFFFFFB1E  }
0x27: {  	[tilespmem:s2], [sflag:$0x3] =	stream.linear.gather @!p0 [hbm4b:s14+s0], $0x400, $0x38;
	[tilespmem:$0x1ED30] =	vst v63  }
0x28: {  	s2 =	simm.s32 @!p0 $0x3  }
0x29: {  	_ =	swait.ge @!p0 [sflag:s2], $0x400  }
0x2a: {  	[sflag:s2] =	ssyncset.done @!p0 $0x0  }
0x2b: {  	s22 =	simm.s32 @!p0 $0x16400;
	[sflag:s2] =	ssyncadd.s32 @!p0 $0xFFFFFC00  }
0x2c: {  	[tilespmem:s22], [sflag:$0x3] =	stream.linear.gather @!p0 [hbm4b:s15+s0], $0x400, $0x38;
	[tilespmem:$0x1ED30] =	vst v63  }
0x2d: {  	_ =	swait.ge @!p0 [sflag:s2], $0x400  }
0x2e: {  	[sflag:s2] =	ssyncset.done @!p0 $0x0  }
0x2f: {  	s22 =	simm.s32 @!p0 $0x1380;
	[sflag:s2] =	ssyncadd.s32 @!p0 $0xFFFFFC00  }
0x30: {  	[tilespmem:s22], [sflag:$0x3] =	stream.linear.gather @!p0 [hbm4b:s17+s0], $0x80, $0x38;
	[tilespmem:$0x1ED30] =	vst v63  }
0x31: {  	_ =	swait.ge @!p0 [sflag:s2], $0x80  }
0x32: {  	[sflag:s2] =	ssyncset.done @!p0 $0x0  }
0x33: {  	s22 =	simm.s32 @!p0 $0x2780;
	[sflag:s2] =	ssyncadd.s32 @!p0 $0xFFFFFF80  }
0x34: {  	[tilespmem:s22], [sflag:$0x3] =	stream.linear.gather @!p0 [hbm4b:s18+s0], $0x80, $0x38;
	[tilespmem:$0x1ED30] =	vst v63  }
0x35: {  	_ =	swait.ge @!p0 [sflag:s2], $0x80  }
0x36: {  	[sflag:s2] =	ssyncset.done @!p0 $0x0  }
0x37: {  	[sflag:s2] =	ssyncadd.s32 @!p0 $0xFFFFFF80  }
0x38: {  	_ =	swait.ge [sflag:s25], $0x9C00  }
0x39: {  	[sflag:s25] =	ssyncset.done $0x0  }
0x3a: {  	[sflag:s25] =	ssyncadd.s32 $0xFFFF6400  }
0x3b: {  	_ =	swait.ge [sflag:s25], $0x9C00  }
0x3c: {  	[sflag:s25] =	ssyncset.done $0x0  }
0x3d: {  	[sflag:s25] =	ssyncadd.s32 $0xFFFF6400  }
0x3e: {  	_ =	swait.ge [sflag:s25], $0x1380  }
0x3f: {  	[sflag:s25] =	ssyncset.done $0x0  }
0x40: {  	[sflag:s25] =	ssyncadd.s32 $0xFFFFEC80  }
0x41: {  	_ =	swait.ge [sflag:s25], $0x1380  }
0x42: {  	[sflag:s25] =	ssyncset.done $0x0  }
0x43: {  	[sflag:s25] =	ssyncadd.s32 $0xFFFFEC80  }
0x44: {  	s0 =	simm.s32 $0x0;
	[bflag:$0x0] =	sbarrier.arrive $0xFFFF  }
.LBB2_2:
0x45: {  	s2 =	simm.s32 $0x0  }
0x46: {  	v20 =	vadd.s32 s2, v0  }
0x47: {  	v17 =	vand.u32 $0x8, v20  }
0x48: {  	s23 =	sshll.u32 s0, $0xA;
	vm0 =	veq.s32 v17, $0x0  }
0x49: {  	p1 =	slt.u32 s0, $0x2;
	v18 =	vmov s23;
	v21 =	vshll.u32 v20, $0x7;
	v19 =	vsel vm0, $0x0, v9  }
0x4a: {  	s23 =	simm.s32 @!p1 $0x2;
	v21 =	vand.u32 $0x380, v21;
	v19 =	vadd.s32 v18, v19  }
0x4b: {  	s2 =	sshll.u32 s0, $0x7;
	_ =	swait.ge @!p1 [sflag:s23], $0x800;
	v28 =	vor.u32 v21, v19  }
0x4c: {  	s22 =	sand.u32 $0x80, s2;
	[sflag:s23] =	ssyncset.done @!p1 $0x0;
	v21 =	vor.u32 v0, v28  }
0x4d: {  	[sflag:s23] =	ssyncadd.s32 @!p1 $0xFFFFF800;
	v19 =	vmov s22  }
0x4e: {  	_ =	swait.ge @!p1 [sflag:s23], $0x800;
	v22 =	vshll.u32 v19, $0x4  }
0x4f: {  	[sflag:s23] =	ssyncset.done @!p1 $0x0;
	v19 =	vor.u32 v1, v22  }
0x50: {  	v27 =	vand.u32 $0x7, v20;
	[sflag:s23] =	ssyncadd.s32 @!p1 $0xFFFFF800;
	v20 =	vor.u32 v19, v17  }
0x51: {  	v23 =	vor.u32 v27, v20;
	v21 =	vld.idx.msk [tilespmem:v21+s21+$0x0], $0xffff  }
0x52: {  	v24 =	vor.u32 v10, v28;
	_ =	sdelay $0x2  }
0x53: {  	v20 =	vor.u32 v8, v22  }
0x54: {  	[tilespmem:v23+s26+$0x0] =	vst.idx.msk $0xffff, v21;
	v21 =	vor.u32 v20, v17  }
0x55: {  	v23 =	vld.idx.msk [tilespmem:v24+s21+$0x0], $0xffff;
	v24 =	vor.u32 v27, v21  }
0x56: {  	v25 =	vor.u32 v11, v28;
	_ =	sdelay $0x2  }
0x57: {  	v21 =	vor.u32 v7, v22  }
0x58: {  	[tilespmem:v24+s26+$0x0] =	vst.idx.msk $0xffff, v23;
	v23 =	vor.u32 v21, v17  }
0x59: {  	v24 =	vld.idx.msk [tilespmem:v25+s21+$0x0], $0xffff;
	v25 =	vor.u32 v27, v23  }
0x5a: {  	v26 =	vor.u32 v12, v28;
	_ =	sdelay $0x2  }
0x5b: {  	v23 =	vor.u32 v6, v22  }
0x5c: {  	[tilespmem:v25+s26+$0x0] =	vst.idx.msk $0xffff, v24;
	v24 =	vor.u32 v23, v17  }
0x5d: {  	v25 =	vld.idx.msk [tilespmem:v26+s21+$0x0], $0xffff;
	v26 =	vor.u32 v27, v24  }
0x5e: {  	v29 =	vor.u32 v13, v28;
	_ =	sdelay $0x2  }
0x5f: {  	v24 =	vor.u32 v5, v22  }
0x60: {  	[tilespmem:v26+s26+$0x0] =	vst.idx.msk $0xffff, v25;
	v25 =	vor.u32 v24, v17  }
0x61: {  	v26 =	vld.idx.msk [tilespmem:v29+s21+$0x0], $0xffff;
	v29 =	vor.u32 v27, v25  }
0x62: {  	v30 =	vor.u32 v14, v28;
	_ =	sdelay $0x2  }
0x63: {  	v25 =	vor.u32 v4, v22  }
0x64: {  	[tilespmem:v29+s26+$0x0] =	vst.idx.msk $0xffff, v26;
	v26 =	vor.u32 v25, v17  }
0x65: {  	v29 =	vld.idx.msk [tilespmem:v30+s21+$0x0], $0xffff;
	v30 =	vor.u32 v27, v26  }
0x66: {  	v31 =	vor.u32 v15, v28;
	_ =	sdelay $0x2  }
0x67: {  	v26 =	vor.u32 v3, v22  }
0x68: {  	[tilespmem:v30+s26+$0x0] =	vst.idx.msk $0xffff, v29;
	v29 =	vor.u32 v26, v17  }
0x69: {  	v30 =	vld.idx.msk [tilespmem:v31+s21+$0x0], $0xffff;
	v31 =	vor.u32 v27, v29  }
0x6a: {  	s23 =	simm.s32 $0x1;
	v29 =	vor.u32 v16, v28  }
0x6b: {  	v22 =	vor.u32 v2, v22;
	v28 =	vadd.s32 s23, v0;
	s23 =	simm.s32 $0x2  }
.LBB2_3:
0x6c: {  	p1 =	sne.s32 s23, $0xF;
	v32 =	vand.u32 $0x8, v28  }
0x6d: {  	vm0 =	veq.s32 v32, $0x0  }
0x6e: {  	v34 =	vshll.u32 v28, $0x7;
	v33 =	vsel vm0, $0x0, v9;
	[tilespmem:v31+s26+$0x0] =	vst.idx.msk $0xffff, v30  }
0x6f: {  	v31 =	vand.u32 $0x380, v34;
	v30 =	vadd.s32 v18, v33;
	v29 =	vld.idx.msk [tilespmem:v29+s21+$0x0], $0xffff;
	v33 =	vor.u32 v22, v17;
	v17 =	vmovc v32  }
0x70: {  	v32 =	vor.u32 v31, v30;
	v27 =	vor.u32 v27, v33  }
0x71: {  	v30 =	vor.u32 v0, v32;
	_ =	sdelay $0x3  }
0x72: {  	[tilespmem:v27+s26+$0x0] =	vst.idx.msk $0xffff, v29  }
0x73: {  	v27 =	vand.u32 $0x7, v28;
	v28 =	vor.u32 v19, v17;
	v29 =	vld.idx.msk [tilespmem:v30+s21+$0x0], $0xffff  }
0x74: {  	v28 =	vor.u32 v27, v28  }
0x75: {  	v30 =	vor.u32 v10, v32;
	_ =	sdelay $0x3  }
0x76: {  	[tilespmem:v28+s26+$0x0] =	vst.idx.msk $0xffff, v29  }
0x77: {  	v29 =	vor.u32 v20, v17;
	v28 =	vld.idx.msk [tilespmem:v30+s21+$0x0], $0xffff  }
0x78: {  	v29 =	vor.u32 v27, v29  }
0x79: {  	v30 =	vor.u32 v11, v32;
	_ =	sdelay $0x3  }
0x7a: {  	[tilespmem:v29+s26+$0x0] =	vst.idx.msk $0xffff, v28  }
0x7b: {  	v29 =	vor.u32 v21, v17;
	v28 =	vld.idx.msk [tilespmem:v30+s21+$0x0], $0xffff  }
0x7c: {  	v29 =	vor.u32 v27, v29  }
0x7d: {  	v30 =	vor.u32 v12, v32;
	_ =	sdelay $0x3  }
0x7e: {  	[tilespmem:v29+s26+$0x0] =	vst.idx.msk $0xffff, v28  }
0x7f: {  	v29 =	vor.u32 v23, v17;
	v28 =	vld.idx.msk [tilespmem:v30+s21+$0x0], $0xffff  }
0x80: {  	v29 =	vor.u32 v27, v29  }
0x81: {  	v30 =	vor.u32 v13, v32;
	_ =	sdelay $0x3  }
0x82: {  	[tilespmem:v29+s26+$0x0] =	vst.idx.msk $0xffff, v28  }
0x83: {  	v29 =	vor.u32 v24, v17;
	v28 =	vld.idx.msk [tilespmem:v30+s21+$0x0], $0xffff  }
0x84: {  	v29 =	vor.u32 v27, v29  }
0x85: {  	v30 =	vor.u32 v14, v32;
	_ =	sdelay $0x3  }
0x86: {  	[tilespmem:v29+s26+$0x0] =	vst.idx.msk $0xffff, v28  }
0x87: {  	v29 =	vor.u32 v25, v17;
	v28 =	vld.idx.msk [tilespmem:v30+s21+$0x0], $0xffff  }
0x88: {  	v29 =	vor.u32 v27, v29  }
0x89: {  	v30 =	vor.u32 v15, v32;
	_ =	sdelay $0x3  }
.Ltmp0:
0x8a: {  	[tilespmem:v29+s26+$0x0] =	vst.idx.msk $0xffff, v28;
	(pc) =	sbr.rel @p1 .LBB2_3-.Ltmp0, $4  }
0x8b: {  	v28 =	vor.u32 v26, v17;
	v30 =	vld.idx.msk [tilespmem:v30+s21+$0x0], $0xffff  }
0x8c: {  	v31 =	vor.u32 v27, v28  }
0x8d: {  	v29 =	vor.u32 v16, v32  }
0x8e: {  	v28 =	vadd.s32 s23, v0;
	s23 =	sadd.s32 $0x1, s23  }
0x8f: {  	_ = 	snop  }
0x90: {  	v32 =	vand.u32 $0x8, v28  }
0x91: {  	vm0 =	veq.s32 v32, $0x0  }
0x92: {  	v34 =	vshll.u32 v28, $0x7;
	v33 =	vsel vm0, $0x0, v9  }
0x93: {  	v17 =	vor.u32 v22, v17;
	[tilespmem:v31+s26+$0x0] =	vst.idx.msk $0xffff, v30;
	v55 =	vand.u32 $0x380, v34;
	v18 =	vadd.s32 v18, v33  }
0x94: {  	v17 =	vor.u32 v27, v17;
	v29 =	vld.idx.msk [tilespmem:v29+s21+$0x0], $0xffff;
	v18 =	vor.u32 v55, v18  }
0x95: {  	v56 =	vor.u32 v0, v18;
	_ =	sdelay $0x3  }
0x96: {  	v19 =	vor.u32 v19, v32;
	[tilespmem:v17+s26+$0x0] =	vst.idx.msk $0xffff, v29;
	v17 =	vand.u32 $0x7, v28  }
0x97: {  	v19 =	vor.u32 v17, v19;
	v27 =	vld.idx.msk [tilespmem:v56+s21+$0x0], $0xffff  }
0x98: {  	v57 =	vor.u32 v10, v18;
	_ =	sdelay $0x3  }
0x99: {  	[tilespmem:v19+s26+$0x0] =	vst.idx.msk $0xffff, v27;
	v19 =	vor.u32 v20, v32  }
0x9a: {  	v58 =	vld.idx.msk [tilespmem:v57+s21+$0x0], $0xffff;
	v19 =	vor.u32 v17, v19  }
0x9b: {  	v59 =	vor.u32 v11, v18;
	_ =	sdelay $0x3  }
0x9c: {  	[tilespmem:v19+s26+$0x0] =	vst.idx.msk $0xffff, v58;
	v19 =	vor.u32 v21, v32  }
0x9d: {  	v20 =	vld.idx.msk [tilespmem:v59+s21+$0x0], $0xffff;
	v19 =	vor.u32 v17, v19  }
0x9e: {  	v60 =	vor.u32 v12, v18;
	_ =	sdelay $0x3  }
0x9f: {  	[tilespmem:v19+s26+$0x0] =	vst.idx.msk $0xffff, v20;
	v19 =	vor.u32 v23, v32  }
0xa0: {  	v20 =	vld.idx.msk [tilespmem:v60+s21+$0x0], $0xffff;
	v19 =	vor.u32 v17, v19  }
0xa1: {  	v61 =	vor.u32 v13, v18;
	_ =	sdelay $0x3  }
0xa2: {  	[tilespmem:v19+s26+$0x0] =	vst.idx.msk $0xffff, v20;
	v19 =	vor.u32 v24, v32  }
0xa3: {  	v20 =	vld.idx.msk [tilespmem:v61+s21+$0x0], $0xffff;
	v19 =	vor.u32 v17, v19  }
0xa4: {  	v62 =	vor.u32 v14, v18;
	_ =	sdelay $0x3  }
0xa5: {  	[tilespmem:v19+s26+$0x0] =	vst.idx.msk $0xffff, v20;
	v19 =	vor.u32 v25, v32  }
0xa6: {  	v20 =	vld.idx.msk [tilespmem:v62+s21+$0x0], $0xffff;
	v19 =	vor.u32 v17, v19  }
0xa7: {  	v63 =	vor.u32 v15, v18;
	_ =	sdelay $0x3  }
0xa8: {  	[tilespmem:v19+s26+$0x0] =	vst.idx.msk $0xffff, v20;
	v19 =	vor.u32 v26, v32  }
0xa9: {  	v20 =	vld.idx.msk [tilespmem:v63+s21+$0x0], $0xffff;
	v19 =	vor.u32 v17, v19  }
0xaa: {  	v18 =	vor.u32 v16, v18;
	_ =	sdelay $0x3  }
0xab: {  	[tilespmem:v19+s26+$0x0] =	vst.idx.msk $0xffff, v20;
	v19 =	vor.u32 v22, v32  }
0xac: {  	v18 =	vld.idx.msk [tilespmem:v18+s21+$0x0], $0xffff;
	v17 =	vor.u32 v17, v19;
	_ =	sdelay $0x1  }
0xad: {  	s0 =	sadd.s32 $0x1, s0  }
0xae: {  	p1 =	sne.s32 s0, s5  }
.Ltmp1:
0xaf: {  	s22 =	sshll.u32 s22, $0x4;
	(pc) =	sbr.rel @p1 .LBB2_2-.Ltmp1, $4  }
0xb0: {  	s22 =	sadd.s32 $0x16800, s22;
	[tilespmem:v17+s26+$0x0] =	vst.idx.msk $0xffff, v18  }
0xb1: {  	[spmem:s1] =	stream.indirect.scatter.add.f32 [tilespmem:s22], [sflag:$0x2], $0x10, s2, s28, $0xb8;
	[tilespmem:$0x1ED30] =	vst v63  }
0xb2: {  	s23 =	sadd.s32 $0x1400, s2  }
0xb3: {  	[spmem:s3] =	stream.indirect.scatter.add.f32 [tilespmem:s22], [sflag:$0x2], $0x10, s23, s28, $0xb8;
	[tilespmem:$0x1ED30] =	vst v63  }
0xb4: {  	_ =	swait.ge [sflag:s29], $0x800  }
0xb5: {  	[sflag:s29] =	ssyncset.done $0x0  }
0xb6: {  	[sflag:s29] =	ssyncadd.s32 $0xFFFFF800  }
0xb7: {  	_ =	swait.ge [sflag:s29], $0x800  }
0xb8: {  	[sflag:s29] =	ssyncset.done $0x0  }
0xb9: {  	[sflag:s29] =	ssyncadd.s32 $0xFFFFF800  }
0xba: {  	_ =	swait.ge [sflag:s29], $0x800  }
0xbb: {  	[sflag:s29] =	ssyncset.done $0x0  }
0xbc: {  	[sflag:s29] =	ssyncadd.s32 $0xFFFFF800  }
0xbd: {  	_ =	swait.ge [sflag:s29], $0x800  }
0xbe: {  	[sflag:s29] =	ssyncset.done $0x0  }
0xbf: {  	[sflag:s29] =	ssyncadd.s32 $0xFFFFF800  }
0xc0: {  	[bflag:$0x0] =	sbarrier.arrive $0xFFFF  }
0xc1: {  	[tilespmem:s30], [sflag:$0x3] =	stream.linear.gather [spmem:s10], $0x2710, $0x38;
	[tilespmem:$0x1ED30] =	vst v63  }
0xc2: {  	_ =	swait.ge [sflag:s24], $0x2710  }
0xc3: {  	[sflag:s24] =	ssyncset.done $0x0  }
0xc4: {  	[sflag:s24] =	ssyncadd.s32 $0xFFFFD8F0  }
0xc5: {  	[hbm4b:s16+s4] =	stream.linear.scatter [tilespmem:s30], [sflag:$0x3], $0x2710, $0x38;
	[tilespmem:$0x1ED30] =	vst v63  }
0xc6: {  	_ =	swait.ge [sflag:s24], $0x2710  }
0xc7: {  	[sflag:s24] =	ssyncset.done $0x0  }
0xc8: {  	[sflag:s24] =	ssyncadd.s32 $0xFFFFD8F0  }
0xc9: {  	[tilespmem:s30], [sflag:$0x3] =	stream.linear.gather [spmem:s13], $0x2710, $0x38;
	[tilespmem:$0x1ED30] =	vst v63  }
0xca: {  	s31 =	sadd.s32 $0x1, s31;
	_ =	swait.ge [sflag:s24], $0x2710  }
0xcb: {  	p1 =	sne.s32 s31, s20;
	[sflag:s24] =	ssyncset.done $0x0  }
.Ltmp2:
0xcc: {  	[sflag:s24] =	ssyncadd.s32 $0xFFFFD8F0;
	(pc) =	sbr.rel @p1 .LBB2_1-.Ltmp2, $4  }
0xcd: {  	[hbm4b:s19+s4] =	stream.linear.scatter [tilespmem:s30], [sflag:$0x3], $0x2710, $0x38;
	[tilespmem:$0x1ED30] =	vst v63  }
0xce: {  	_ =	swait.ge [sflag:s24], $0x2710  }
0xcf: {  	[sflag:s24] =	ssyncset.done $0x0  }
0xd0: {  	[sflag:s24] =	ssyncadd.s32 $0xFFFFD8F0  }
0xd1: {  	_ =	sfence.sel $0x180000  }
0xd2: {  	[bflag:$0x0] =	sbarrier.arrive $0xFFFF  }
0xd3: {  	_ =	strace $0x90000047  }
0xd4: {  	s0 =	stileid.u32;
	[bflag:$0x2] =	sbarrier.arrive $0xFFFF  }
0xd5: {  	p0 =	sne.s32 s0, $0x0;
	s0 =	rddreg [dreg:$0x5]  }
0xd6: {  	s0 =	sadd.s32 @!p0 $0x100000, s0  }
0xd7: {  	[sflag:s0] =	ssyncadd.tile.s32 @!p0 $0x1;
	_ =	shalt  }
.Lfunc_end2:
_tile_overlayer_lowered:
.L_overlay_start_2:
0xd8: {  	(tag) =	ssettag $0x2  }
0xd9: {  	s0 =	rddreg [dreg:$0x0];
	s2 =	stileid.u32  }
0xda: {  	s1 =	rddreg [dreg:$0x1];
	p0 =	sne.s32 s2, $0x0  }
0xdb: {  	s3 =	rddreg [dreg:$0x2];
	[bflag:$0x3] =	sbarrier.arrive $0xFFFF;
	s2 =	simm.s32 @!p0 $0x1C03  }
0xdc: {  	[timem:s3], [sflag:s2] =	dma.local @!p0 [hbm:s0], s1  }
0xdd: {  	s0 =	simm.s32 @!p0 $0x3  }
0xde: {  	_ =	swait.ge @!p0 [sflag:s0], s1  }
0xdf: {  	s1 =	ssub.s32 @!p0 $0x0, s1;
	[sflag:s0] =	ssyncset.done @!p0 $0x0  }
0xe0: {  	[sflag:s0] =	ssyncadd.s32 @!p0 s1  }
0xe1: {  	[bflag:$0x3] =	sbarrier.arrive $0xFFFF  }
0xe2: {  	_ =	shalt  }

// kernel: kernel.9.cloned.1.call-start
scs
__scs_entry_jumppad:
0x0: {  	(pc) =	sbr.rel $0x88, $3  }
0x1: {  	(tag) =	ssettag $0x0;
	lr =	simm.s32 $0x1  }
0x2: {  	[smem:$0x3F9C] =	sst lr;
	_ =	strace $0xD0000000  }
0x3: {  	_ = 	snop  }
0x4: {  	_ = 	snop  }
0x5: {  	_ = 	snop  }
0x6: {  	_ = 	snop  }
0x7: {  	_ = 	snop  }
__scs_overlays_trampoline_lowered:
0x8: {  	[smem:$0x3FAB] =	sst s0  }
0x9: {  	[smem:$0x3FAC] =	sst s1  }
0xa: {  	[smem:$0x3FAD] =	sst s2  }
0xb: {  	[smem:$0x3FAE] =	sst s3  }
0xc: {  	[smem:$0x3FAF] =	sst s4  }
0xd: {  	[smem:$0x3FB0] =	sst s5  }
0xe: {  	[smem:$0x3FB1] =	sst s6  }
0xf: {  	[smem:$0x3FB2] =	sst s7  }
0x10: {  	[smem:$0x3FB3] =	sst s8  }
0x11: {  	[smem:$0x3FB4] =	sst s9;
	s0 =	simm.s32 @!p0 $0x0  }
0x12: {  	s1 =	sld [smem:$0x3F9A];
	s0 =	simm.s32 @p0 $0x1  }
0x13: {  	[smem:$0x3FB5] =	sst s0;
	s0 =	simm.s32 @!p1 $0x0  }
0x14: {  	s2 =	sld [smem:$0x3F99];
	s0 =	simm.s32 @p1 $0x1  }
0x15: {  	[smem:$0x3FB6] =	sst s0;
	s0 =	simm.s32 @!p2 $0x0  }
0x16: {  	s3 =	sld [smem:$0x3FDB];
	s0 =	simm.s32 @p2 $0x1  }
0x17: {  	s4 =	simm.s32 $0x1BF5;
	[smem:$0x3FB8] =	sst s0  }
0x18: {  	s0 =	sld [smem:$0x3F9B];
	_ =	swait.ge [sflag:s4], $0x0  }
0x19: {  	s7 =	sld [smem:$0x3F9C]  }
0x1a: {  	s8 =	sadd.s32 $0xFFFFE003, lr  }
0x1b: {  	s9 =	sadd.s32 $0xFFFFFEF7, lr;
	s5 =	simm.s32 $0xFFFFFFFF;
	p2 =	slt.u32 s8, $0xFFFFF086  }
0x1c: {  	p1 =	slt.u32 s9, $0xF7A;
	s5 =	simm.s32 @!p2 $0x0  }
0x1d: {  	s5 =	simm.s32 @p1 $0x1;
	p0 =	seq.s32 s7, s2  }
0x1e: {  	s7 =	smul.u32 @!p0 $0xF7A, s2;
	p2 =	seq.s32 @!p0 s5, $0x0  }
0x1f: {  	s9 =	smul.u32 $0xF7A, s1;
	s8 =	simm.s32 @!p0 $0x1BF5;
	p2 =	por !p2, p0  }
0x20: {  	[sflag:s8] =	ssyncset.s32 @!p0 $0xFFFFF086;
	s6 =	sadd.s32 @!p0 s3, s7;
	s7 =	simm.s32 @!p0 $0x108  }
0x21: {  	s3 =	sadd.s32 s3, s9;
	s6 =	sadd.s32 @!p0 $0x88, s6;
	s7 =	simm.s32 @p2 $0x1082  }
0x22: {  	[simem:s7], [sflag:s8] =	dma.local @!p0 [hbm:s6], $0xF7A  }
0x23: {  	s9 =	sor.u32 $0xD0000000, s2;
	s6 =	simm.s32 $0x108;
	_ =	swait.ge @!p0 [sflag:s8], $0x0  }
0x24: {  	s3 =	sadd.s32 $0x88, s3;
	s6 =	simm.s32 @!p1 $0x1082;
	[sflag:s4] =	ssyncset.s32 $0xFFFFF086  }
0x25: {  	[simem:s6], [sflag:s4] =	dma.local [hbm:s3], $0xF7A  }
0x26: {  	[smem:$0x3F9C] =	sst s1;
	(tag) =	ssettag s2;
	_ =	strace s9  }
0x27: {  	s1 =	sld [smem:$0x3FAC]  }
0x28: {  	s2 =	sld [smem:$0x3FAD]  }
0x29: {  	s4 =	sld [smem:$0x3FAF]  }
0x2a: {  	p0 =	seq.s32 s5, $0x0;
	s5 =	sld [smem:$0x3FB0]  }
0x2b: {  	s6 =	sld [smem:$0x3FB1]  }
0x2c: {  	s7 =	sld [smem:$0x3FB2]  }
0x2d: {  	s3 =	simm.s32 $0x108;
	s8 =	sld [smem:$0x3FB3]  }
0x2e: {  	s3 =	simm.s32 @!p0 $0x1082;
	s9 =	sld [smem:$0x3FB4]  }
0x2f: {  	lr =	sadd.s32 s0, s3;
	s0 =	sld [smem:$0x3FAB]  }
0x30: {  	s3 =	sld [smem:$0x3FAE]  }
0x31: {  	[smem:$0x3FB7] =	sst s10  }
0x32: {  	s10 =	sld [smem:$0x3FB5];
	_ =	sdelay $0x3  }
0x33: {  	p0 =	seq.s32 s10, $0x1;
	s10 =	sld [smem:$0x3FB7];
	_ =	sdelay $0x3  }
0x34: {  	[smem:$0x3FB7] =	sst s10  }
0x35: {  	s10 =	sld [smem:$0x3FB6];
	_ =	sdelay $0x3  }
0x36: {  	p1 =	seq.s32 s10, $0x1;
	s10 =	sld [smem:$0x3FB7];
	_ =	sdelay $0x3  }
0x37: {  	[smem:$0x3FB7] =	sst s10  }
0x38: {  	s10 =	sld [smem:$0x3FB8]  }
0x39: {  	_ = 	snop;
	(pc) =	sbr.ind lr, $3  }
0x3a: {  	_ = 	snop  }
0x3b: {  	_ = 	snop  }
0x3c: {  	p2 =	seq.s32 s10, $0x1;
	s10 =	sld [smem:$0x3FB7]  }
0x3d: {  	_ =	shalt  }
0x3e: {  	_ =	shalt  }
0x3f: {  	_ =	shalt  }
0x40: {  	_ =	shalt  }
0x41: {  	_ =	shalt  }
0x42: {  	_ =	shalt  }
0x43: {  	_ =	shalt  }
0x44: {  	_ =	shalt  }
0x45: {  	_ =	shalt  }
0x46: {  	_ =	shalt  }
0x47: {  	_ =	shalt  }
0x48: {  	_ =	shalt  }
0x49: {  	_ =	shalt  }
0x4a: {  	_ =	shalt  }
0x4b: {  	_ =	shalt  }
0x4c: {  	_ =	shalt  }
0x4d: {  	_ =	shalt  }
0x4e: {  	_ =	shalt  }
0x4f: {  	_ =	shalt  }
0x50: {  	_ =	shalt  }
0x51: {  	_ =	shalt  }
0x52: {  	_ =	shalt  }
0x53: {  	_ =	shalt  }
0x54: {  	_ =	shalt  }
0x55: {  	_ =	shalt  }
0x56: {  	_ =	shalt  }
0x57: {  	_ =	shalt  }
0x58: {  	_ =	shalt  }
0x59: {  	_ =	shalt  }
0x5a: {  	_ =	shalt  }
0x5b: {  	_ =	shalt  }
0x5c: {  	_ =	shalt  }
0x5d: {  	_ =	shalt  }
0x5e: {  	_ =	shalt  }
0x5f: {  	_ =	shalt  }
0x60: {  	_ =	shalt  }
0x61: {  	_ =	shalt  }
0x62: {  	_ =	shalt  }
0x63: {  	_ =	shalt  }
0x64: {  	_ =	shalt  }
0x65: {  	_ =	shalt  }
0x66: {  	_ =	shalt  }
0x67: {  	_ =	shalt  }
0x68: {  	_ =	shalt  }
0x69: {  	_ =	shalt  }
0x6a: {  	_ =	shalt  }
0x6b: {  	_ =	shalt  }
0x6c: {  	_ =	shalt  }
0x6d: {  	_ =	shalt  }
0x6e: {  	_ =	shalt  }
0x6f: {  	_ =	shalt  }
0x70: {  	_ =	shalt  }
0x71: {  	_ =	shalt  }
0x72: {  	_ =	shalt  }
0x73: {  	_ =	shalt  }
0x74: {  	_ =	shalt  }
0x75: {  	_ =	shalt  }
0x76: {  	_ =	shalt  }
0x77: {  	_ =	shalt  }
0x78: {  	_ =	shalt  }
0x79: {  	_ =	shalt  }
0x7a: {  	_ =	shalt  }
0x7b: {  	_ =	shalt  }
0x7c: {  	_ =	shalt  }
0x7d: {  	_ =	shalt  }
0x7e: {  	_ =	shalt  }
0x7f: {  	_ =	shalt  }
0x80: {  	_ =	shalt  }
0x81: {  	_ =	shalt  }
0x82: {  	_ =	shalt  }
0x83: {  	_ =	shalt  }
0x84: {  	_ =	shalt  }
0x85: {  	_ =	shalt  }
0x86: {  	_ =	shalt  }
0x87: {  	_ =	shalt  }
.Lfunc_end0:
.L_simem_size_0:
called_computation.1_lowered:
.L_overlay_start_0:
0x88: {  	s2 =	sld [smem:$0x3FD9]  }
0x89: {  	s3 =	sld [smem:$0x3FFE];
	_ =	sdelay $0x1  }
0x8a: {  	s1 =	srdreg.scid  }
0x8b: {  	s0 =	sand.u32 $0x1, s1  }
0x8c: {  	s17 =	sshll.u32 s0, $0xA;
	s2 =	sadd.s32 s3, s2  }
0x8d: {  	s2 =	sadd.s32 s2, s17  }
0x8e: {  	[smem:$0x3FC3] =	sst s2  }
0x8f: {  	_ = 	snop  }
0x90: {  	s2 =	sld [smem:$0x3FD0];
	(tm) =	ssettm $0x1  }
0x91: {  	s18 =	sld [smem:$0x3FFB];
	_ =	sdelay $0x3  }
0x92: {  	_ =	strace s18  }
0x93: {  	s3 =	sld [smem:$0x3FFC];
	_ =	sdelay $0x3  }
0x94: {  	_ =	strace s3  }
0x95: {  	s3 =	sld [smem:$0x3FFD];
	_ =	sdelay $0x3  }
0x96: {  	_ =	strace s3  }
0x97: {  	_ =	strace $0x8FFFFFFF  }
0x98: {  	s19 =	sld [smem:$0x3FDB];
	_ =	sdelay $0x1  }
0x99: {  	s4 =	simm.s32 $_scs_section_size  }
0x9a: {  	s5 =	simm.s32 $_size__tile_overlayer_lowered;
	s6 =	simm.s32 $_tile_overlayer_lowered  }
0x9b: {  	s22 =	simm.s32 $0x1BFF;
	s21 =	sshll.u32 s6, $0x1;
	s3 =	sadd.s32 s4, s19  }
0x9c: {  	s7 =	simm.s32 $0x0;
	s20 =	sshll.u32 s5, $0x1;
	s5 =	sadd.s32 s21, s3  }
0x9d: {  	[timem:s7], [sflag:s22] =	dma.local [hbm:s5], s20  }
0x9e: {  	_ =	swait.ge [sflag:s22], s20  }
0x9f: {  	s4 =	ssub.s32 $0x0, s20;
	[sflag:s22] =	ssyncset.done $0x0  }
0xa0: {  	[sflag:s22] =	ssyncadd.s32 s4;
	_ =	sdelay $0x1  }
0xa1: {  	s23 =	simm.s32 $0x1B8B  }
0xa2: {  	_ =	swait.ge [sflag:s23], $0x1  }
0xa3: {  	[sflag:s23] =	ssyncset.done $0x0  }
0xa4: {  	s25 =	simm.s32 $0x1B8E;
	s24 =	sld [smem:$0x3FFE];
	[sflag:s23] =	ssyncadd.s32 $0xFFFFFFFF  }
0xa5: {  	s26 =	simm.s32 $execute0_lowered;
	[smem:$0x3FD2] =	sst s25  }
0xa6: {  	s5 =	sshll.u32 s26, $0x1;
	_ =	strace $0x80000049;
	[dreg:$0x1] =	wrdreg $0xFFFFFFFF  }
0xa7: {  	s28 =	simm.s32 $_size_execute0_lowered;
	s3 =	sadd.s32 s3, s5;
	[dreg:$0x0] =	wrdreg $0x0  }
0xa8: {  	s5 =	sshll.u32 s28, $0x1;
	[dreg:$0x2] =	wrdreg s3  }
0xa9: {  	[dreg:$0x3] =	wrdreg s5  }
0xaa: {  	[dreg:$0x4] =	wrdreg $0xC0  }
0xab: {  	_ =	task [dreg:s7], $0x5FFFF  }
0xac: {  	[dreg:$0x1] =	wrdreg $0xFFFFFFFF  }
0xad: {  	[dreg:$0x0] =	wrdreg $0x60  }
0xae: {  	[dreg:$0x2] =	wrdreg s2  }
0xaf: {  	[dreg:$0x3] =	wrdreg s24  }
0xb0: {  	[dreg:$0x4] =	wrdreg $0x190500  }
0xb1: {  	[dreg:$0x5] =	wrdreg $0x9  }
0xb2: {  	_ =	task.clear_ibuf [dreg:s7], $0x6FFFF;
	_ =	strace $0x90000049  }
0xb3: {  	s29 =	simm.s32 $0x9;
	_ =	strace $0x8000004B  }
0xb4: {  	_ =	swait.ge [sflag:s29], $0x1  }
0xb5: {  	[sflag:s29] =	ssyncadd.s32 $0xFFFFFFFF  }
0xb6: {  	_ =	strace $0x9000004B  }
0xb7: {  	_ =	sfence  }
0xb8: {  	s30 =	sld [smem:$0x0];
	_ =	sdelay $0x2  }
0xb9: {  	s31 =	sshll.u32 s1, $0xD;
	s1 =	sshrl.u32 s1, $0x2  }
0xba: {  	s3 =	sand.u32 $0x4000, s31;
	s1 =	sadd.s32 s1, s30  }
0xbb: {  	s0 =	sor.u32 s3, s0;
	s1 =	sshll.u32 s1, $0x11  }
0xbc: {  	s0 =	sor.u32 s1, s0  }
0xbd: {  	s0 =	sadd.s32 $0x8F2B, s0  }
0xbe: {  	[sflag:s0] =	ssyncadd.remote.s32 $0x1  }
0xbf: {  	_ =	sfence.sel $0xFFFF  }
0xc0: {  	[dreg:$0x0] =	wrdreg $0xFFFFFFFF;
	(pc) =	sbr.abs _section_cstart, $3  }
0xc1: {  	[dreg:$0x1] =	wrdreg $0xFFFFFFFF  }
0xc2: {  	_ =	task.clear_ibuf [dreg:s7], $0x2FFFF;
	_ =	strace $0x9FFFFFFF  }
0xc3: {  	(tm) =	ssettm $0x7FFFFFFF  }
tec
execute0_lowered:
.L_overlay_start_1:
0x0: {  	(tag) =	ssettag $0x1  }
0x1: {  	s0 =	srdreg.scid;
	s1 =	rddreg [dreg:$0x0]  }
0x2: {  	s9 =	stileid.u32;
	s4 =	rddreg [dreg:$0x1]  }
0x3: {  	s18 =	simm.s32 $0x3;
	s20 =	simm.s32 $0x11B20;
	s21 =	simm.s32 $0x14230  }
0x4: {  	s22 =	simm.s32 $0x16940;
	s23 =	simm.s32 $0x7D;
	s30 =	simm.s32 $0x1  }
0x5: {  	s31 =	simm.s32 $0x2;
	s0 =	sand.u32 $0x1, s0;
	s6 =	smul.u32 $0x2710, s9  }
0x6: {  	s29 =	sshll.u32 s9, $0x6;
	s2 =	sshll.u32 s0, $0x4;
	s7 =	smul.u32 $0x27100, s0  }
0x7: {  	s0 =	ssub.s32 $0x2, s0;
	s3 =	sor.u32 s9, s2;
	s2 =	rddreg [dreg:$0x2]  }
0x8: {  	s14 =	sshrl.u32 s6, $0x3;
	s8 =	sshrl.u32 s0, $0x1;
	s5 =	smul.u32 $0x500, s3  }
0x9: {  	s3 =	simm.s32 $0x0;
	s25 =	sadd.s32 s6, s7;
	s26 =	sadd.s32 s14, s4  }
0xa: {  	s0 =	ssub.s32 s0, s8;
	s7 =	sor.u32 $0x1C03, s29;
	s9 =	sadd.s32 s1, s14  }
0xb: {  	v0 =	vimm.s32 $0xFEDCBA98;
	s1 =	simm.s32 $0xCD00;
	[smem:$0x7FF] =	sst s3;
	s28 =	sadd.s32 $0xBA00, s26  }
0xc: {  	v1 =	vimm.s32 $0x76543210;
	v0 =	vunpack.c.l.s4.s8 v0;
	s11 =	sadd.s32 $0x9C40, s9;
	s12 =	sadd.s32 $0x4E20, s9;
	s13 =	sadd.s32 $0xEA60, s9  }
.Ltmp0:
0xd: {  	v1 =	vunpack.c.l.s4.s8 v1;
	s16 =	smax.u32 s0, $0x1;
	s0 =	simm.s32 $0x0;
	(pc) =	sbr.rel .LBB2_1-.Ltmp0, $4  }
0xe: {  	v0 =	vunpack.c.0.s8.s32 v0;
	_ =	strace $0x8000004A;
	s10 =	sadd.s32 s5, s4;
	s5 =	sshrl.u32 s25, $0x3  }
0xf: {  	v1 =	vunpack.c.0.s8.s32 v1;
	[dreg:$0x4] =	wrdreg s28;
	s15 =	sadd.s32 s5, s4;
	s4 =	sadd.s32 $0x1A00, s4  }
0x10: {  	v2 =	vimm.f32 $0.0e+00;
	vm0 =	vcmask $0x2320;
	v0 =	vand.u32 $0xF, v0;
	s5 =	sadd.s32 s6, s2;
	s8 =	sadd.s32 $0x1AA00, s10;
	s10 =	sadd.s32 $0x10A00, s10  }
0x11: {  	v0 =	vcombine.low v0, v1;
	v1 =	vsel vm0, $0x3F800000, v2;
	vm0 =	vmmov $0xff;
	s14 =	sadd.s32 s4, s14;
	s15 =	sadd.s32 $0x24A00, s15;
	s17 =	sshrl.u32 s5, $0x3  }
.LBB2_7:
0x12: {  	_ =	swait.ge [sflag:s31], $0x7D0  }
0x13: {  	[sflag:s31] =	ssyncset.done $0x0  }
0x14: {  	[sflag:s31] =	ssyncadd.s32 $0xFFFFF830  }
0x15: {  	_ =	swait.ge [sflag:s31], $0x7D0  }
0x16: {  	[sflag:s31] =	ssyncset.done $0x0  }
0x17: {  	[sflag:s31] =	ssyncadd.s32 $0xFFFFF830  }
0x18: {  	_ =	swait.ge [sflag:s31], $0x7D0  }
0x19: {  	[sflag:s31] =	ssyncset.done $0x0  }
0x1a: {  	[sflag:s31] =	ssyncadd.s32 $0xFFFFF830  }
0x1b: {  	_ =	swait.ge [sflag:s31], $0x7D0  }
0x1c: {  	[sflag:s31] =	ssyncset.done $0x0  }
0x1d: {  	[sflag:s31] =	ssyncadd.s32 $0xFFFFF830  }
0x1e: {  	_ =	swait.ge [sflag:s31], $0x7D0  }
0x1f: {  	[sflag:s31] =	ssyncset.done $0x0  }
0x20: {  	[sflag:s31] =	ssyncadd.s32 $0xFFFFF830  }
0x21: {  	_ =	swait.ge [sflag:s31], $0x7D0  }
0x22: {  	[sflag:s31] =	ssyncset.done $0x0  }
0x23: {  	[sflag:s31] =	ssyncadd.s32 $0xFFFFF830  }
0x24: {  	_ =	swait.ge [sflag:s31], $0x7D0  }
0x25: {  	[sflag:s31] =	ssyncset.done $0x0  }
0x26: {  	[sflag:s31] =	ssyncadd.s32 $0xFFFFF830  }
0x27: {  	_ =	swait.ge [sflag:s31], $0x7D0  }
0x28: {  	[sflag:s31] =	ssyncset.done $0x0  }
0x29: {  	[sflag:s31] =	ssyncadd.s32 $0xFFFFF830  }
0x2a: {  	[bflag:$0x0] =	sbarrier.arrive $0xFFFF  }
0x2b: {  	[tilespmem:s1], [sflag:$0x3] =	stream.linear.gather [spmem:s5], $0x2710, $0x38;
	[tilespmem:$0x1B760] =	vst v63  }
0x2c: {  	s0 =	sadd.s32 $0x1, s0;
	_ =	swait.ge [sflag:s18], $0x2710  }
0x2d: {  	p0 =	sne.s32 s0, s16;
	[sflag:s18] =	ssyncset.done $0x0  }
.Ltmp1:
0x2e: {  	[sflag:s18] =	ssyncadd.s32 $0xFFFFD8F0;
	(pc) =	sbr.rel @!p0 .LBB2_8-.Ltmp1, $4  }
0x2f: {  	[hbm4b:s15+s3] =	stream.linear.scatter [tilespmem:s1], [sflag:$0x3], $0x2710, $0x38;
	[tilespmem:$0x1B760] =	vst v63  }
0x30: {  	_ =	swait.ge [sflag:s18], $0x2710  }
0x31: {  	[sflag:s18] =	ssyncset.done $0x0  }
0x32: {  	[sflag:s18] =	ssyncadd.s32 $0xFFFFD8F0  }
.LBB2_1:
0x33: {  	s6 =	rddreg [dreg:$0x4]  }
0x34: {  	[spmem:s17], [sflag:s7] =	dma.local [hbm:s6], $0x4E2  }
0x35: {  	_ =	swait.ge [sflag:s18], $0x4E2  }
0x36: {  	[sflag:s18] =	ssyncset.done $0x0  }
0x37: {  	[sflag:s18] =	ssyncadd.s32 $0xFFFFFB1E  }
0x38: {  	[tilespmem:s3], [sflag:$0x3] =	stream.linear.gather [hbm4b:s8+s3], $0x2800, $0x38;
	[tilespmem:$0x1B760] =	vst v63  }
0x39: {  	_ =	swait.ge [sflag:s18], $0x2800  }
0x3a: {  	[sflag:s18] =	ssyncset.done $0x0  }
0x3b: {  	s28 =	simm.s32 $0x2800;
	[sflag:s18] =	ssyncadd.s32 $0xFFFFD800  }
0x3c: {  	[tilespmem:s28], [sflag:$0x3] =	stream.linear.gather [hbm4b:s10+s3], $0x2800, $0x38;
	[tilespmem:$0x1B760] =	vst v63  }
0x3d: {  	_ =	swait.ge [sflag:s18], $0x2800  }
0x3e: {  	[sflag:s18] =	ssyncset.done $0x0  }
0x3f: {  	[sflag:s18] =	ssyncadd.s32 $0xFFFFD800  }
0x40: {  	[tilespmem:s1], [sflag:$0x3] =	stream.linear.gather [hbm4b:s9+s3], $0x2710, $0x38;
	[tilespmem:$0x1B760] =	vst v63  }
0x41: {  	_ =	swait.ge [sflag:s18], $0x2710  }
0x42: {  	[sflag:s18] =	ssyncset.done $0x0  }
0x43: {  	s19 =	simm.s32 $0xF410;
	[sflag:s18] =	ssyncadd.s32 $0xFFFFD8F0  }
0x44: {  	[tilespmem:s19], [sflag:$0x3] =	stream.linear.gather [hbm4b:s11+s3], $0x2710, $0x38;
	[tilespmem:$0x1B760] =	vst v63  }
0x45: {  	_ =	swait.ge [sflag:s18], $0x2710  }
0x46: {  	[sflag:s18] =	ssyncset.done $0x0  }
0x47: {  	[sflag:s18] =	ssyncadd.s32 $0xFFFFD8F0  }
0x48: {  	[tilespmem:s20], [sflag:$0x3] =	stream.linear.gather [hbm4b:s12+s3], $0x2710, $0x38;
	[tilespmem:$0x1B760] =	vst v63  }
0x49: {  	_ =	swait.ge [sflag:s18], $0x2710  }
0x4a: {  	[sflag:s18] =	ssyncset.done $0x0  }
0x4b: {  	s24 =	simm.s32 $0x0;
	[sflag:s18] =	ssyncadd.s32 $0xFFFFD8F0  }
0x4c: {  	v2 =	vor.u32 s24, v0;
	[tilespmem:s21], [sflag:$0x3] =	stream.linear.gather [hbm4b:s13+s3], $0x2710, $0x38;
	[tilespmem:$0x1B760] =	vst v63  }
0x4d: {  	_ =	swait.ge [sflag:s18], $0x2710  }
0x4e: {  	[sflag:s18] =	ssyncset.done $0x0  }
0x4f: {  	[sflag:s18] =	ssyncadd.s32 $0xFFFFD8F0  }
0x50: {  	v3 =	vld [tilespmem:s19+$0x0]  }
0x51: {  	v4 =	vld.idx.msk [tilespmem:v2+s20+$0x0], $0xffff  }
0x52: {  	v2 =	vld.idx.msk [tilespmem:v2+s21+$0x0], $0xffff  }
0x53: {  	v5 =	vld [tilespmem:s1+$0x0];
	_ =	sdelay $0x4  }
0x54: {  	v3 =	vadd.f32 v3, v5;
	v2 =	vadd.f32 v2, v4  }
0x55: {  	s29 =	simm.s32 $0x10  }
0x56: {  	v4 =	vor.u32 s29, v0;
	v2 =	vadd.f32 v2, v3;
	_ =	sdelay $0x1  }
0x57: {  	v2 =	vsel vm0, v2, v1  }
0x58: {  	s19 =	simm.s32 $0xF420;
	[tilespmem:s22+$0x0] =	vst v2  }
0x59: {  	v2 =	vld [tilespmem:s19+$0x0]  }
0x5a: {  	v3 =	vld.idx.msk [tilespmem:v4+s20+$0x0], $0xffff  }
0x5b: {  	s24 =	simm.s32 $0xCD10;
	v4 =	vld.idx.msk [tilespmem:v4+s21+$0x0], $0xffff  }
0x5c: {  	v5 =	vld [tilespmem:s24+$0x0];
	_ =	sdelay $0x4  }
0x5d: {  	v5 =	vadd.f32 v2, v5;
	v3 =	vadd.f32 v4, v3  }
0x5e: {  	s25 =	simm.s32 $0x20  }
0x5f: {  	s26 =	simm.s32 $0x3;
	v2 =	vor.u32 s25, v0;
	s25 =	simm.s32 $0x16940;
	v3 =	vadd.f32 v3, v5  }
.LBB2_2:
0x60: {  	p0 =	sne.s32 s26, $0x270  }
0x61: {  	s25 =	sadd.s32 $0x10, s25;
	v3 =	vsel vm0, v3, v1  }
0x62: {  	s19 =	sadd.s32 $0x10, s19;
	[tilespmem:s25+$0x0] =	vst v3  }
0x63: {  	v3 =	vld [tilespmem:s19+$0x0]  }
0x64: {  	v4 =	vld.idx.msk [tilespmem:v2+s20+$0x0], $0xffff  }
0x65: {  	s24 =	sadd.s32 $0x10, s24;
	v2 =	vld.idx.msk [tilespmem:v2+s21+$0x0], $0xffff  }
0x66: {  	v5 =	vld [tilespmem:s24+$0x0];
	_ =	sdelay $0x2  }
.Ltmp2:
0x67: {  	(pc) =	sbr.rel @p0 .LBB2_2-.Ltmp2, $4  }
0x68: {  	_ = 	snop  }
0x69: {  	v4 =	vadd.f32 v2, v4;
	v3 =	vadd.f32 v3, v5  }
0x6a: {  	s28 =	sshll.u32 s26, $0x4  }
0x6b: {  	s26 =	sadd.s32 $0x1, s26;
	v2 =	vor.u32 s28, v0;
	v3 =	vadd.f32 v4, v3  }
0x6c: {  	_ = 	snop  }
0x6d: {  	s25 =	sadd.s32 $0x10, s25;
	v3 =	vsel vm0, v3, v1  }
0x6e: {  	s19 =	sadd.s32 $0x10, s19;
	[tilespmem:s25+$0x0] =	vst v3  }
0x6f: {  	v3 =	vld [tilespmem:s19+$0x0]  }
0x70: {  	v4 =	vld.idx.msk [tilespmem:v2+s20+$0x0], $0xffff  }
0x71: {  	s24 =	sadd.s32 $0x10, s24;
	v2 =	vld.idx.msk [tilespmem:v2+s21+$0x0], $0xffff  }
0x72: {  	v5 =	vld [tilespmem:s24+$0x0];
	_ =	sdelay $0x4  }
0x73: {  	v3 =	vadd.f32 v3, v5;
	v2 =	vadd.f32 v2, v4;
	_ =	sdelay $0x1  }
0x74: {  	v2 =	vadd.f32 v2, v3;
	_ =	sdelay $0x1  }
0x75: {  	s26 =	sadd.s32 $0x10, s25;
	v2 =	vsel vm0, v2, v1  }
0x76: {  	s24 =	simm.s32 $0x0;
	[tilespmem:s26+$0x0] =	vst v2  }
0x77: {  	[hbm4b:s14+s24] =	stream.linear.scatter [tilespmem:s22], [sflag:$0x3], $0x2710, $0x38;
	[tilespmem:$0x1B760] =	vst v63  }
0x78: {  	_ =	swait.ge [sflag:s18], $0x2710  }
0x79: {  	[sflag:s18] =	ssyncset.done $0x0  }
0x7a: {  	[sflag:s18] =	ssyncadd.s32 $0xFFFFD8F0  }
0x7b: {  	s6 =	simm.s32 $0x5000;
	[bflag:$0x0] =	sbarrier.arrive $0xFFFF  }
0x7c: {  	[tilespmem:s6], [sflag:$0x1] =	stream.indirect.gather [hbm4b:s4+s23], $0x10, s24, s23, $0xb8;
	[tilespmem:$0x1B760] =	vst v63  }
0x7d: {  	s28 =	simm.s32 $0x80;
	s29 =	simm.s32 $0x57D0  }
0x7e: {  	[tilespmem:s29], [sflag:$0x1] =	stream.indirect.gather [hbm4b:s4+s23], $0x10, s28, s23, $0xb8;
	[tilespmem:$0x1B760] =	vst v63  }
0x7f: {  	s25 =	simm.s32 $0x100;
	s26 =	simm.s32 $0x5FA0  }
0x80: {  	[tilespmem:s26], [sflag:$0x1] =	stream.indirect.gather [hbm4b:s4+s23], $0x10, s25, s23, $0xb8;
	[tilespmem:$0x1B760] =	vst v63  }
0x81: {  	s28 =	simm.s32 $0x180;
	s29 =	simm.s32 $0x6770  }
0x82: {  	[tilespmem:s29], [sflag:$0x1] =	stream.indirect.gather [hbm4b:s4+s23], $0x10, s28, s23, $0xb8;
	[tilespmem:$0x1B760] =	vst v63  }
0x83: {  	s25 =	simm.s32 $0x200;
	s26 =	simm.s32 $0x6F40  }
0x84: {  	[tilespmem:s26], [sflag:$0x1] =	stream.indirect.gather [hbm4b:s4+s23], $0x10, s25, s23, $0xb8;
	[tilespmem:$0x1B760] =	vst v63  }
0x85: {  	s28 =	simm.s32 $0x280;
	s29 =	simm.s32 $0x7710  }
0x86: {  	[tilespmem:s29], [sflag:$0x1] =	stream.indirect.gather [hbm4b:s4+s23], $0x10, s28, s23, $0xb8;
	[tilespmem:$0x1B760] =	vst v63  }
.Ltmp3:
0x87: {  	_ = 	snop;
	(pc) =	sbr.rel .LBB2_4-.Ltmp3, $4  }
0x88: {  	s25 =	simm.s32 $0x300;
	s26 =	simm.s32 $0x7EE0  }
0x89: {  	[tilespmem:s26], [sflag:$0x1] =	stream.indirect.gather [hbm4b:s4+s23], $0x10, s25, s23, $0xb8;
	[tilespmem:$0x1B760] =	vst v63  }
0x8a: {  	s28 =	simm.s32 $0x380;
	s29 =	simm.s32 $0x86B0  }
0x8b: {  	[tilespmem:s29], [sflag:$0x1] =	stream.indirect.gather [hbm4b:s4+s23], $0x10, s28, s23, $0xb8;
	[tilespmem:$0x1B760] =	vst v63  }
.LBB2_6:
0x8c: {  	s6 =	sshll.u32 s24, $0xA  }
0x8d: {  	s24 =	sshll.u32 s25, $0x4;
	s6 =	sand.u32 $0x3FFFFC00, s6  }
0x8e: {  	s25 =	sadd.s32 $0x5000, s24;
	s26 =	sadd.s32 $0x2800, s6  }
0x8f: {  	[spmem:s2] =	stream.indirect.scatter.add.f32 [tilespmem:s25], [sflag:$0x2], $0x10, s26, s23, $0xb8;
	[tilespmem:$0x1B760] =	vst v63  }
0x90: {  	s28 =	sadd.s32 $0x57D0, s24;
	s29 =	sadd.s32 $0x2880, s6  }
0x91: {  	[spmem:s2] =	stream.indirect.scatter.add.f32 [tilespmem:s28], [sflag:$0x2], $0x10, s29, s23, $0xb8;
	[tilespmem:$0x1B760] =	vst v63  }
0x92: {  	s28 =	sadd.s32 $0x5FA0, s24;
	s29 =	sadd.s32 $0x2900, s6  }
0x93: {  	[spmem:s2] =	stream.indirect.scatter.add.f32 [tilespmem:s28], [sflag:$0x2], $0x10, s29, s23, $0xb8;
	[tilespmem:$0x1B760] =	vst v63  }
0x94: {  	s28 =	sadd.s32 $0x6770, s24;
	s29 =	sadd.s32 $0x2980, s6  }
0x95: {  	[spmem:s2] =	stream.indirect.scatter.add.f32 [tilespmem:s28], [sflag:$0x2], $0x10, s29, s23, $0xb8;
	[tilespmem:$0x1B760] =	vst v63  }
0x96: {  	s28 =	sadd.s32 $0x6F40, s24;
	s29 =	sadd.s32 $0x2A00, s6  }
0x97: {  	[spmem:s2] =	stream.indirect.scatter.add.f32 [tilespmem:s28], [sflag:$0x2], $0x10, s29, s23, $0xb8;
	[tilespmem:$0x1B760] =	vst v63  }
0x98: {  	p0 =	slt.u32 s19, $0xA;
	s28 =	sadd.s32 $0x7710, s24;
	s29 =	sadd.s32 $0x2A80, s6  }
0x99: {  	[spmem:s2] =	stream.indirect.scatter.add.f32 [tilespmem:s28], [sflag:$0x2], $0x10, s29, s23, $0xb8;
	[tilespmem:$0x1B760] =	vst v63  }
.Ltmp4:
0x9a: {  	s28 =	sadd.s32 $0x7EE0, s24;
	s29 =	sadd.s32 $0x2B00, s6;
	(pc) =	sbr.rel @!p0 .LBB2_7-.Ltmp4, $4  }
0x9b: {  	[spmem:s2] =	stream.indirect.scatter.add.f32 [tilespmem:s28], [sflag:$0x2], $0x10, s29, s23, $0xb8;
	[tilespmem:$0x1B760] =	vst v63  }
0x9c: {  	s24 =	sadd.s32 $0x86B0, s24;
	s6 =	sadd.s32 $0x2B80, s6  }
0x9d: {  	[spmem:s2] =	stream.indirect.scatter.add.f32 [tilespmem:s24], [sflag:$0x2], $0x10, s6, s23, $0xb8;
	[tilespmem:$0x1B760] =	vst v63  }
0x9e: {  	s24 =	smov.u32 s19  }
.LBB2_4:
0x9f: {  	_ =	swait.ge [sflag:s30], $0x7D0  }
0xa0: {  	[sflag:s30] =	ssyncset.done $0x0  }
0xa1: {  	[sflag:s30] =	ssyncadd.s32 $0xFFFFF830  }
0xa2: {  	_ =	swait.ge [sflag:s30], $0x7D0  }
0xa3: {  	[sflag:s30] =	ssyncset.done $0x0  }
0xa4: {  	[sflag:s30] =	ssyncadd.s32 $0xFFFFF830  }
0xa5: {  	_ =	swait.ge [sflag:s30], $0x7D0  }
0xa6: {  	[sflag:s30] =	ssyncset.done $0x0  }
0xa7: {  	[sflag:s30] =	ssyncadd.s32 $0xFFFFF830  }
0xa8: {  	_ =	swait.ge [sflag:s30], $0x7D0  }
0xa9: {  	[sflag:s30] =	ssyncset.done $0x0  }
0xaa: {  	[sflag:s30] =	ssyncadd.s32 $0xFFFFF830  }
0xab: {  	_ =	swait.ge [sflag:s30], $0x7D0  }
0xac: {  	[sflag:s30] =	ssyncset.done $0x0  }
0xad: {  	[sflag:s30] =	ssyncadd.s32 $0xFFFFF830  }
0xae: {  	_ =	swait.ge [sflag:s30], $0x7D0  }
0xaf: {  	[sflag:s30] =	ssyncset.done $0x0  }
0xb0: {  	[sflag:s30] =	ssyncadd.s32 $0xFFFFF830  }
0xb1: {  	_ =	swait.ge [sflag:s30], $0x7D0  }
0xb2: {  	[sflag:s30] =	ssyncset.done $0x0  }
0xb3: {  	[sflag:s30] =	ssyncadd.s32 $0xFFFFF830  }
0xb4: {  	_ =	swait.ge [sflag:s30], $0x7D0  }
0xb5: {  	p0 =	seq.s32 s24, $0x0;
	[sflag:s30] =	ssyncset.done $0x0  }
0xb6: {  	s19 =	simm.s32 @!p0 $0x2;
	[sflag:s30] =	ssyncadd.s32 $0xFFFFF830  }
0xb7: {  	_ =	swait.ge @!p0 [sflag:s19], $0x7D0  }
0xb8: {  	[sflag:s19] =	ssyncset.done @!p0 $0x0  }
0xb9: {  	[sflag:s19] =	ssyncadd.s32 @!p0 $0xFFFFF830  }
0xba: {  	_ =	swait.ge @!p0 [sflag:s19], $0x7D0  }
0xbb: {  	[sflag:s19] =	ssyncset.done @!p0 $0x0  }
0xbc: {  	[sflag:s19] =	ssyncadd.s32 @!p0 $0xFFFFF830  }
0xbd: {  	_ =	swait.ge @!p0 [sflag:s19], $0x7D0  }
0xbe: {  	[sflag:s19] =	ssyncset.done @!p0 $0x0  }
0xbf: {  	[sflag:s19] =	ssyncadd.s32 @!p0 $0xFFFFF830  }
0xc0: {  	_ =	swait.ge @!p0 [sflag:s19], $0x7D0  }
0xc1: {  	[sflag:s19] =	ssyncset.done @!p0 $0x0  }
0xc2: {  	[sflag:s19] =	ssyncadd.s32 @!p0 $0xFFFFF830  }
0xc3: {  	_ =	swait.ge @!p0 [sflag:s19], $0x7D0  }
0xc4: {  	[sflag:s19] =	ssyncset.done @!p0 $0x0  }
0xc5: {  	[sflag:s19] =	ssyncadd.s32 @!p0 $0xFFFFF830  }
0xc6: {  	_ =	swait.ge @!p0 [sflag:s19], $0x7D0  }
0xc7: {  	[sflag:s19] =	ssyncset.done @!p0 $0x0  }
0xc8: {  	p2 =	seq.s32 @!p0 s24, $0x9;
	[sflag:s19] =	ssyncadd.s32 @!p0 $0xFFFFF830  }
0xc9: {  	p2 =	por p0, !p2;
	_ =	swait.ge @!p0 [sflag:s19], $0x7D0  }
.Ltmp5:
0xca: {  	[sflag:s19] =	ssyncset.done @!p0 $0x0;
	(pc) =	sbr.rel @!p2 .LBB2_6-.Ltmp5, $4  }
0xcb: {  	[sflag:s19] =	ssyncadd.s32 @!p0 $0xFFFFF830  }
0xcc: {  	s25 =	sand.u32 $0x1, s24;
	_ =	swait.ge @!p0 [sflag:s19], $0x7D0  }
0xcd: {  	p1 =	seq.s32 s25, $0x1;
	s25 =	simm.s32 $0x3E8;
	[sflag:s19] =	ssyncset.done @!p0 $0x0  }
0xce: {  	s25 =	simm.s32 @!p1 $0x0;
	[sflag:s19] =	ssyncadd.s32 @!p0 $0xFFFFF830;
	s19 =	simm.s32 @!p0 $0xA  }
0xcf: {  	s19 =	sadd.s32 @!p0 $0x1, s24  }
0xd0: {  	s19 =	simm.s32 @p0 $0x1  }
0xd1: {  	s26 =	sshll.u32 s25, $0x4;
	s28 =	sshll.u32 s19, $0xA  }
0xd2: {  	s29 =	ssub.s32 $0x8E80, s26;
	s28 =	sand.u32 $0x3FFFFC00, s28  }
0xd3: {  	[tilespmem:s29], [sflag:$0x1] =	stream.indirect.gather [hbm4b:s4+s23], $0x10, s28, s23, $0xb8;
	[tilespmem:$0x1B760] =	vst v63  }
0xd4: {  	s29 =	ssub.s32 $0x9650, s26;
	s6 =	sor.u32 $0x80, s28  }
0xd5: {  	[tilespmem:s29], [sflag:$0x1] =	stream.indirect.gather [hbm4b:s4+s23], $0x10, s6, s23, $0xb8;
	[tilespmem:$0x1B760] =	vst v63  }
0xd6: {  	s6 =	ssub.s32 $0x9E20, s26;
	s29 =	sor.u32 $0x100, s28  }
0xd7: {  	[tilespmem:s6], [sflag:$0x1] =	stream.indirect.gather [hbm4b:s4+s23], $0x10, s29, s23, $0xb8;
	[tilespmem:$0x1B760] =	vst v63  }
0xd8: {  	s6 =	ssub.s32 $0xA5F0, s26;
	s29 =	sor.u32 $0x180, s28  }
0xd9: {  	[tilespmem:s6], [sflag:$0x1] =	stream.indirect.gather [hbm4b:s4+s23], $0x10, s29, s23, $0xb8;
	[tilespmem:$0x1B760] =	vst v63  }
0xda: {  	s6 =	ssub.s32 $0xADC0, s26;
	s29 =	sor.u32 $0x200, s28  }
0xdb: {  	[tilespmem:s6], [sflag:$0x1] =	stream.indirect.gather [hbm4b:s4+s23], $0x10, s29, s23, $0xb8;
	[tilespmem:$0x1B760] =	vst v63  }
0xdc: {  	s6 =	ssub.s32 $0xB590, s26;
	s29 =	sor.u32 $0x280, s28  }
0xdd: {  	[tilespmem:s6], [sflag:$0x1] =	stream.indirect.gather [hbm4b:s4+s23], $0x10, s29, s23, $0xb8;
	[tilespmem:$0x1B760] =	vst v63  }
.Ltmp6:
0xde: {  	_ = 	snop;
	(pc) =	sbr.rel .LBB2_6-.Ltmp6, $4  }
0xdf: {  	s6 =	ssub.s32 $0xBD60, s26;
	s29 =	sor.u32 $0x300, s28  }
0xe0: {  	[tilespmem:s6], [sflag:$0x1] =	stream.indirect.gather [hbm4b:s4+s23], $0x10, s29, s23, $0xb8;
	[tilespmem:$0x1B760] =	vst v63  }
0xe1: {  	s26 =	ssub.s32 $0xC530, s26;
	s29 =	sor.u32 $0x380, s28  }
0xe2: {  	[tilespmem:s26], [sflag:$0x1] =	stream.indirect.gather [hbm4b:s4+s23], $0x10, s29, s23, $0xb8;
	[tilespmem:$0x1B760] =	vst v63  }
.LBB2_8:
0xe3: {  	_ =	sfence.sel $0x180000  }
0xe4: {  	[bflag:$0x0] =	sbarrier.arrive $0xFFFF  }
0xe5: {  	_ =	strace $0x9000004A  }
0xe6: {  	s0 =	stileid.u32;
	[bflag:$0x2] =	sbarrier.arrive $0xFFFF  }
0xe7: {  	p0 =	sne.s32 s0, $0x0;
	s0 =	rddreg [dreg:$0x3]  }
0xe8: {  	s0 =	sadd.s32 @!p0 $0x100000, s0  }
0xe9: {  	[sflag:s0] =	ssyncadd.tile.s32 @!p0 $0x1;
	_ =	shalt  }
.Lfunc_end2:
_tile_overlayer_lowered:
.L_overlay_start_2:
0xea: {  	(tag) =	ssettag $0x2  }
0xeb: {  	s0 =	rddreg [dreg:$0x0];
	s2 =	stileid.u32  }
0xec: {  	s1 =	rddreg [dreg:$0x1];
	p0 =	sne.s32 s2, $0x0  }
0xed: {  	s3 =	rddreg [dreg:$0x2];
	[bflag:$0x3] =	sbarrier.arrive $0xFFFF;
	s2 =	simm.s32 @!p0 $0x1C03  }
0xee: {  	[timem:s3], [sflag:s2] =	dma.local @!p0 [hbm:s0], s1  }
0xef: {  	s0 =	simm.s32 @!p0 $0x3  }
0xf0: {  	_ =	swait.ge @!p0 [sflag:s0], s1  }
0xf1: {  	s1 =	ssub.s32 @!p0 $0x0, s1;
	[sflag:s0] =	ssyncset.done @!p0 $0x0  }
0xf2: {  	[sflag:s0] =	ssyncadd.s32 @!p0 s1  }
0xf3: {  	[bflag:$0x3] =	sbarrier.arrive $0xFFFF  }
0xf4: {  	_ =	shalt  }

</sc_bundles>
